<compile_context>
chip_gen: v7x
topology: tpu7x:2x2x1
jax: 0.10.2.dev20260603
libtpu: 0.0.44.dev20260713+nightly
codegen_flags: <defaults>
</compile_context>

<pallas_src>
import functools

import jax
import jax.numpy as jnp
from jax import lax
from jax.experimental import pallas as pl
from jax.experimental.pallas import tpu as pltpu
from jax.experimental.pallas import tpu_sc as plsc

N = 10000
M = 5000
P = 320000
F_IN = 128
DIM = 64
NUM_CLASS = 40

N_PAD = 10240
M_PAD = 5120
TILES = 32
WIN = 100


def _sc_pool(y, src, dst, n_seg_pad, fp):
    per_tile = P // TILES
    n_win = per_tile // WIN
    nbuf = 4
    zrows = n_seg_pad // 16
    mesh = plsc.VectorSubcoreMesh(core_axis_name="c", subcore_axis_name="s")

    @functools.partial(
        pl.kernel,
        out_type=jax.ShapeDtypeStruct((2, n_seg_pad, fp), jnp.float32),
        mesh=mesh,
        compiler_params=pltpu.CompilerParams(use_tc_tiling_on_sc=False),
        scratch_types=[
            pltpu.VMEM((n_win, WIN), jnp.int32),
            pltpu.VMEM((n_win, WIN), jnp.int32),
            pltpu.VMEM((32, fp), jnp.float32),
            pltpu.VMEM_SHARED((n_seg_pad, fp), jnp.float32),
        ]
        + [pltpu.VMEM((WIN, fp), jnp.float32)] * nbuf
        + [pltpu.SemaphoreType.DMA] * (2 * nbuf),
    )
    def k(y_hbm, src_hbm, dst_hbm, out_hbm, sidx, didx, zbuf, acc, *bufs):
        rows_ = bufs[:nbuf]
        gsem_ = bufs[nbuf:2 * nbuf]
        ssem_ = bufs[2 * nbuf:]
        c = lax.axis_index("c")
        s = lax.axis_index("s")
        tid = c * 16 + s

        zv = jnp.zeros((16,), jnp.float32)

        @pl.loop(0, 32)
        def _(r):
            @pl.loop(0, fp, step=16)
            def _(j):
                zbuf[r, pl.ds(j, 16)] = zv

        pltpu.sync_copy(src_hbm.at[tid], sidx)
        pltpu.sync_copy(dst_hbm.at[tid], didx)

        @pl.loop(0, zrows, step=32)
        def _(r):
            pltpu.sync_copy(zbuf, acc.at[pl.ds(s * zrows + r, 32)])

        plsc.subcore_barrier()

        for b in range(nbuf):
            pltpu.async_copy(y_hbm.at[sidx.at[b]], rows_[b], gsem_[b])

        @pl.loop(0, n_win, step=nbuf)
        def _(w):
            for b in range(nbuf):
                pltpu.make_async_copy(y_hbm.at[sidx.at[w + b]],
                                      rows_[b], gsem_[b]).wait()
                pltpu.async_copy(rows_[b], acc.at[didx.at[w + b]],
                                 ssem_[b], add=True)
            for b in range(nbuf):
                pltpu.make_async_copy(rows_[b], acc.at[didx.at[w + b]],
                                      ssem_[b]).wait()

                @pl.when(w + b + nbuf < n_win)
                def _():
                    pltpu.async_copy(y_hbm.at[sidx.at[w + b + nbuf]],
                                     rows_[b], gsem_[b])

        plsc.subcore_barrier()
        pltpu.sync_copy(acc.at[pl.ds(s * zrows, zrows)],
                        out_hbm.at[c, pl.ds(s * zrows, zrows)])

    return k(y, src.reshape(TILES, n_win, WIN), dst.reshape(TILES, n_win, WIN))


def _e0(n):
    return (lax.broadcasted_iota(jnp.int32, (1, n), 1) == 0).astype(jnp.float32)


def _ln(x, g, b):
    mu = jnp.mean(x, axis=-1, keepdims=True)
    var = jnp.mean((x - mu) ** 2, axis=-1, keepdims=True)
    return (x - mu) * jax.lax.rsqrt(var + 1e-5) * g + b


def _aug(x, wk, q, fpad):
    ew = jnp.exp(x @ (wk @ q))
    return jnp.concatenate([x * ew, ew * _e0(fpad)], axis=1)


def _tc1_body(x_ref, wk_ref, q_ref, o_ref):
    o_ref[:] = _aug(x_ref[:], wk_ref[:], q_ref[:], 16)


def _edge_stage_body(fin, parts_ref, wv_ref, we_ref, be_ref, ge_ref, bbe_ref,
                     wkn_ref, qn_ref, o_ref):
    p = parts_ref[0] + parts_ref[1]
    denom = p[:, fin:fin + 1]
    h = p[:, :fin] / (denom + 1e-9)
    e1 = jnp.maximum(h @ wv_ref[:], 0.0)
    e2 = jnp.maximum(_ln(e1 @ we_ref[:] + be_ref[:], ge_ref[:], bbe_ref[:]), 0.0)
    o_ref[:] = _aug(e2, wkn_ref[:], qn_ref[:], 16)


def _node_stage_body(last, parts_ref, x_ref, wvn_ref, wna_ref, wnb_ref, bn_ref,
                     gn_ref, bbn_ref, *rest):
    p = parts_ref[0] + parts_ref[1]
    p = p[:N]
    nf = jnp.maximum((p[:, :DIM] / (p[:, DIM:DIM + 1] + 1e-9)) @ wvn_ref[:], 0.0)
    z = x_ref[:] @ wna_ref[:] + nf @ wnb_ref[:] + bn_ref[:]
    x1 = jnp.maximum(_ln(z, gn_ref[:], bbn_ref[:]), 0.0)
    if last:
        wc_ref, bc_ref, o_ref = rest
        lg = x1 @ wc_ref[:] + bc_ref[:]
        m = jnp.max(lg, axis=-1, keepdims=True)
        ex = jnp.exp(lg - m)
        o_ref[:] = (lg - m) - jnp.log(jnp.sum(ex, axis=-1, keepdims=True))
    else:
        wk_ref, q_ref, x1_ref, y_ref = rest
        x1_ref[:] = x1
        y_ref[:] = _aug(x1, wk_ref[:], q_ref[:], 16)


def _f32(shape):
    return jax.ShapeDtypeStruct(shape, jnp.float32)


def kernel(node_x, n2e_src, n2e_dst, e2n_src, e2n_dst, params):
    p0, p1 = params["l0"], params["l1"]

    def row(v):
        return v.reshape(1, -1)

    def col(v):
        return v.reshape(-1, 1)

    y0 = pl.pallas_call(_tc1_body, out_shape=_f32((N, F_IN + 16)))(
        node_x, p0["Wk_e"], col(p0["q_e"]))
    parts = _sc_pool(y0, n2e_src, n2e_dst, M_PAD, F_IN + 16)

    y0b = pl.pallas_call(functools.partial(_edge_stage_body, F_IN),
                         out_shape=_f32((M_PAD, DIM + 16)))(
        parts, p0["Wv_e"], p0["We"], row(p0["be"]), row(p0["ge"]),
        row(p0["bbe"]), p0["Wk_n"], col(p0["q_n"]))
    parts = _sc_pool(y0b, e2n_src, e2n_dst, N_PAD, DIM + 16)

    x1, y1 = pl.pallas_call(functools.partial(_node_stage_body, False),
                            out_shape=(_f32((N, DIM)), _f32((N, DIM + 16))))(
        parts, node_x, p0["Wv_n"], p0["Wn"][:F_IN], p0["Wn"][F_IN:],
        row(p0["bn"]), row(p0["gn"]), row(p0["bbn"]),
        p1["Wk_e"], col(p1["q_e"]))
    parts = _sc_pool(y1, n2e_src, n2e_dst, M_PAD, DIM + 16)

    y1b = pl.pallas_call(functools.partial(_edge_stage_body, DIM),
                         out_shape=_f32((M_PAD, DIM + 16)))(
        parts, p1["Wv_e"], p1["We"], row(p1["be"]), row(p1["ge"]),
        row(p1["bbe"]), p1["Wk_n"], col(p1["q_n"]))
    parts = _sc_pool(y1b, e2n_src, e2n_dst, N_PAD, DIM + 16)

    out = pl.pallas_call(functools.partial(_node_stage_body, True),
                         out_shape=_f32((N, NUM_CLASS)))(
        parts, x1, p1["Wv_n"], p1["Wn"][:DIM], p1["Wn"][DIM:],
        row(p1["bn"]), row(p1["gn"]), row(p1["bbn"]),
        params["Wc"], row(params["bc"]))
    return out

# --- scband reference (transcript-rebuilt; emitter-appended) ---
"""Pipeline reference for scband-shgnn-89077621719428 (READ-ONLY COPY).

The authoritative reference and input builder live on the scoring server;
editing this copy changes nothing except your own understanding.
"""

import jax, jax.numpy as jnp
import numpy as np

N = 10000
M = 5000
P = 320000
F_IN = 128
DIM = 64
NUM_CLASS = 40
NUM_LAYERS = 2


def setup_inputs():
    keys = iter(jax.random.split(jax.random.key(0), 64))

    def rn(shape, scale=1.0):
        return jax.random.normal(next(keys), shape, dtype=jnp.float32) * scale

    node_x = rn((N, F_IN))
    n2e_src = jax.random.randint(next(keys), (P,), 0, N)
    n2e_dst = jnp.sort(jax.random.randint(next(keys), (P,), 0, M))
    e2n_src = jax.random.randint(next(keys), (P,), 0, M)
    e2n_dst = jnp.sort(jax.random.randint(next(keys), (P,), 0, N))
    params = {"Wc": rn((DIM, NUM_CLASS), 1.0 / np.sqrt(DIM)),
              "bc": jnp.zeros((NUM_CLASS,), jnp.float32)}
    for l in range(NUM_LAYERS):
        n2e_in = F_IN if l == 0 else DIM
        cat_in = (F_IN if l == 0 else DIM) + DIM
        s1 = 1.0 / np.sqrt(n2e_in)
        s2 = 1.0 / np.sqrt(DIM)
        s3 = 1.0 / np.sqrt(cat_in)
        params["l%d" % l] = {
            "Wk_e": rn((n2e_in, DIM), s1), "q_e": rn((DIM,), s2), "Wv_e": rn((n2e_in, DIM), s1),
            "We": rn((DIM, DIM), s2), "be": jnp.zeros((DIM,), jnp.float32),
            "ge": jnp.ones((DIM,), jnp.float32), "bbe": jnp.zeros((DIM,), jnp.float32),
            "Wk_n": rn((DIM, DIM), s2), "q_n": rn((DIM,), s2), "Wv_n": rn((DIM, DIM), s2),
            "Wn": rn((cat_in, DIM), s3), "bn": jnp.zeros((DIM,), jnp.float32),
            "gn": jnp.ones((DIM,), jnp.float32), "bbn": jnp.zeros((DIM,), jnp.float32)}
    return {"node_x": node_x, "n2e_src": n2e_src, "n2e_dst": n2e_dst,
            "e2n_src": e2n_src, "e2n_dst": e2n_dst, "params": params}


def _ln(x, g, b):
    mu = jnp.mean(x, axis=-1, keepdims=True)
    var = jnp.mean((x - mu) ** 2, axis=-1, keepdims=True)
    return (x - mu) / jnp.sqrt(var + 1e-5) * g + b


def _pma(x, src, dst, Wk, q, Wv, num_segments):
    # PMA-style attention pooling: gather member features, score vs seed q,
    # segment softmax over members of each segment, weighted segment-sum.
    g = jnp.take(x, src, axis=0)
    s = (g @ Wk) @ q
    v = g @ Wv
    m = jax.ops.segment_max(s, dst, num_segments=num_segments)
    m = jnp.where(jnp.isfinite(m), m, 0.0)
    e = jnp.exp(s - jnp.take(m, dst))
    denom = jax.ops.segment_sum(e, dst, num_segments=num_segments)
    w = e / (jnp.take(denom, dst) + 1e-9)
    return jax.ops.segment_sum(w[:, None] * v, dst, num_segments=num_segments)


def reference(node_x, n2e_src, n2e_dst, e2n_src, e2n_dst, params):
    x = node_x
    for l in range(NUM_LAYERS):
        p = params["l%d" % l]
        # node -> hyperedge pooling (N2E_pooling), relu (dropout off in eval)
        e = jax.nn.relu(_pma(x, n2e_src, n2e_dst, p["Wk_e"], p["q_e"], p["Wv_e"], M))
        # EdgeUpdate: Linear -> LayerNorm -> ReLU
        e = jax.nn.relu(_ln(e @ p["We"] + p["be"], p["ge"], p["bbe"]))
        # hyperedge -> node pooling (E2N_pooling), relu
        n = jax.nn.relu(_pma(e, e2n_src, e2n_dst, p["Wk_n"], p["q_n"], p["Wv_n"], N))
        # concat residual node features, NodeUpdate: Linear -> LayerNorm -> ReLU
        x = jnp.concatenate([x, n], axis=1)
        x = jax.nn.relu(_ln(x @ p["Wn"] + p["bn"], p["gn"], p["bbn"]))
    logits = x @ params["Wc"] + params["bc"]
    return jax.nn.log_softmax(logits, axis=-1)

if __name__ == "__main__":
    import jax
    _d = setup_inputs()
    print(jax.jit(kernel)(*tuple(_d.values())))

</pallas_src>

<mosaic_0001>
#map = affine_map<(d0, d1) -> (0, 0)>
#map1 = affine_map<(d0, d1) -> (0, 0, 0)>
module attributes {stable_mosaic.version = 14 : i64} {
  func.func @k(%arg0: i32, %arg1: i32, %arg2: memref<5120x80xf32, #tpu.memory_space<hbm>>, %arg3: memref<32x100x100xi32, #tpu.memory_space<hbm>>, %arg4: memref<32x100x100xi32, #tpu.memory_space<hbm>>, %arg5: memref<2x10240x80xf32, #tpu.memory_space<hbm>>, %arg6: memref<100x100xi32, #tpu.memory_space<vmem>>, %arg7: memref<100x100xi32, #tpu.memory_space<vmem>>, %arg8: memref<32x80xf32, #tpu.memory_space<vmem>>, %arg9: memref<10240x80xf32, #tpu.memory_space<vmem_shared>>, %arg10: memref<100x80xf32, #tpu.memory_space<vmem>>, %arg11: memref<100x80xf32, #tpu.memory_space<vmem>>, %arg12: memref<100x80xf32, #tpu.memory_space<vmem>>, %arg13: memref<100x80xf32, #tpu.memory_space<vmem>>, %arg14: memref<!tpu.dma_semaphore, #tpu.memory_space<semaphore_mem>>, %arg15: memref<!tpu.dma_semaphore, #tpu.memory_space<semaphore_mem>>, %arg16: memref<!tpu.dma_semaphore, #tpu.memory_space<semaphore_mem>>, %arg17: memref<!tpu.dma_semaphore, #tpu.memory_space<semaphore_mem>>, %arg18: memref<!tpu.dma_semaphore, #tpu.memory_space<semaphore_mem>>, %arg19: memref<!tpu.dma_semaphore, #tpu.memory_space<semaphore_mem>>, %arg20: memref<!tpu.dma_semaphore, #tpu.memory_space<semaphore_mem>>, %arg21: memref<!tpu.dma_semaphore, #tpu.memory_space<semaphore_mem>>) attributes {dimension_semantics = [#tpu.dimension_semantics<core_parallel>, #tpu.dimension_semantics<subcore_parallel>], iteration_bounds = array<i64: 2, 16>, scalar_prefetch = 0 : i64, scratch_operands = 16 : i64, tpu.core_type = #tpu.core_type<sc_vector_subcore>, window_params = [{transform_indices = #map}, {transform_indices = #map1}, {transform_indices = #map1}, {transform_indices = #map1}]} {
    %mul3A = arith.constant 16 : i32
    %mul3A_0 = arith.muli %arg0, %mul3A : i32
    %add3A = arith.addi %mul3A_0, %arg1 : i32
    %broadcast_in_dim3A = arith.constant 0.000000e+00 : f32
    %broadcast_in_dim3A_1 = vector.broadcast %broadcast_in_dim3A : f32 to vector<16xf32>
    %scan3A = arith.constant 0 : i32
    %scan3A_2 = arith.constant 32 : i32
    %scan3A_3 = arith.addi %scan3A, %scan3A_2 : i32
    %scan3A_4 = arith.constant 1 : i32
    scf.for %scan3A_48 = %scan3A to %scan3A_3 step %scan3A_4  : i32 {
      %mul3A_49 = arith.constant 1 : i32
      %mul3A_50 = arith.muli %scan3A_48, %mul3A_49 : i32
      %add3A_51 = arith.constant 0 : i32
      %add3A_52 = arith.addi %add3A_51, %mul3A_50 : i32
      %scan3A_53 = arith.constant 0 : i32
      %scan3A_54 = arith.constant 5 : i32
      %scan3A_55 = arith.addi %scan3A_53, %scan3A_54 : i32
      %scan3A_56 = arith.constant 1 : i32
      scf.for %scan3A_58 = %scan3A_53 to %scan3A_55 step %scan3A_56  : i32 {
        %mul3A_59 = arith.constant 16 : i32
        %mul3A_60 = arith.muli %scan3A_58, %mul3A_59 : i32
        %add3A_61 = arith.constant 0 : i32
        %add3A_62 = arith.addi %add3A_61, %mul3A_60 : i32
        %swap3A = arith.index_cast %add3A_52 : i32 to index
        %swap3A_63 = arith.index_cast %add3A_62 : i32 to index
        %swap3A_64 = tpu.vector_load %arg8[%swap3A, %swap3A_63] {strides = array<i32>} : memref<32x80xf32, #tpu.memory_space<vmem>>, vector<1x16xf32>,
        %swap3A_65 = vector.shape_cast %swap3A_64 : vector<1x16xf32> to vector<16xf32>
        %swap3A_66 = vector.shape_cast %broadcast_in_dim3A_1 : vector<16xf32> to vector<1x16xf32>
        tpu.vector_store %arg8[%swap3A, %swap3A_63], %swap3A_66 {strides = array<i32>} : memref<32x80xf32, #tpu.memory_space<vmem>>, vector<1x16xf32>,
      }
      %scan3A_57 = arith.constant 5 : i32
    }
    %scan3A_5 = arith.constant 32 : i32
    "tpu.region"() ({
      %run_scoped3A = tpu.sem_alloc : memref<!tpu.dma_semaphore, #tpu.memory_space<semaphore_mem>>
      %dma_start3A_48 = arith.constant 0 : i32
      %dma_start3A_49 = arith.constant 0 : i32
      %dma_start3A_50 = tpu.memref_slice %arg3[%add3A, %dma_start3A_48, %dma_start3A_49] : memref<32x100x100xi32, #tpu.memory_space<hbm>> -> memref<1x100x100xi32, #tpu.memory_space<hbm>>
      %dma_start3A_51 = tpu.memref_squeeze %dma_start3A_50 : memref<1x100x100xi32, #tpu.memory_space<hbm>> -> memref<100x100xi32, #tpu.memory_space<hbm>>
      %dma_start3A_52 = arith.constant 0 : i32
      %dma_start3A_53 = arith.constant 0 : i32
      %dma_start3A_54 = tpu.memref_slice %arg3[%add3A, %dma_start3A_52, %dma_start3A_53] : memref<32x100x100xi32, #tpu.memory_space<hbm>> -> memref<1x100x100xi32, #tpu.memory_space<hbm>>
      %dma_start3A_55 = tpu.memref_squeeze %dma_start3A_54 : memref<1x100x100xi32, #tpu.memory_space<hbm>> -> memref<100x100xi32, #tpu.memory_space<hbm>>
      tpu.enqueue_dma source(%dma_start3A_55 : memref<100x100xi32, #tpu.memory_space<hbm>>) target(%arg6 : memref<100x100xi32, #tpu.memory_space<vmem>>) target_semaphore(%run_scoped3A : memref<!tpu.dma_semaphore, #tpu.memory_space<semaphore_mem>>)
      %dma_wait3A = arith.constant 0 : i32
      %dma_wait3A_56 = arith.constant 0 : i32
      %dma_wait3A_57 = tpu.memref_slice %arg3[%add3A, %dma_wait3A, %dma_wait3A_56] : memref<32x100x100xi32, #tpu.memory_space<hbm>> -> memref<1x100x100xi32, #tpu.memory_space<hbm>>
      %dma_wait3A_58 = tpu.memref_squeeze %dma_wait3A_57 : memref<1x100x100xi32, #tpu.memory_space<hbm>> -> memref<100x100xi32, #tpu.memory_space<hbm>>
      %dma_wait3A_59 = arith.constant 0 : i32
      %dma_wait3A_60 = arith.constant 0 : i32
      %dma_wait3A_61 = tpu.memref_slice %arg3[%add3A, %dma_wait3A_59, %dma_wait3A_60] : memref<32x100x100xi32, #tpu.memory_space<hbm>> -> memref<1x100x100xi32, #tpu.memory_space<hbm>>
      %dma_wait3A_62 = tpu.memref_squeeze %dma_wait3A_61 : memref<1x100x100xi32, #tpu.memory_space<hbm>> -> memref<100x100xi32, #tpu.memory_space<hbm>>
      tpu.wait_dma2 semaphore(%run_scoped3A : memref<!tpu.dma_semaphore, #tpu.memory_space<semaphore_mem>>) src(%dma_wait3A_62 : memref<100x100xi32, #tpu.memory_space<hbm>>) dst(%arg6 : memref<100x100xi32, #tpu.memory_space<vmem>>)
      tpu.yield
    }) : () -> ()
    "tpu.region"() ({
      %run_scoped3A = tpu.sem_alloc : memref<!tpu.dma_semaphore, #tpu.memory_space<semaphore_mem>>
      %dma_start3A_48 = arith.constant 0 : i32
      %dma_start3A_49 = arith.constant 0 : i32
      %dma_start3A_50 = tpu.memref_slice %arg4[%add3A, %dma_start3A_48, %dma_start3A_49] : memref<32x100x100xi32, #tpu.memory_space<hbm>> -> memref<1x100x100xi32, #tpu.memory_space<hbm>>
      %dma_start3A_51 = tpu.memref_squeeze %dma_start3A_50 : memref<1x100x100xi32, #tpu.memory_space<hbm>> -> memref<100x100xi32, #tpu.memory_space<hbm>>
      %dma_start3A_52 = arith.constant 0 : i32
      %dma_start3A_53 = arith.constant 0 : i32
      %dma_start3A_54 = tpu.memref_slice %arg4[%add3A, %dma_start3A_52, %dma_start3A_53] : memref<32x100x100xi32, #tpu.memory_space<hbm>> -> memref<1x100x100xi32, #tpu.memory_space<hbm>>
      %dma_start3A_55 = tpu.memref_squeeze %dma_start3A_54 : memref<1x100x100xi32, #tpu.memory_space<hbm>> -> memref<100x100xi32, #tpu.memory_space<hbm>>
      tpu.enqueue_dma source(%dma_start3A_55 : memref<100x100xi32, #tpu.memory_space<hbm>>) target(%arg7 : memref<100x100xi32, #tpu.memory_space<vmem>>) target_semaphore(%run_scoped3A : memref<!tpu.dma_semaphore, #tpu.memory_space<semaphore_mem>>)
      %dma_wait3A = arith.constant 0 : i32
      %dma_wait3A_56 = arith.constant 0 : i32
      %dma_wait3A_57 = tpu.memref_slice %arg4[%add3A, %dma_wait3A, %dma_wait3A_56] : memref<32x100x100xi32, #tpu.memory_space<hbm>> -> memref<1x100x100xi32, #tpu.memory_space<hbm>>
      %dma_wait3A_58 = tpu.memref_squeeze %dma_wait3A_57 : memref<1x100x100xi32, #tpu.memory_space<hbm>> -> memref<100x100xi32, #tpu.memory_space<hbm>>
      %dma_wait3A_59 = arith.constant 0 : i32
      %dma_wait3A_60 = arith.constant 0 : i32
      %dma_wait3A_61 = tpu.memref_slice %arg4[%add3A, %dma_wait3A_59, %dma_wait3A_60] : memref<32x100x100xi32, #tpu.memory_space<hbm>> -> memref<1x100x100xi32, #tpu.memory_space<hbm>>
      %dma_wait3A_62 = tpu.memref_squeeze %dma_wait3A_61 : memref<1x100x100xi32, #tpu.memory_space<hbm>> -> memref<100x100xi32, #tpu.memory_space<hbm>>
      tpu.wait_dma2 semaphore(%run_scoped3A : memref<!tpu.dma_semaphore, #tpu.memory_space<semaphore_mem>>) src(%dma_wait3A_62 : memref<100x100xi32, #tpu.memory_space<hbm>>) dst(%arg7 : memref<100x100xi32, #tpu.memory_space<vmem>>)
      tpu.yield
    }) : () -> ()
    %scan3A_6 = arith.constant 0 : i32
    %scan3A_7 = arith.constant 20 : i32
    %scan3A_8 = arith.addi %scan3A_6, %scan3A_7 : i32
    %scan3A_9 = arith.constant 1 : i32
    scf.for %scan3A_48 = %scan3A_6 to %scan3A_8 step %scan3A_9  : i32 {
      %mul3A_49 = arith.constant 32 : i32
      %mul3A_50 = arith.muli %scan3A_48, %mul3A_49 : i32
      %add3A_51 = arith.constant 0 : i32
      %add3A_52 = arith.addi %add3A_51, %mul3A_50 : i32
      %mul3A_53 = arith.constant 640 : i32
      %mul3A_54 = arith.muli %arg1, %mul3A_53 : i32
      %add3A_55 = arith.addi %mul3A_54, %add3A_52 : i32
      "tpu.region"() ({
        %run_scoped3A = tpu.sem_alloc : memref<!tpu.dma_semaphore, #tpu.memory_space<semaphore_mem>>
        %dma_start3A_56 = arith.constant 0 : i32
        %dma_start3A_57 = tpu.memref_slice %arg9[%add3A_55, %dma_start3A_56] : memref<10240x80xf32, #tpu.memory_space<vmem_shared>> -> memref<32x80xf32, #tpu.memory_space<vmem_shared>>
        %dma_start3A_58 = arith.constant 0 : i32
        %dma_start3A_59 = tpu.memref_slice %arg9[%add3A_55, %dma_start3A_58] : memref<10240x80xf32, #tpu.memory_space<vmem_shared>> -> memref<32x80xf32, #tpu.memory_space<vmem_shared>>
        tpu.enqueue_dma source(%arg8 : memref<32x80xf32, #tpu.memory_space<vmem>>) target(%dma_start3A_59 : memref<32x80xf32, #tpu.memory_space<vmem_shared>>) target_semaphore(%run_scoped3A : memref<!tpu.dma_semaphore, #tpu.memory_space<semaphore_mem>>)
        %dma_wait3A = arith.constant 0 : i32
        %dma_wait3A_60 = tpu.memref_slice %arg9[%add3A_55, %dma_wait3A] : memref<10240x80xf32, #tpu.memory_space<vmem_shared>> -> memref<32x80xf32, #tpu.memory_space<vmem_shared>>
        %dma_wait3A_61 = arith.constant 0 : i32
        %dma_wait3A_62 = tpu.memref_slice %arg9[%add3A_55, %dma_wait3A_61] : memref<10240x80xf32, #tpu.memory_space<vmem_shared>> -> memref<32x80xf32, #tpu.memory_space<vmem_shared>>
        tpu.wait_dma2 semaphore(%run_scoped3A : memref<!tpu.dma_semaphore, #tpu.memory_space<semaphore_mem>>) src(%arg8 : memref<32x80xf32, #tpu.memory_space<vmem>>) dst(%dma_wait3A_62 : memref<32x80xf32, #tpu.memory_space<vmem_shared>>)
        tpu.yield
      }) : () -> ()
    }
    %scan3A_10 = arith.constant 20 : i32
    %barrier3A = arith.constant 0 : index
    tpu.barrier barrier_id(%barrier3A)
    %dma_start3A = arith.constant 0 : i32
    %dma_start3A_11 = arith.constant 0 : i32
    %dma_start3A_12 = tpu.memref_slice %arg6[%dma_start3A, %dma_start3A_11] : memref<100x100xi32, #tpu.memory_space<vmem>> -> memref<1x100xi32, #tpu.memory_space<vmem>>
    %dma_start3A_13 = tpu.memref_squeeze %dma_start3A_12 : memref<1x100xi32, #tpu.memory_space<vmem>> -> memref<100xi32, #tpu.memory_space<vmem>>
    %dma_start3A_14 = arith.constant 0 : i32
    %dma_start3A_15 = arith.constant 0 : i32
    %dma_start3A_16 = tpu.memref_slice %arg2[%dma_start3A_14, %dma_start3A_15] : memref<5120x80xf32, #tpu.memory_space<hbm>> -> memref<5120x80xf32, #tpu.memory_space<hbm>>
    tpu.enqueue_indirect_dma source(%dma_start3A_16 : memref<5120x80xf32, #tpu.memory_space<hbm>>) target(%arg10 : memref<100x80xf32, #tpu.memory_space<vmem>>) offsets(%dma_start3A_13 : memref<100xi32, #tpu.memory_space<vmem>>) semaphore(%arg14 : memref<!tpu.dma_semaphore, #tpu.memory_space<semaphore_mem>>)
    %dma_start3A_17 = arith.constant 1 : i32
    %dma_start3A_18 = arith.constant 0 : i32
    %dma_start3A_19 = tpu.memref_slice %arg6[%dma_start3A_17, %dma_start3A_18] : memref<100x100xi32, #tpu.memory_space<vmem>> -> memref<1x100xi32, #tpu.memory_space<vmem>>
    %dma_start3A_20 = tpu.memref_squeeze %dma_start3A_19 : memref<1x100xi32, #tpu.memory_space<vmem>> -> memref<100xi32, #tpu.memory_space<vmem>>
    %dma_start3A_21 = arith.constant 0 : i32
    %dma_start3A_22 = arith.constant 0 : i32
    %dma_start3A_23 = tpu.memref_slice %arg2[%dma_start3A_21, %dma_start3A_22] : memref<5120x80xf32, #tpu.memory_space<hbm>> -> memref<5120x80xf32, #tpu.memory_space<hbm>>
    tpu.enqueue_indirect_dma source(%dma_start3A_23 : memref<5120x80xf32, #tpu.memory_space<hbm>>) target(%arg11 : memref<100x80xf32, #tpu.memory_space<vmem>>) offsets(%dma_start3A_20 : memref<100xi32, #tpu.memory_space<vmem>>) semaphore(%arg15 : memref<!tpu.dma_semaphore, #tpu.memory_space<semaphore_mem>>)
    %dma_start3A_24 = arith.constant 2 : i32
    %dma_start3A_25 = arith.constant 0 : i32
    %dma_start3A_26 = tpu.memref_slice %arg6[%dma_start3A_24, %dma_start3A_25] : memref<100x100xi32, #tpu.memory_space<vmem>> -> memref<1x100xi32, #tpu.memory_space<vmem>>
    %dma_start3A_27 = tpu.memref_squeeze %dma_start3A_26 : memref<1x100xi32, #tpu.memory_space<vmem>> -> memref<100xi32, #tpu.memory_space<vmem>>
    %dma_start3A_28 = arith.constant 0 : i32
    %dma_start3A_29 = arith.constant 0 : i32
    %dma_start3A_30 = tpu.memref_slice %arg2[%dma_start3A_28, %dma_start3A_29] : memref<5120x80xf32, #tpu.memory_space<hbm>> -> memref<5120x80xf32, #tpu.memory_space<hbm>>
    tpu.enqueue_indirect_dma source(%dma_start3A_30 : memref<5120x80xf32, #tpu.memory_space<hbm>>) target(%arg12 : memref<100x80xf32, #tpu.memory_space<vmem>>) offsets(%dma_start3A_27 : memref<100xi32, #tpu.memory_space<vmem>>) semaphore(%arg16 : memref<!tpu.dma_semaphore, #tpu.memory_space<semaphore_mem>>)
    %dma_start3A_31 = arith.constant 3 : i32
    %dma_start3A_32 = arith.constant 0 : i32
    %dma_start3A_33 = tpu.memref_slice %arg6[%dma_start3A_31, %dma_start3A_32] : memref<100x100xi32, #tpu.memory_space<vmem>> -> memref<1x100xi32, #tpu.memory_space<vmem>>
    %dma_start3A_34 = tpu.memref_squeeze %dma_start3A_33 : memref<1x100xi32, #tpu.memory_space<vmem>> -> memref<100xi32, #tpu.memory_space<vmem>>
    %dma_start3A_35 = arith.constant 0 : i32
    %dma_start3A_36 = arith.constant 0 : i32
    %dma_start3A_37 = tpu.memref_slice %arg2[%dma_start3A_35, %dma_start3A_36] : memref<5120x80xf32, #tpu.memory_space<hbm>> -> memref<5120x80xf32, #tpu.memory_space<hbm>>
    tpu.enqueue_indirect_dma source(%dma_start3A_37 : memref<5120x80xf32, #tpu.memory_space<hbm>>) target(%arg13 : memref<100x80xf32, #tpu.memory_space<vmem>>) offsets(%dma_start3A_34 : memref<100xi32, #tpu.memory_space<vmem>>) semaphore(%arg17 : memref<!tpu.dma_semaphore, #tpu.memory_space<semaphore_mem>>)
    %scan3A_38 = arith.constant 0 : i32
    %scan3A_39 = arith.constant 25 : i32
    %scan3A_40 = arith.addi %scan3A_38, %scan3A_39 : i32
    %scan3A_41 = arith.constant 1 : i32
    scf.for %scan3A_48 = %scan3A_38 to %scan3A_40 step %scan3A_41  : i32 {
      %mul3A_49 = arith.constant 4 : i32
      %mul3A_50 = arith.muli %scan3A_48, %mul3A_49 : i32
      %add3A_51 = arith.constant 0 : i32
      %add3A_52 = arith.addi %add3A_51, %mul3A_50 : i32
      %add3A_53 = arith.constant 0 : i32
      %add3A_54 = arith.addi %add3A_52, %add3A_53 : i32
      %dma_wait3A = arith.constant 0 : i32
      %dma_wait3A_55 = tpu.memref_slice %arg6[%add3A_54, %dma_wait3A] : memref<100x100xi32, #tpu.memory_space<vmem>> -> memref<1x100xi32, #tpu.memory_space<vmem>>
      %dma_wait3A_56 = tpu.memref_squeeze %dma_wait3A_55 : memref<1x100xi32, #tpu.memory_space<vmem>> -> memref<100xi32, #tpu.memory_space<vmem>>
      %dma_wait3A_57 = arith.constant 0 : i32
      %dma_wait3A_58 = arith.constant 0 : i32
      %dma_wait3A_59 = tpu.memref_slice %arg2[%dma_wait3A_57, %dma_wait3A_58] : memref<5120x80xf32, #tpu.memory_space<hbm>> -> memref<5120x80xf32, #tpu.memory_space<hbm>>
      tpu.wait_indirect_dma semaphore(%arg14 : memref<!tpu.dma_semaphore, #tpu.memory_space<semaphore_mem>>) src(%dma_wait3A_59 : memref<5120x80xf32, #tpu.memory_space<hbm>>) dst(%arg10 : memref<100x80xf32, #tpu.memory_space<vmem>>)
      %add3A_60 = arith.constant 0 : i32
      %add3A_61 = arith.addi %add3A_52, %add3A_60 : i32
      %dma_start3A_62 = arith.constant 0 : i32
      %dma_start3A_63 = tpu.memref_slice %arg7[%add3A_61, %dma_start3A_62] : memref<100x100xi32, #tpu.memory_space<vmem>> -> memref<1x100xi32, #tpu.memory_space<vmem>>
      %dma_start3A_64 = tpu.memref_squeeze %dma_start3A_63 : memref<1x100xi32, #tpu.memory_space<vmem>> -> memref<100xi32, #tpu.memory_space<vmem>>
      %dma_start3A_65 = arith.constant 0 : i32
      %dma_start3A_66 = arith.constant 0 : i32
      %dma_start3A_67 = tpu.memref_slice %arg9[%dma_start3A_65, %dma_start3A_66] : memref<10240x80xf32, #tpu.memory_space<vmem_shared>> -> memref<10240x80xf32, #tpu.memory_space<vmem_shared>>
      tpu.enqueue_indirect_dma source(%arg10 : memref<100x80xf32, #tpu.memory_space<vmem>>) target(%dma_start3A_67 : memref<10240x80xf32, #tpu.memory_space<vmem_shared>>) offsets(%dma_start3A_64 : memref<100xi32, #tpu.memory_space<vmem>>) semaphore(%arg18 : memref<!tpu.dma_semaphore, #tpu.memory_space<semaphore_mem>>) {add = true}
      %add3A_68 = arith.constant 1 : i32
      %add3A_69 = arith.addi %add3A_52, %add3A_68 : i32
      %dma_wait3A_70 = arith.constant 0 : i32
      %dma_wait3A_71 = tpu.memref_slice %arg6[%add3A_69, %dma_wait3A_70] : memref<100x100xi32, #tpu.memory_space<vmem>> -> memref<1x100xi32, #tpu.memory_space<vmem>>
      %dma_wait3A_72 = tpu.memref_squeeze %dma_wait3A_71 : memref<1x100xi32, #tpu.memory_space<vmem>> -> memref<100xi32, #tpu.memory_space<vmem>>
      %dma_wait3A_73 = arith.constant 0 : i32
      %dma_wait3A_74 = arith.constant 0 : i32
      %dma_wait3A_75 = tpu.memref_slice %arg2[%dma_wait3A_73, %dma_wait3A_74] : memref<5120x80xf32, #tpu.memory_space<hbm>> -> memref<5120x80xf32, #tpu.memory_space<hbm>>
      tpu.wait_indirect_dma semaphore(%arg15 : memref<!tpu.dma_semaphore, #tpu.memory_space<semaphore_mem>>) src(%dma_wait3A_75 : memref<5120x80xf32, #tpu.memory_space<hbm>>) dst(%arg11 : memref<100x80xf32, #tpu.memory_space<vmem>>)
      %add3A_76 = arith.constant 1 : i32
      %add3A_77 = arith.addi %add3A_52, %add3A_76 : i32
      %dma_start3A_78 = arith.constant 0 : i32
      %dma_start3A_79 = tpu.memref_slice %arg7[%add3A_77, %dma_start3A_78] : memref<100x100xi32, #tpu.memory_space<vmem>> -> memref<1x100xi32, #tpu.memory_space<vmem>>
      %dma_start3A_80 = tpu.memref_squeeze %dma_start3A_79 : memref<1x100xi32, #tpu.memory_space<vmem>> -> memref<100xi32, #tpu.memory_space<vmem>>
      %dma_start3A_81 = arith.constant 0 : i32
      %dma_start3A_82 = arith.constant 0 : i32
      %dma_start3A_83 = tpu.memref_slice %arg9[%dma_start3A_81, %dma_start3A_82] : memref<10240x80xf32, #tpu.memory_space<vmem_shared>> -> memref<10240x80xf32, #tpu.memory_space<vmem_shared>>
      tpu.enqueue_indirect_dma source(%arg11 : memref<100x80xf32, #tpu.memory_space<vmem>>) target(%dma_start3A_83 : memref<10240x80xf32, #tpu.memory_space<vmem_shared>>) offsets(%dma_start3A_80 : memref<100xi32, #tpu.memory_space<vmem>>) semaphore(%arg19 : memref<!tpu.dma_semaphore, #tpu.memory_space<semaphore_mem>>) {add = true}
      %add3A_84 = arith.constant 2 : i32
      %add3A_85 = arith.addi %add3A_52, %add3A_84 : i32
      %dma_wait3A_86 = arith.constant 0 : i32
      %dma_wait3A_87 = tpu.memref_slice %arg6[%add3A_85, %dma_wait3A_86] : memref<100x100xi32, #tpu.memory_space<vmem>> -> memref<1x100xi32, #tpu.memory_space<vmem>>
      %dma_wait3A_88 = tpu.memref_squeeze %dma_wait3A_87 : memref<1x100xi32, #tpu.memory_space<vmem>> -> memref<100xi32, #tpu.memory_space<vmem>>
      %dma_wait3A_89 = arith.constant 0 : i32
      %dma_wait3A_90 = arith.constant 0 : i32
      %dma_wait3A_91 = tpu.memref_slice %arg2[%dma_wait3A_89, %dma_wait3A_90] : memref<5120x80xf32, #tpu.memory_space<hbm>> -> memref<5120x80xf32, #tpu.memory_space<hbm>>
      tpu.wait_indirect_dma semaphore(%arg16 : memref<!tpu.dma_semaphore, #tpu.memory_space<semaphore_mem>>) src(%dma_wait3A_91 : memref<5120x80xf32, #tpu.memory_space<hbm>>) dst(%arg12 : memref<100x80xf32, #tpu.memory_space<vmem>>)
      %add3A_92 = arith.constant 2 : i32
      %add3A_93 = arith.addi %add3A_52, %add3A_92 : i32
      %dma_start3A_94 = arith.constant 0 : i32
      %dma_start3A_95 = tpu.memref_slice %arg7[%add3A_93, %dma_start3A_94] : memref<100x100xi32, #tpu.memory_space<vmem>> -> memref<1x100xi32, #tpu.memory_space<vmem>>
      %dma_start3A_96 = tpu.memref_squeeze %dma_start3A_95 : memref<1x100xi32, #tpu.memory_space<vmem>> -> memref<100xi32, #tpu.memory_space<vmem>>
      %dma_start3A_97 = arith.constant 0 : i32
      %dma_start3A_98 = arith.constant 0 : i32
      %dma_start3A_99 = tpu.memref_slice %arg9[%dma_start3A_97, %dma_start3A_98] : memref<10240x80xf32, #tpu.memory_space<vmem_shared>> -> memref<10240x80xf32, #tpu.memory_space<vmem_shared>>
      tpu.enqueue_indirect_dma source(%arg12 : memref<100x80xf32, #tpu.memory_space<vmem>>) target(%dma_start3A_99 : memref<10240x80xf32, #tpu.memory_space<vmem_shared>>) offsets(%dma_start3A_96 : memref<100xi32, #tpu.memory_space<vmem>>) semaphore(%arg20 : memref<!tpu.dma_semaphore, #tpu.memory_space<semaphore_mem>>) {add = true}
      %add3A_100 = arith.constant 3 : i32
      %add3A_101 = arith.addi %add3A_52, %add3A_100 : i32
      %dma_wait3A_102 = arith.constant 0 : i32
      %dma_wait3A_103 = tpu.memref_slice %arg6[%add3A_101, %dma_wait3A_102] : memref<100x100xi32, #tpu.memory_space<vmem>> -> memref<1x100xi32, #tpu.memory_space<vmem>>
      %dma_wait3A_104 = tpu.memref_squeeze %dma_wait3A_103 : memref<1x100xi32, #tpu.memory_space<vmem>> -> memref<100xi32, #tpu.memory_space<vmem>>
      %dma_wait3A_105 = arith.constant 0 : i32
      %dma_wait3A_106 = arith.constant 0 : i32
      %dma_wait3A_107 = tpu.memref_slice %arg2[%dma_wait3A_105, %dma_wait3A_106] : memref<5120x80xf32, #tpu.memory_space<hbm>> -> memref<5120x80xf32, #tpu.memory_space<hbm>>
      tpu.wait_indirect_dma semaphore(%arg17 : memref<!tpu.dma_semaphore, #tpu.memory_space<semaphore_mem>>) src(%dma_wait3A_107 : memref<5120x80xf32, #tpu.memory_space<hbm>>) dst(%arg13 : memref<100x80xf32, #tpu.memory_space<vmem>>)
      %add3A_108 = arith.constant 3 : i32
      %add3A_109 = arith.addi %add3A_52, %add3A_108 : i32
      %dma_start3A_110 = arith.constant 0 : i32
      %dma_start3A_111 = tpu.memref_slice %arg7[%add3A_109, %dma_start3A_110] : memref<100x100xi32, #tpu.memory_space<vmem>> -> memref<1x100xi32, #tpu.memory_space<vmem>>
      %dma_start3A_112 = tpu.memref_squeeze %dma_start3A_111 : memref<1x100xi32, #tpu.memory_space<vmem>> -> memref<100xi32, #tpu.memory_space<vmem>>
      %dma_start3A_113 = arith.constant 0 : i32
      %dma_start3A_114 = arith.constant 0 : i32
      %dma_start3A_115 = tpu.memref_slice %arg9[%dma_start3A_113, %dma_start3A_114] : memref<10240x80xf32, #tpu.memory_space<vmem_shared>> -> memref<10240x80xf32, #tpu.memory_space<vmem_shared>>
      tpu.enqueue_indirect_dma source(%arg13 : memref<100x80xf32, #tpu.memory_space<vmem>>) target(%dma_start3A_115 : memref<10240x80xf32, #tpu.memory_space<vmem_shared>>) offsets(%dma_start3A_112 : memref<100xi32, #tpu.memory_space<vmem>>) semaphore(%arg21 : memref<!tpu.dma_semaphore, #tpu.memory_space<semaphore_mem>>) {add = true}
      %add3A_116 = arith.constant 0 : i32
      %add3A_117 = arith.addi %add3A_52, %add3A_116 : i32
      %dma_wait3A_118 = arith.constant 0 : i32
      %dma_wait3A_119 = tpu.memref_slice %arg7[%add3A_117, %dma_wait3A_118] : memref<100x100xi32, #tpu.memory_space<vmem>> -> memref<1x100xi32, #tpu.memory_space<vmem>>
      %dma_wait3A_120 = tpu.memref_squeeze %dma_wait3A_119 : memref<1x100xi32, #tpu.memory_space<vmem>> -> memref<100xi32, #tpu.memory_space<vmem>>
      %dma_wait3A_121 = arith.constant 0 : i32
      %dma_wait3A_122 = arith.constant 0 : i32
      %dma_wait3A_123 = tpu.memref_slice %arg9[%dma_wait3A_121, %dma_wait3A_122] : memref<10240x80xf32, #tpu.memory_space<vmem_shared>> -> memref<10240x80xf32, #tpu.memory_space<vmem_shared>>
      tpu.wait_indirect_dma semaphore(%arg18 : memref<!tpu.dma_semaphore, #tpu.memory_space<semaphore_mem>>) src(%arg10 : memref<100x80xf32, #tpu.memory_space<vmem>>) dst(%dma_wait3A_123 : memref<10240x80xf32, #tpu.memory_space<vmem_shared>>)
      %add3A_124 = arith.constant 0 : i32
      %add3A_125 = arith.addi %add3A_52, %add3A_124 : i32
      %add3A_126 = arith.constant 4 : i32
      %add3A_127 = arith.addi %add3A_125, %add3A_126 : i32
      %lt3A = arith.constant 100 : i32
      %lt3A_128 = arith.cmpi slt, %add3A_127, %lt3A : i32
      %convert_element_type3A = arith.extui %lt3A_128 : i1 to i32
      %cond3A = arith.constant 0 : i32
      %cond3A_129 = arith.cmpi ne, %convert_element_type3A, %cond3A : i32
      scf.if %cond3A_129 {
        %add3A_181 = arith.constant 0 : i32
        %add3A_182 = arith.addi %add3A_52, %add3A_181 : i32
        %add3A_183 = arith.constant 4 : i32
        %add3A_184 = arith.addi %add3A_182, %add3A_183 : i32
        %dma_start3A_185 = arith.constant 0 : i32
        %dma_start3A_186 = tpu.memref_slice %arg6[%add3A_184, %dma_start3A_185] : memref<100x100xi32, #tpu.memory_space<vmem>> -> memref<1x100xi32, #tpu.memory_space<vmem>>
        %dma_start3A_187 = tpu.memref_squeeze %dma_start3A_186 : memref<1x100xi32, #tpu.memory_space<vmem>> -> memref<100xi32, #tpu.memory_space<vmem>>
        %dma_start3A_188 = arith.constant 0 : i32
        %dma_start3A_189 = arith.constant 0 : i32
        %dma_start3A_190 = tpu.memref_slice %arg2[%dma_start3A_188, %dma_start3A_189] : memref<5120x80xf32, #tpu.memory_space<hbm>> -> memref<5120x80xf32, #tpu.memory_space<hbm>>
        tpu.enqueue_indirect_dma source(%dma_start3A_190 : memref<5120x80xf32, #tpu.memory_space<hbm>>) target(%arg10 : memref<100x80xf32, #tpu.memory_space<vmem>>) offsets(%dma_start3A_187 : memref<100xi32, #tpu.memory_space<vmem>>) semaphore(%arg14 : memref<!tpu.dma_semaphore, #tpu.memory_space<semaphore_mem>>)
      } else {
      }
      %add3A_130 = arith.constant 1 : i32
      %add3A_131 = arith.addi %add3A_52, %add3A_130 : i32
      %dma_wait3A_132 = arith.constant 0 : i32
      %dma_wait3A_133 = tpu.memref_slice %arg7[%add3A_131, %dma_wait3A_132] : memref<100x100xi32, #tpu.memory_space<vmem>> -> memref<1x100xi32, #tpu.memory_space<vmem>>
      %dma_wait3A_134 = tpu.memref_squeeze %dma_wait3A_133 : memref<1x100xi32, #tpu.memory_space<vmem>> -> memref<100xi32, #tpu.memory_space<vmem>>
      %dma_wait3A_135 = arith.constant 0 : i32
      %dma_wait3A_136 = arith.constant 0 : i32
      %dma_wait3A_137 = tpu.memref_slice %arg9[%dma_wait3A_135, %dma_wait3A_136] : memref<10240x80xf32, #tpu.memory_space<vmem_shared>> -> memref<10240x80xf32, #tpu.memory_space<vmem_shared>>
      tpu.wait_indirect_dma semaphore(%arg19 : memref<!tpu.dma_semaphore, #tpu.memory_space<semaphore_mem>>) src(%arg11 : memref<100x80xf32, #tpu.memory_space<vmem>>) dst(%dma_wait3A_137 : memref<10240x80xf32, #tpu.memory_space<vmem_shared>>)
      %add3A_138 = arith.constant 1 : i32
      %add3A_139 = arith.addi %add3A_52, %add3A_138 : i32
      %add3A_140 = arith.constant 4 : i32
      %add3A_141 = arith.addi %add3A_139, %add3A_140 : i32
      %lt3A_142 = arith.constant 100 : i32
      %lt3A_143 = arith.cmpi slt, %add3A_141, %lt3A_142 : i32
      %convert_element_type3A_144 = arith.extui %lt3A_143 : i1 to i32
      %cond3A_145 = arith.constant 0 : i32
      %cond3A_146 = arith.cmpi ne, %convert_element_type3A_144, %cond3A_145 : i32
      scf.if %cond3A_146 {
        %add3A_181 = arith.constant 1 : i32
        %add3A_182 = arith.addi %add3A_52, %add3A_181 : i32
        %add3A_183 = arith.constant 4 : i32
        %add3A_184 = arith.addi %add3A_182, %add3A_183 : i32
        %dma_start3A_185 = arith.constant 0 : i32
        %dma_start3A_186 = tpu.memref_slice %arg6[%add3A_184, %dma_start3A_185] : memref<100x100xi32, #tpu.memory_space<vmem>> -> memref<1x100xi32, #tpu.memory_space<vmem>>
        %dma_start3A_187 = tpu.memref_squeeze %dma_start3A_186 : memref<1x100xi32, #tpu.memory_space<vmem>> -> memref<100xi32, #tpu.memory_space<vmem>>
        %dma_start3A_188 = arith.constant 0 : i32
        %dma_start3A_189 = arith.constant 0 : i32
        %dma_start3A_190 = tpu.memref_slice %arg2[%dma_start3A_188, %dma_start3A_189] : memref<5120x80xf32, #tpu.memory_space<hbm>> -> memref<5120x80xf32, #tpu.memory_space<hbm>>
        tpu.enqueue_indirect_dma source(%dma_start3A_190 : memref<5120x80xf32, #tpu.memory_space<hbm>>) target(%arg11 : memref<100x80xf32, #tpu.memory_space<vmem>>) offsets(%dma_start3A_187 : memref<100xi32, #tpu.memory_space<vmem>>) semaphore(%arg15 : memref<!tpu.dma_semaphore, #tpu.memory_space<semaphore_mem>>)
      } else {
      }
      %add3A_147 = arith.constant 2 : i32
      %add3A_148 = arith.addi %add3A_52, %add3A_147 : i32
      %dma_wait3A_149 = arith.constant 0 : i32
      %dma_wait3A_150 = tpu.memref_slice %arg7[%add3A_148, %dma_wait3A_149] : memref<100x100xi32, #tpu.memory_space<vmem>> -> memref<1x100xi32, #tpu.memory_space<vmem>>
      %dma_wait3A_151 = tpu.memref_squeeze %dma_wait3A_150 : memref<1x100xi32, #tpu.memory_space<vmem>> -> memref<100xi32, #tpu.memory_space<vmem>>
      %dma_wait3A_152 = arith.constant 0 : i32
      %dma_wait3A_153 = arith.constant 0 : i32
      %dma_wait3A_154 = tpu.memref_slice %arg9[%dma_wait3A_152, %dma_wait3A_153] : memref<10240x80xf32, #tpu.memory_space<vmem_shared>> -> memref<10240x80xf32, #tpu.memory_space<vmem_shared>>
      tpu.wait_indirect_dma semaphore(%arg20 : memref<!tpu.dma_semaphore, #tpu.memory_space<semaphore_mem>>) src(%arg12 : memref<100x80xf32, #tpu.memory_space<vmem>>) dst(%dma_wait3A_154 : memref<10240x80xf32, #tpu.memory_space<vmem_shared>>)
      %add3A_155 = arith.constant 2 : i32
      %add3A_156 = arith.addi %add3A_52, %add3A_155 : i32
      %add3A_157 = arith.constant 4 : i32
      %add3A_158 = arith.addi %add3A_156, %add3A_157 : i32
      %lt3A_159 = arith.constant 100 : i32
      %lt3A_160 = arith.cmpi slt, %add3A_158, %lt3A_159 : i32
      %convert_element_type3A_161 = arith.extui %lt3A_160 : i1 to i32
      %cond3A_162 = arith.constant 0 : i32
      %cond3A_163 = arith.cmpi ne, %convert_element_type3A_161, %cond3A_162 : i32
      scf.if %cond3A_163 {
        %add3A_181 = arith.constant 2 : i32
        %add3A_182 = arith.addi %add3A_52, %add3A_181 : i32
        %add3A_183 = arith.constant 4 : i32
        %add3A_184 = arith.addi %add3A_182, %add3A_183 : i32
        %dma_start3A_185 = arith.constant 0 : i32
        %dma_start3A_186 = tpu.memref_slice %arg6[%add3A_184, %dma_start3A_185] : memref<100x100xi32, #tpu.memory_space<vmem>> -> memref<1x100xi32, #tpu.memory_space<vmem>>
        %dma_start3A_187 = tpu.memref_squeeze %dma_start3A_186 : memref<1x100xi32, #tpu.memory_space<vmem>> -> memref<100xi32, #tpu.memory_space<vmem>>
        %dma_start3A_188 = arith.constant 0 : i32
        %dma_start3A_189 = arith.constant 0 : i32
        %dma_start3A_190 = tpu.memref_slice %arg2[%dma_start3A_188, %dma_start3A_189] : memref<5120x80xf32, #tpu.memory_space<hbm>> -> memref<5120x80xf32, #tpu.memory_space<hbm>>
        tpu.enqueue_indirect_dma source(%dma_start3A_190 : memref<5120x80xf32, #tpu.memory_space<hbm>>) target(%arg12 : memref<100x80xf32, #tpu.memory_space<vmem>>) offsets(%dma_start3A_187 : memref<100xi32, #tpu.memory_space<vmem>>) semaphore(%arg16 : memref<!tpu.dma_semaphore, #tpu.memory_space<semaphore_mem>>)
      } else {
      }
      %add3A_164 = arith.constant 3 : i32
      %add3A_165 = arith.addi %add3A_52, %add3A_164 : i32
      %dma_wait3A_166 = arith.constant 0 : i32
      %dma_wait3A_167 = tpu.memref_slice %arg7[%add3A_165, %dma_wait3A_166] : memref<100x100xi32, #tpu.memory_space<vmem>> -> memref<1x100xi32, #tpu.memory_space<vmem>>
      %dma_wait3A_168 = tpu.memref_squeeze %dma_wait3A_167 : memref<1x100xi32, #tpu.memory_space<vmem>> -> memref<100xi32, #tpu.memory_space<vmem>>
      %dma_wait3A_169 = arith.constant 0 : i32
      %dma_wait3A_170 = arith.constant 0 : i32
      %dma_wait3A_171 = tpu.memref_slice %arg9[%dma_wait3A_169, %dma_wait3A_170] : memref<10240x80xf32, #tpu.memory_space<vmem_shared>> -> memref<10240x80xf32, #tpu.memory_space<vmem_shared>>
      tpu.wait_indirect_dma semaphore(%arg21 : memref<!tpu.dma_semaphore, #tpu.memory_space<semaphore_mem>>) src(%arg13 : memref<100x80xf32, #tpu.memory_space<vmem>>) dst(%dma_wait3A_171 : memref<10240x80xf32, #tpu.memory_space<vmem_shared>>)
      %add3A_172 = arith.constant 3 : i32
      %add3A_173 = arith.addi %add3A_52, %add3A_172 : i32
      %add3A_174 = arith.constant 4 : i32
      %add3A_175 = arith.addi %add3A_173, %add3A_174 : i32
      %lt3A_176 = arith.constant 100 : i32
      %lt3A_177 = arith.cmpi slt, %add3A_175, %lt3A_176 : i32
      %convert_element_type3A_178 = arith.extui %lt3A_177 : i1 to i32
      %cond3A_179 = arith.constant 0 : i32
      %cond3A_180 = arith.cmpi ne, %convert_element_type3A_178, %cond3A_179 : i32
      scf.if %cond3A_180 {
        %add3A_181 = arith.constant 3 : i32
        %add3A_182 = arith.addi %add3A_52, %add3A_181 : i32
        %add3A_183 = arith.constant 4 : i32
        %add3A_184 = arith.addi %add3A_182, %add3A_183 : i32
        %dma_start3A_185 = arith.constant 0 : i32
        %dma_start3A_186 = tpu.memref_slice %arg6[%add3A_184, %dma_start3A_185] : memref<100x100xi32, #tpu.memory_space<vmem>> -> memref<1x100xi32, #tpu.memory_space<vmem>>
        %dma_start3A_187 = tpu.memref_squeeze %dma_start3A_186 : memref<1x100xi32, #tpu.memory_space<vmem>> -> memref<100xi32, #tpu.memory_space<vmem>>
        %dma_start3A_188 = arith.constant 0 : i32
        %dma_start3A_189 = arith.constant 0 : i32
        %dma_start3A_190 = tpu.memref_slice %arg2[%dma_start3A_188, %dma_start3A_189] : memref<5120x80xf32, #tpu.memory_space<hbm>> -> memref<5120x80xf32, #tpu.memory_space<hbm>>
        tpu.enqueue_indirect_dma source(%dma_start3A_190 : memref<5120x80xf32, #tpu.memory_space<hbm>>) target(%arg13 : memref<100x80xf32, #tpu.memory_space<vmem>>) offsets(%dma_start3A_187 : memref<100xi32, #tpu.memory_space<vmem>>) semaphore(%arg17 : memref<!tpu.dma_semaphore, #tpu.memory_space<semaphore_mem>>)
      } else {
      }
    }
    %scan3A_42 = arith.constant 25 : i32
    %barrier3A_43 = arith.constant 0 : index
    tpu.barrier barrier_id(%barrier3A_43)
    %mul3A_44 = arith.constant 640 : i32
    %mul3A_45 = arith.muli %arg1, %mul3A_44 : i32
    %mul3A_46 = arith.constant 640 : i32
    %mul3A_47 = arith.muli %arg1, %mul3A_46 : i32
    "tpu.region"() ({
      %run_scoped3A = tpu.sem_alloc : memref<!tpu.dma_semaphore, #tpu.memory_space<semaphore_mem>>
      %dma_start3A_48 = arith.constant 0 : i32
      %dma_start3A_49 = tpu.memref_slice %arg5[%arg0, %mul3A_47, %dma_start3A_48] : memref<2x10240x80xf32, #tpu.memory_space<hbm>> -> memref<1x640x80xf32, #tpu.memory_space<hbm>>
      %dma_start3A_50 = tpu.memref_squeeze %dma_start3A_49 : memref<1x640x80xf32, #tpu.memory_space<hbm>> -> memref<640x80xf32, #tpu.memory_space<hbm>>
      %dma_start3A_51 = arith.constant 0 : i32
      %dma_start3A_52 = tpu.memref_slice %arg9[%mul3A_45, %dma_start3A_51] : memref<10240x80xf32, #tpu.memory_space<vmem_shared>> -> memref<640x80xf32, #tpu.memory_space<vmem_shared>>
      tpu.enqueue_dma source(%dma_start3A_52 : memref<640x80xf32, #tpu.memory_space<vmem_shared>>) target(%dma_start3A_50 : memref<640x80xf32, #tpu.memory_space<hbm>>) target_semaphore(%run_scoped3A : memref<!tpu.dma_semaphore, #tpu.memory_space<semaphore_mem>>)
      %dma_wait3A = arith.constant 0 : i32
      %dma_wait3A_53 = tpu.memref_slice %arg5[%arg0, %mul3A_47, %dma_wait3A] : memref<2x10240x80xf32, #tpu.memory_space<hbm>> -> memref<1x640x80xf32, #tpu.memory_space<hbm>>
      %dma_wait3A_54 = tpu.memref_squeeze %dma_wait3A_53 : memref<1x640x80xf32, #tpu.memory_space<hbm>> -> memref<640x80xf32, #tpu.memory_space<hbm>>
      %dma_wait3A_55 = arith.constant 0 : i32
      %dma_wait3A_56 = tpu.memref_slice %arg9[%mul3A_45, %dma_wait3A_55] : memref<10240x80xf32, #tpu.memory_space<vmem_shared>> -> memref<640x80xf32, #tpu.memory_space<vmem_shared>>
      tpu.wait_dma2 semaphore(%run_scoped3A : memref<!tpu.dma_semaphore, #tpu.memory_space<semaphore_mem>>) src(%dma_wait3A_56 : memref<640x80xf32, #tpu.memory_space<vmem_shared>>) dst(%dma_wait3A_54 : memref<640x80xf32, #tpu.memory_space<hbm>>)
      tpu.yield
    }) : () -> ()
    return
  }
}

#map = affine_map<(d0, d1) -> (0, 0)>
#map1 = affine_map<(d0, d1) -> (0, 0, 0)>
module attributes {stable_mosaic.version = 14 : i64} {
  func.func @k(%arg0: i32, %arg1: i32, %arg2: memref<10000x144xf32, #tpu.memory_space<hbm>>, %arg3: memref<32x100x100xi32, #tpu.memory_space<hbm>>, %arg4: memref<32x100x100xi32, #tpu.memory_space<hbm>>, %arg5: memref<2x5120x144xf32, #tpu.memory_space<hbm>>, %arg6: memref<100x100xi32, #tpu.memory_space<vmem>>, %arg7: memref<100x100xi32, #tpu.memory_space<vmem>>, %arg8: memref<32x144xf32, #tpu.memory_space<vmem>>, %arg9: memref<5120x144xf32, #tpu.memory_space<vmem_shared>>, %arg10: memref<100x144xf32, #tpu.memory_space<vmem>>, %arg11: memref<100x144xf32, #tpu.memory_space<vmem>>, %arg12: memref<100x144xf32, #tpu.memory_space<vmem>>, %arg13: memref<100x144xf32, #tpu.memory_space<vmem>>, %arg14: memref<!tpu.dma_semaphore, #tpu.memory_space<semaphore_mem>>, %arg15: memref<!tpu.dma_semaphore, #tpu.memory_space<semaphore_mem>>, %arg16: memref<!tpu.dma_semaphore, #tpu.memory_space<semaphore_mem>>, %arg17: memref<!tpu.dma_semaphore, #tpu.memory_space<semaphore_mem>>, %arg18: memref<!tpu.dma_semaphore, #tpu.memory_space<semaphore_mem>>, %arg19: memref<!tpu.dma_semaphore, #tpu.memory_space<semaphore_mem>>, %arg20: memref<!tpu.dma_semaphore, #tpu.memory_space<semaphore_mem>>, %arg21: memref<!tpu.dma_semaphore, #tpu.memory_space<semaphore_mem>>) attributes {dimension_semantics = [#tpu.dimension_semantics<core_parallel>, #tpu.dimension_semantics<subcore_parallel>], iteration_bounds = array<i64: 2, 16>, scalar_prefetch = 0 : i64, scratch_operands = 16 : i64, tpu.core_type = #tpu.core_type<sc_vector_subcore>, window_params = [{transform_indices = #map}, {transform_indices = #map1}, {transform_indices = #map1}, {transform_indices = #map1}]} {
    %mul3A = arith.constant 16 : i32
    %mul3A_0 = arith.muli %arg0, %mul3A : i32
    %add3A = arith.addi %mul3A_0, %arg1 : i32
    %broadcast_in_dim3A = arith.constant 0.000000e+00 : f32
    %broadcast_in_dim3A_1 = vector.broadcast %broadcast_in_dim3A : f32 to vector<16xf32>
    %scan3A = arith.constant 0 : i32
    %scan3A_2 = arith.constant 32 : i32
    %scan3A_3 = arith.addi %scan3A, %scan3A_2 : i32
    %scan3A_4 = arith.constant 1 : i32
    scf.for %scan3A_48 = %scan3A to %scan3A_3 step %scan3A_4  : i32 {
      %mul3A_49 = arith.constant 1 : i32
      %mul3A_50 = arith.muli %scan3A_48, %mul3A_49 : i32
      %add3A_51 = arith.constant 0 : i32
      %add3A_52 = arith.addi %add3A_51, %mul3A_50 : i32
      %scan3A_53 = arith.constant 0 : i32
      %scan3A_54 = arith.constant 9 : i32
      %scan3A_55 = arith.addi %scan3A_53, %scan3A_54 : i32
      %scan3A_56 = arith.constant 1 : i32
      scf.for %scan3A_58 = %scan3A_53 to %scan3A_55 step %scan3A_56  : i32 {
        %mul3A_59 = arith.constant 16 : i32
        %mul3A_60 = arith.muli %scan3A_58, %mul3A_59 : i32
        %add3A_61 = arith.constant 0 : i32
        %add3A_62 = arith.addi %add3A_61, %mul3A_60 : i32
        %swap3A = arith.index_cast %add3A_52 : i32 to index
        %swap3A_63 = arith.index_cast %add3A_62 : i32 to index
        %swap3A_64 = tpu.vector_load %arg8[%swap3A, %swap3A_63] {strides = array<i32>} : memref<32x144xf32, #tpu.memory_space<vmem>>, vector<1x16xf32>,
        %swap3A_65 = vector.shape_cast %swap3A_64 : vector<1x16xf32> to vector<16xf32>
        %swap3A_66 = vector.shape_cast %broadcast_in_dim3A_1 : vector<16xf32> to vector<1x16xf32>
        tpu.vector_store %arg8[%swap3A, %swap3A_63], %swap3A_66 {strides = array<i32>} : memref<32x144xf32, #tpu.memory_space<vmem>>, vector<1x16xf32>,
      }
      %scan3A_57 = arith.constant 9 : i32
    }
    %scan3A_5 = arith.constant 32 : i32
    "tpu.region"() ({
      %run_scoped3A = tpu.sem_alloc : memref<!tpu.dma_semaphore, #tpu.memory_space<semaphore_mem>>
      %dma_start3A_48 = arith.constant 0 : i32
      %dma_start3A_49 = arith.constant 0 : i32
      %dma_start3A_50 = tpu.memref_slice %arg3[%add3A, %dma_start3A_48, %dma_start3A_49] : memref<32x100x100xi32, #tpu.memory_space<hbm>> -> memref<1x100x100xi32, #tpu.memory_space<hbm>>
      %dma_start3A_51 = tpu.memref_squeeze %dma_start3A_50 : memref<1x100x100xi32, #tpu.memory_space<hbm>> -> memref<100x100xi32, #tpu.memory_space<hbm>>
      %dma_start3A_52 = arith.constant 0 : i32
      %dma_start3A_53 = arith.constant 0 : i32
      %dma_start3A_54 = tpu.memref_slice %arg3[%add3A, %dma_start3A_52, %dma_start3A_53] : memref<32x100x100xi32, #tpu.memory_space<hbm>> -> memref<1x100x100xi32, #tpu.memory_space<hbm>>
      %dma_start3A_55 = tpu.memref_squeeze %dma_start3A_54 : memref<1x100x100xi32, #tpu.memory_space<hbm>> -> memref<100x100xi32, #tpu.memory_space<hbm>>
      tpu.enqueue_dma source(%dma_start3A_55 : memref<100x100xi32, #tpu.memory_space<hbm>>) target(%arg6 : memref<100x100xi32, #tpu.memory_space<vmem>>) target_semaphore(%run_scoped3A : memref<!tpu.dma_semaphore, #tpu.memory_space<semaphore_mem>>)
      %dma_wait3A = arith.constant 0 : i32
      %dma_wait3A_56 = arith.constant 0 : i32
      %dma_wait3A_57 = tpu.memref_slice %arg3[%add3A, %dma_wait3A, %dma_wait3A_56] : memref<32x100x100xi32, #tpu.memory_space<hbm>> -> memref<1x100x100xi32, #tpu.memory_space<hbm>>
      %dma_wait3A_58 = tpu.memref_squeeze %dma_wait3A_57 : memref<1x100x100xi32, #tpu.memory_space<hbm>> -> memref<100x100xi32, #tpu.memory_space<hbm>>
      %dma_wait3A_59 = arith.constant 0 : i32
      %dma_wait3A_60 = arith.constant 0 : i32
      %dma_wait3A_61 = tpu.memref_slice %arg3[%add3A, %dma_wait3A_59, %dma_wait3A_60] : memref<32x100x100xi32, #tpu.memory_space<hbm>> -> memref<1x100x100xi32, #tpu.memory_space<hbm>>
      %dma_wait3A_62 = tpu.memref_squeeze %dma_wait3A_61 : memref<1x100x100xi32, #tpu.memory_space<hbm>> -> memref<100x100xi32, #tpu.memory_space<hbm>>
      tpu.wait_dma2 semaphore(%run_scoped3A : memref<!tpu.dma_semaphore, #tpu.memory_space<semaphore_mem>>) src(%dma_wait3A_62 : memref<100x100xi32, #tpu.memory_space<hbm>>) dst(%arg6 : memref<100x100xi32, #tpu.memory_space<vmem>>)
      tpu.yield
    }) : () -> ()
    "tpu.region"() ({
      %run_scoped3A = tpu.sem_alloc : memref<!tpu.dma_semaphore, #tpu.memory_space<semaphore_mem>>
      %dma_start3A_48 = arith.constant 0 : i32
      %dma_start3A_49 = arith.constant 0 : i32
      %dma_start3A_50 = tpu.memref_slice %arg4[%add3A, %dma_start3A_48, %dma_start3A_49] : memref<32x100x100xi32, #tpu.memory_space<hbm>> -> memref<1x100x100xi32, #tpu.memory_space<hbm>>
      %dma_start3A_51 = tpu.memref_squeeze %dma_start3A_50 : memref<1x100x100xi32, #tpu.memory_space<hbm>> -> memref<100x100xi32, #tpu.memory_space<hbm>>
      %dma_start3A_52 = arith.constant 0 : i32
      %dma_start3A_53 = arith.constant 0 : i32
      %dma_start3A_54 = tpu.memref_slice %arg4[%add3A, %dma_start3A_52, %dma_start3A_53] : memref<32x100x100xi32, #tpu.memory_space<hbm>> -> memref<1x100x100xi32, #tpu.memory_space<hbm>>
      %dma_start3A_55 = tpu.memref_squeeze %dma_start3A_54 : memref<1x100x100xi32, #tpu.memory_space<hbm>> -> memref<100x100xi32, #tpu.memory_space<hbm>>
      tpu.enqueue_dma source(%dma_start3A_55 : memref<100x100xi32, #tpu.memory_space<hbm>>) target(%arg7 : memref<100x100xi32, #tpu.memory_space<vmem>>) target_semaphore(%run_scoped3A : memref<!tpu.dma_semaphore, #tpu.memory_space<semaphore_mem>>)
      %dma_wait3A = arith.constant 0 : i32
      %dma_wait3A_56 = arith.constant 0 : i32
      %dma_wait3A_57 = tpu.memref_slice %arg4[%add3A, %dma_wait3A, %dma_wait3A_56] : memref<32x100x100xi32, #tpu.memory_space<hbm>> -> memref<1x100x100xi32, #tpu.memory_space<hbm>>
      %dma_wait3A_58 = tpu.memref_squeeze %dma_wait3A_57 : memref<1x100x100xi32, #tpu.memory_space<hbm>> -> memref<100x100xi32, #tpu.memory_space<hbm>>
      %dma_wait3A_59 = arith.constant 0 : i32
      %dma_wait3A_60 = arith.constant 0 : i32
      %dma_wait3A_61 = tpu.memref_slice %arg4[%add3A, %dma_wait3A_59, %dma_wait3A_60] : memref<32x100x100xi32, #tpu.memory_space<hbm>> -> memref<1x100x100xi32, #tpu.memory_space<hbm>>
      %dma_wait3A_62 = tpu.memref_squeeze %dma_wait3A_61 : memref<1x100x100xi32, #tpu.memory_space<hbm>> -> memref<100x100xi32, #tpu.memory_space<hbm>>
      tpu.wait_dma2 semaphore(%run_scoped3A : memref<!tpu.dma_semaphore, #tpu.memory_space<semaphore_mem>>) src(%dma_wait3A_62 : memref<100x100xi32, #tpu.memory_space<hbm>>) dst(%arg7 : memref<100x100xi32, #tpu.memory_space<vmem>>)
      tpu.yield
    }) : () -> ()
    %scan3A_6 = arith.constant 0 : i32
    %scan3A_7 = arith.constant 10 : i32
    %scan3A_8 = arith.addi %scan3A_6, %scan3A_7 : i32
    %scan3A_9 = arith.constant 1 : i32
    scf.for %scan3A_48 = %scan3A_6 to %scan3A_8 step %scan3A_9  : i32 {
      %mul3A_49 = arith.constant 32 : i32
      %mul3A_50 = arith.muli %scan3A_48, %mul3A_49 : i32
      %add3A_51 = arith.constant 0 : i32
      %add3A_52 = arith.addi %add3A_51, %mul3A_50 : i32
      %mul3A_53 = arith.constant 320 : i32
      %mul3A_54 = arith.muli %arg1, %mul3A_53 : i32
      %add3A_55 = arith.addi %mul3A_54, %add3A_52 : i32
      "tpu.region"() ({
        %run_scoped3A = tpu.sem_alloc : memref<!tpu.dma_semaphore, #tpu.memory_space<semaphore_mem>>
        %dma_start3A_56 = arith.constant 0 : i32
        %dma_start3A_57 = tpu.memref_slice %arg9[%add3A_55, %dma_start3A_56] : memref<5120x144xf32, #tpu.memory_space<vmem_shared>> -> memref<32x144xf32, #tpu.memory_space<vmem_shared>>
        %dma_start3A_58 = arith.constant 0 : i32
        %dma_start3A_59 = tpu.memref_slice %arg9[%add3A_55, %dma_start3A_58] : memref<5120x144xf32, #tpu.memory_space<vmem_shared>> -> memref<32x144xf32, #tpu.memory_space<vmem_shared>>
        tpu.enqueue_dma source(%arg8 : memref<32x144xf32, #tpu.memory_space<vmem>>) target(%dma_start3A_59 : memref<32x144xf32, #tpu.memory_space<vmem_shared>>) target_semaphore(%run_scoped3A : memref<!tpu.dma_semaphore, #tpu.memory_space<semaphore_mem>>)
        %dma_wait3A = arith.constant 0 : i32
        %dma_wait3A_60 = tpu.memref_slice %arg9[%add3A_55, %dma_wait3A] : memref<5120x144xf32, #tpu.memory_space<vmem_shared>> -> memref<32x144xf32, #tpu.memory_space<vmem_shared>>
        %dma_wait3A_61 = arith.constant 0 : i32
        %dma_wait3A_62 = tpu.memref_slice %arg9[%add3A_55, %dma_wait3A_61] : memref<5120x144xf32, #tpu.memory_space<vmem_shared>> -> memref<32x144xf32, #tpu.memory_space<vmem_shared>>
        tpu.wait_dma2 semaphore(%run_scoped3A : memref<!tpu.dma_semaphore, #tpu.memory_space<semaphore_mem>>) src(%arg8 : memref<32x144xf32, #tpu.memory_space<vmem>>) dst(%dma_wait3A_62 : memref<32x144xf32, #tpu.memory_space<vmem_shared>>)
        tpu.yield
      }) : () -> ()
    }
    %scan3A_10 = arith.constant 10 : i32
    %barrier3A = arith.constant 0 : index
    tpu.barrier barrier_id(%barrier3A)
    %dma_start3A = arith.constant 0 : i32
    %dma_start3A_11 = arith.constant 0 : i32
    %dma_start3A_12 = tpu.memref_slice %arg6[%dma_start3A, %dma_start3A_11] : memref<100x100xi32, #tpu.memory_space<vmem>> -> memref<1x100xi32, #tpu.memory_space<vmem>>
    %dma_start3A_13 = tpu.memref_squeeze %dma_start3A_12 : memref<1x100xi32, #tpu.memory_space<vmem>> -> memref<100xi32, #tpu.memory_space<vmem>>
    %dma_start3A_14 = arith.constant 0 : i32
    %dma_start3A_15 = arith.constant 0 : i32
    %dma_start3A_16 = tpu.memref_slice %arg2[%dma_start3A_14, %dma_start3A_15] : memref<10000x144xf32, #tpu.memory_space<hbm>> -> memref<10000x144xf32, #tpu.memory_space<hbm>>
    tpu.enqueue_indirect_dma source(%dma_start3A_16 : memref<10000x144xf32, #tpu.memory_space<hbm>>) target(%arg10 : memref<100x144xf32, #tpu.memory_space<vmem>>) offsets(%dma_start3A_13 : memref<100xi32, #tpu.memory_space<vmem>>) semaphore(%arg14 : memref<!tpu.dma_semaphore, #tpu.memory_space<semaphore_mem>>)
    %dma_start3A_17 = arith.constant 1 : i32
    %dma_start3A_18 = arith.constant 0 : i32
    %dma_start3A_19 = tpu.memref_slice %arg6[%dma_start3A_17, %dma_start3A_18] : memref<100x100xi32, #tpu.memory_space<vmem>> -> memref<1x100xi32, #tpu.memory_space<vmem>>
    %dma_start3A_20 = tpu.memref_squeeze %dma_start3A_19 : memref<1x100xi32, #tpu.memory_space<vmem>> -> memref<100xi32, #tpu.memory_space<vmem>>
    %dma_start3A_21 = arith.constant 0 : i32
    %dma_start3A_22 = arith.constant 0 : i32
    %dma_start3A_23 = tpu.memref_slice %arg2[%dma_start3A_21, %dma_start3A_22] : memref<10000x144xf32, #tpu.memory_space<hbm>> -> memref<10000x144xf32, #tpu.memory_space<hbm>>
    tpu.enqueue_indirect_dma source(%dma_start3A_23 : memref<10000x144xf32, #tpu.memory_space<hbm>>) target(%arg11 : memref<100x144xf32, #tpu.memory_space<vmem>>) offsets(%dma_start3A_20 : memref<100xi32, #tpu.memory_space<vmem>>) semaphore(%arg15 : memref<!tpu.dma_semaphore, #tpu.memory_space<semaphore_mem>>)
    %dma_start3A_24 = arith.constant 2 : i32
    %dma_start3A_25 = arith.constant 0 : i32
    %dma_start3A_26 = tpu.memref_slice %arg6[%dma_start3A_24, %dma_start3A_25] : memref<100x100xi32, #tpu.memory_space<vmem>> -> memref<1x100xi32, #tpu.memory_space<vmem>>
    %dma_start3A_27 = tpu.memref_squeeze %dma_start3A_26 : memref<1x100xi32, #tpu.memory_space<vmem>> -> memref<100xi32, #tpu.memory_space<vmem>>
    %dma_start3A_28 = arith.constant 0 : i32
    %dma_start3A_29 = arith.constant 0 : i32
    %dma_start3A_30 = tpu.memref_slice %arg2[%dma_start3A_28, %dma_start3A_29] : memref<10000x144xf32, #tpu.memory_space<hbm>> -> memref<10000x144xf32, #tpu.memory_space<hbm>>
    tpu.enqueue_indirect_dma source(%dma_start3A_30 : memref<10000x144xf32, #tpu.memory_space<hbm>>) target(%arg12 : memref<100x144xf32, #tpu.memory_space<vmem>>) offsets(%dma_start3A_27 : memref<100xi32, #tpu.memory_space<vmem>>) semaphore(%arg16 : memref<!tpu.dma_semaphore, #tpu.memory_space<semaphore_mem>>)
    %dma_start3A_31 = arith.constant 3 : i32
    %dma_start3A_32 = arith.constant 0 : i32
    %dma_start3A_33 = tpu.memref_slice %arg6[%dma_start3A_31, %dma_start3A_32] : memref<100x100xi32, #tpu.memory_space<vmem>> -> memref<1x100xi32, #tpu.memory_space<vmem>>
    %dma_start3A_34 = tpu.memref_squeeze %dma_start3A_33 : memref<1x100xi32, #tpu.memory_space<vmem>> -> memref<100xi32, #tpu.memory_space<vmem>>
    %dma_start3A_35 = arith.constant 0 : i32
    %dma_start3A_36 = arith.constant 0 : i32
    %dma_start3A_37 = tpu.memref_slice %arg2[%dma_start3A_35, %dma_start3A_36] : memref<10000x144xf32, #tpu.memory_space<hbm>> -> memref<10000x144xf32, #tpu.memory_space<hbm>>
    tpu.enqueue_indirect_dma source(%dma_start3A_37 : memref<10000x144xf32, #tpu.memory_space<hbm>>) target(%arg13 : memref<100x144xf32, #tpu.memory_space<vmem>>) offsets(%dma_start3A_34 : memref<100xi32, #tpu.memory_space<vmem>>) semaphore(%arg17 : memref<!tpu.dma_semaphore, #tpu.memory_space<semaphore_mem>>)
    %scan3A_38 = arith.constant 0 : i32
    %scan3A_39 = arith.constant 25 : i32
    %scan3A_40 = arith.addi %scan3A_38, %scan3A_39 : i32
    %scan3A_41 = arith.constant 1 : i32
    scf.for %scan3A_48 = %scan3A_38 to %scan3A_40 step %scan3A_41  : i32 {
      %mul3A_49 = arith.constant 4 : i32
      %mul3A_50 = arith.muli %scan3A_48, %mul3A_49 : i32
      %add3A_51 = arith.constant 0 : i32
      %add3A_52 = arith.addi %add3A_51, %mul3A_50 : i32
      %add3A_53 = arith.constant 0 : i32
      %add3A_54 = arith.addi %add3A_52, %add3A_53 : i32
      %dma_wait3A = arith.constant 0 : i32
      %dma_wait3A_55 = tpu.memref_slice %arg6[%add3A_54, %dma_wait3A] : memref<100x100xi32, #tpu.memory_space<vmem>> -> memref<1x100xi32, #tpu.memory_space<vmem>>
      %dma_wait3A_56 = tpu.memref_squeeze %dma_wait3A_55 : memref<1x100xi32, #tpu.memory_space<vmem>> -> memref<100xi32, #tpu.memory_space<vmem>>
      %dma_wait3A_57 = arith.constant 0 : i32
      %dma_wait3A_58 = arith.constant 0 : i32
      %dma_wait3A_59 = tpu.memref_slice %arg2[%dma_wait3A_57, %dma_wait3A_58] : memref<10000x144xf32, #tpu.memory_space<hbm>> -> memref<10000x144xf32, #tpu.memory_space<hbm>>
      tpu.wait_indirect_dma semaphore(%arg14 : memref<!tpu.dma_semaphore, #tpu.memory_space<semaphore_mem>>) src(%dma_wait3A_59 : memref<10000x144xf32, #tpu.memory_space<hbm>>) dst(%arg10 : memref<100x144xf32, #tpu.memory_space<vmem>>)
      %add3A_60 = arith.constant 0 : i32
      %add3A_61 = arith.addi %add3A_52, %add3A_60 : i32
      %dma_start3A_62 = arith.constant 0 : i32
      %dma_start3A_63 = tpu.memref_slice %arg7[%add3A_61, %dma_start3A_62] : memref<100x100xi32, #tpu.memory_space<vmem>> -> memref<1x100xi32, #tpu.memory_space<vmem>>
      %dma_start3A_64 = tpu.memref_squeeze %dma_start3A_63 : memref<1x100xi32, #tpu.memory_space<vmem>> -> memref<100xi32, #tpu.memory_space<vmem>>
      %dma_start3A_65 = arith.constant 0 : i32
      %dma_start3A_66 = arith.constant 0 : i32
      %dma_start3A_67 = tpu.memref_slice %arg9[%dma_start3A_65, %dma_start3A_66] : memref<5120x144xf32, #tpu.memory_space<vmem_shared>> -> memref<5120x144xf32, #tpu.memory_space<vmem_shared>>
      tpu.enqueue_indirect_dma source(%arg10 : memref<100x144xf32, #tpu.memory_space<vmem>>) target(%dma_start3A_67 : memref<5120x144xf32, #tpu.memory_space<vmem_shared>>) offsets(%dma_start3A_64 : memref<100xi32, #tpu.memory_space<vmem>>) semaphore(%arg18 : memref<!tpu.dma_semaphore, #tpu.memory_space<semaphore_mem>>) {add = true}
      %add3A_68 = arith.constant 1 : i32
      %add3A_69 = arith.addi %add3A_52, %add3A_68 : i32
      %dma_wait3A_70 = arith.constant 0 : i32
      %dma_wait3A_71 = tpu.memref_slice %arg6[%add3A_69, %dma_wait3A_70] : memref<100x100xi32, #tpu.memory_space<vmem>> -> memref<1x100xi32, #tpu.memory_space<vmem>>
      %dma_wait3A_72 = tpu.memref_squeeze %dma_wait3A_71 : memref<1x100xi32, #tpu.memory_space<vmem>> -> memref<100xi32, #tpu.memory_space<vmem>>
      %dma_wait3A_73 = arith.constant 0 : i32
      %dma_wait3A_74 = arith.constant 0 : i32
      %dma_wait3A_75 = tpu.memref_slice %arg2[%dma_wait3A_73, %dma_wait3A_74] : memref<10000x144xf32, #tpu.memory_space<hbm>> -> memref<10000x144xf32, #tpu.memory_space<hbm>>
      tpu.wait_indirect_dma semaphore(%arg15 : memref<!tpu.dma_semaphore, #tpu.memory_space<semaphore_mem>>) src(%dma_wait3A_75 : memref<10000x144xf32, #tpu.memory_space<hbm>>) dst(%arg11 : memref<100x144xf32, #tpu.memory_space<vmem>>)
      %add3A_76 = arith.constant 1 : i32
      %add3A_77 = arith.addi %add3A_52, %add3A_76 : i32
      %dma_start3A_78 = arith.constant 0 : i32
      %dma_start3A_79 = tpu.memref_slice %arg7[%add3A_77, %dma_start3A_78] : memref<100x100xi32, #tpu.memory_space<vmem>> -> memref<1x100xi32, #tpu.memory_space<vmem>>
      %dma_start3A_80 = tpu.memref_squeeze %dma_start3A_79 : memref<1x100xi32, #tpu.memory_space<vmem>> -> memref<100xi32, #tpu.memory_space<vmem>>
      %dma_start3A_81 = arith.constant 0 : i32
      %dma_start3A_82 = arith.constant 0 : i32
      %dma_start3A_83 = tpu.memref_slice %arg9[%dma_start3A_81, %dma_start3A_82] : memref<5120x144xf32, #tpu.memory_space<vmem_shared>> -> memref<5120x144xf32, #tpu.memory_space<vmem_shared>>
      tpu.enqueue_indirect_dma source(%arg11 : memref<100x144xf32, #tpu.memory_space<vmem>>) target(%dma_start3A_83 : memref<5120x144xf32, #tpu.memory_space<vmem_shared>>) offsets(%dma_start3A_80 : memref<100xi32, #tpu.memory_space<vmem>>) semaphore(%arg19 : memref<!tpu.dma_semaphore, #tpu.memory_space<semaphore_mem>>) {add = true}
      %add3A_84 = arith.constant 2 : i32
      %add3A_85 = arith.addi %add3A_52, %add3A_84 : i32
      %dma_wait3A_86 = arith.constant 0 : i32
      %dma_wait3A_87 = tpu.memref_slice %arg6[%add3A_85, %dma_wait3A_86] : memref<100x100xi32, #tpu.memory_space<vmem>> -> memref<1x100xi32, #tpu.memory_space<vmem>>
      %dma_wait3A_88 = tpu.memref_squeeze %dma_wait3A_87 : memref<1x100xi32, #tpu.memory_space<vmem>> -> memref<100xi32, #tpu.memory_space<vmem>>
      %dma_wait3A_89 = arith.constant 0 : i32
      %dma_wait3A_90 = arith.constant 0 : i32
      %dma_wait3A_91 = tpu.memref_slice %arg2[%dma_wait3A_89, %dma_wait3A_90] : memref<10000x144xf32, #tpu.memory_space<hbm>> -> memref<10000x144xf32, #tpu.memory_space<hbm>>
      tpu.wait_indirect_dma semaphore(%arg16 : memref<!tpu.dma_semaphore, #tpu.memory_space<semaphore_mem>>) src(%dma_wait3A_91 : memref<10000x144xf32, #tpu.memory_space<hbm>>) dst(%arg12 : memref<100x144xf32, #tpu.memory_space<vmem>>)
      %add3A_92 = arith.constant 2 : i32
      %add3A_93 = arith.addi %add3A_52, %add3A_92 : i32
      %dma_start3A_94 = arith.constant 0 : i32
      %dma_start3A_95 = tpu.memref_slice %arg7[%add3A_93, %dma_start3A_94] : memref<100x100xi32, #tpu.memory_space<vmem>> -> memref<1x100xi32, #tpu.memory_space<vmem>>
      %dma_start3A_96 = tpu.memref_squeeze %dma_start3A_95 : memref<1x100xi32, #tpu.memory_space<vmem>> -> memref<100xi32, #tpu.memory_space<vmem>>
      %dma_start3A_97 = arith.constant 0 : i32
      %dma_start3A_98 = arith.constant 0 : i32
      %dma_start3A_99 = tpu.memref_slice %arg9[%dma_start3A_97, %dma_start3A_98] : memref<5120x144xf32, #tpu.memory_space<vmem_shared>> -> memref<5120x144xf32, #tpu.memory_space<vmem_shared>>
      tpu.enqueue_indirect_dma source(%arg12 : memref<100x144xf32, #tpu.memory_space<vmem>>) target(%dma_start3A_99 : memref<5120x144xf32, #tpu.memory_space<vmem_shared>>) offsets(%dma_start3A_96 : memref<100xi32, #tpu.memory_space<vmem>>) semaphore(%arg20 : memref<!tpu.dma_semaphore, #tpu.memory_space<semaphore_mem>>) {add = true}
      %add3A_100 = arith.constant 3 : i32
      %add3A_101 = arith.addi %add3A_52, %add3A_100 : i32
      %dma_wait3A_102 = arith.constant 0 : i32
      %dma_wait3A_103 = tpu.memref_slice %arg6[%add3A_101, %dma_wait3A_102] : memref<100x100xi32, #tpu.memory_space<vmem>> -> memref<1x100xi32, #tpu.memory_space<vmem>>
      %dma_wait3A_104 = tpu.memref_squeeze %dma_wait3A_103 : memref<1x100xi32, #tpu.memory_space<vmem>> -> memref<100xi32, #tpu.memory_space<vmem>>
      %dma_wait3A_105 = arith.constant 0 : i32
      %dma_wait3A_106 = arith.constant 0 : i32
      %dma_wait3A_107 = tpu.memref_slice %arg2[%dma_wait3A_105, %dma_wait3A_106] : memref<10000x144xf32, #tpu.memory_space<hbm>> -> memref<10000x144xf32, #tpu.memory_space<hbm>>
      tpu.wait_indirect_dma semaphore(%arg17 : memref<!tpu.dma_semaphore, #tpu.memory_space<semaphore_mem>>) src(%dma_wait3A_107 : memref<10000x144xf32, #tpu.memory_space<hbm>>) dst(%arg13 : memref<100x144xf32, #tpu.memory_space<vmem>>)
      %add3A_108 = arith.constant 3 : i32
      %add3A_109 = arith.addi %add3A_52, %add3A_108 : i32
      %dma_start3A_110 = arith.constant 0 : i32
      %dma_start3A_111 = tpu.memref_slice %arg7[%add3A_109, %dma_start3A_110] : memref<100x100xi32, #tpu.memory_space<vmem>> -> memref<1x100xi32, #tpu.memory_space<vmem>>
      %dma_start3A_112 = tpu.memref_squeeze %dma_start3A_111 : memref<1x100xi32, #tpu.memory_space<vmem>> -> memref<100xi32, #tpu.memory_space<vmem>>
      %dma_start3A_113 = arith.constant 0 : i32
      %dma_start3A_114 = arith.constant 0 : i32
      %dma_start3A_115 = tpu.memref_slice %arg9[%dma_start3A_113, %dma_start3A_114] : memref<5120x144xf32, #tpu.memory_space<vmem_shared>> -> memref<5120x144xf32, #tpu.memory_space<vmem_shared>>
      tpu.enqueue_indirect_dma source(%arg13 : memref<100x144xf32, #tpu.memory_space<vmem>>) target(%dma_start3A_115 : memref<5120x144xf32, #tpu.memory_space<vmem_shared>>) offsets(%dma_start3A_112 : memref<100xi32, #tpu.memory_space<vmem>>) semaphore(%arg21 : memref<!tpu.dma_semaphore, #tpu.memory_space<semaphore_mem>>) {add = true}
      %add3A_116 = arith.constant 0 : i32
      %add3A_117 = arith.addi %add3A_52, %add3A_116 : i32
      %dma_wait3A_118 = arith.constant 0 : i32
      %dma_wait3A_119 = tpu.memref_slice %arg7[%add3A_117, %dma_wait3A_118] : memref<100x100xi32, #tpu.memory_space<vmem>> -> memref<1x100xi32, #tpu.memory_space<vmem>>
      %dma_wait3A_120 = tpu.memref_squeeze %dma_wait3A_119 : memref<1x100xi32, #tpu.memory_space<vmem>> -> memref<100xi32, #tpu.memory_space<vmem>>
      %dma_wait3A_121 = arith.constant 0 : i32
      %dma_wait3A_122 = arith.constant 0 : i32
      %dma_wait3A_123 = tpu.memref_slice %arg9[%dma_wait3A_121, %dma_wait3A_122] : memref<5120x144xf32, #tpu.memory_space<vmem_shared>> -> memref<5120x144xf32, #tpu.memory_space<vmem_shared>>
      tpu.wait_indirect_dma semaphore(%arg18 : memref<!tpu.dma_semaphore, #tpu.memory_space<semaphore_mem>>) src(%arg10 : memref<100x144xf32, #tpu.memory_space<vmem>>) dst(%dma_wait3A_123 : memref<5120x144xf32, #tpu.memory_space<vmem_shared>>)
      %add3A_124 = arith.constant 0 : i32
      %add3A_125 = arith.addi %add3A_52, %add3A_124 : i32
      %add3A_126 = arith.constant 4 : i32
      %add3A_127 = arith.addi %add3A_125, %add3A_126 : i32
      %lt3A = arith.constant 100 : i32
      %lt3A_128 = arith.cmpi slt, %add3A_127, %lt3A : i32
      %convert_element_type3A = arith.extui %lt3A_128 : i1 to i32
      %cond3A = arith.constant 0 : i32
      %cond3A_129 = arith.cmpi ne, %convert_element_type3A, %cond3A : i32
      scf.if %cond3A_129 {
        %add3A_181 = arith.constant 0 : i32
        %add3A_182 = arith.addi %add3A_52, %add3A_181 : i32
        %add3A_183 = arith.constant 4 : i32
        %add3A_184 = arith.addi %add3A_182, %add3A_183 : i32
        %dma_start3A_185 = arith.constant 0 : i32
        %dma_start3A_186 = tpu.memref_slice %arg6[%add3A_184, %dma_start3A_185] : memref<100x100xi32, #tpu.memory_space<vmem>> -> memref<1x100xi32, #tpu.memory_space<vmem>>
        %dma_start3A_187 = tpu.memref_squeeze %dma_start3A_186 : memref<1x100xi32, #tpu.memory_space<vmem>> -> memref<100xi32, #tpu.memory_space<vmem>>
        %dma_start3A_188 = arith.constant 0 : i32
        %dma_start3A_189 = arith.constant 0 : i32
        %dma_start3A_190 = tpu.memref_slice %arg2[%dma_start3A_188, %dma_start3A_189] : memref<10000x144xf32, #tpu.memory_space<hbm>> -> memref<10000x144xf32, #tpu.memory_space<hbm>>
        tpu.enqueue_indirect_dma source(%dma_start3A_190 : memref<10000x144xf32, #tpu.memory_space<hbm>>) target(%arg10 : memref<100x144xf32, #tpu.memory_space<vmem>>) offsets(%dma_start3A_187 : memref<100xi32, #tpu.memory_space<vmem>>) semaphore(%arg14 : memref<!tpu.dma_semaphore, #tpu.memory_space<semaphore_mem>>)
      } else {
      }
      %add3A_130 = arith.constant 1 : i32
      %add3A_131 = arith.addi %add3A_52, %add3A_130 : i32
      %dma_wait3A_132 = arith.constant 0 : i32
      %dma_wait3A_133 = tpu.memref_slice %arg7[%add3A_131, %dma_wait3A_132] : memref<100x100xi32, #tpu.memory_space<vmem>> -> memref<1x100xi32, #tpu.memory_space<vmem>>
      %dma_wait3A_134 = tpu.memref_squeeze %dma_wait3A_133 : memref<1x100xi32, #tpu.memory_space<vmem>> -> memref<100xi32, #tpu.memory_space<vmem>>
      %dma_wait3A_135 = arith.constant 0 : i32
      %dma_wait3A_136 = arith.constant 0 : i32
      %dma_wait3A_137 = tpu.memref_slice %arg9[%dma_wait3A_135, %dma_wait3A_136] : memref<5120x144xf32, #tpu.memory_space<vmem_shared>> -> memref<5120x144xf32, #tpu.memory_space<vmem_shared>>
      tpu.wait_indirect_dma semaphore(%arg19 : memref<!tpu.dma_semaphore, #tpu.memory_space<semaphore_mem>>) src(%arg11 : memref<100x144xf32, #tpu.memory_space<vmem>>) dst(%dma_wait3A_137 : memref<5120x144xf32, #tpu.memory_space<vmem_shared>>)
      %add3A_138 = arith.constant 1 : i32
      %add3A_139 = arith.addi %add3A_52, %add3A_138 : i32
      %add3A_140 = arith.constant 4 : i32
      %add3A_141 = arith.addi %add3A_139, %add3A_140 : i32
      %lt3A_142 = arith.constant 100 : i32
      %lt3A_143 = arith.cmpi slt, %add3A_141, %lt3A_142 : i32
      %convert_element_type3A_144 = arith.extui %lt3A_143 : i1 to i32
      %cond3A_145 = arith.constant 0 : i32
      %cond3A_146 = arith.cmpi ne, %convert_element_type3A_144, %cond3A_145 : i32
      scf.if %cond3A_146 {
        %add3A_181 = arith.constant 1 : i32
        %add3A_182 = arith.addi %add3A_52, %add3A_181 : i32
        %add3A_183 = arith.constant 4 : i32
        %add3A_184 = arith.addi %add3A_182, %add3A_183 : i32
        %dma_start3A_185 = arith.constant 0 : i32
        %dma_start3A_186 = tpu.memref_slice %arg6[%add3A_184, %dma_start3A_185] : memref<100x100xi32, #tpu.memory_space<vmem>> -> memref<1x100xi32, #tpu.memory_space<vmem>>
        %dma_start3A_187 = tpu.memref_squeeze %dma_start3A_186 : memref<1x100xi32, #tpu.memory_space<vmem>> -> memref<100xi32, #tpu.memory_space<vmem>>
        %dma_start3A_188 = arith.constant 0 : i32
        %dma_start3A_189 = arith.constant 0 : i32
        %dma_start3A_190 = tpu.memref_slice %arg2[%dma_start3A_188, %dma_start3A_189] : memref<10000x144xf32, #tpu.memory_space<hbm>> -> memref<10000x144xf32, #tpu.memory_space<hbm>>
        tpu.enqueue_indirect_dma source(%dma_start3A_190 : memref<10000x144xf32, #tpu.memory_space<hbm>>) target(%arg11 : memref<100x144xf32, #tpu.memory_space<vmem>>) offsets(%dma_start3A_187 : memref<100xi32, #tpu.memory_space<vmem>>) semaphore(%arg15 : memref<!tpu.dma_semaphore, #tpu.memory_space<semaphore_mem>>)
      } else {
      }
      %add3A_147 = arith.constant 2 : i32
      %add3A_148 = arith.addi %add3A_52, %add3A_147 : i32
      %dma_wait3A_149 = arith.constant 0 : i32
      %dma_wait3A_150 = tpu.memref_slice %arg7[%add3A_148, %dma_wait3A_149] : memref<100x100xi32, #tpu.memory_space<vmem>> -> memref<1x100xi32, #tpu.memory_space<vmem>>
      %dma_wait3A_151 = tpu.memref_squeeze %dma_wait3A_150 : memref<1x100xi32, #tpu.memory_space<vmem>> -> memref<100xi32, #tpu.memory_space<vmem>>
      %dma_wait3A_152 = arith.constant 0 : i32
      %dma_wait3A_153 = arith.constant 0 : i32
      %dma_wait3A_154 = tpu.memref_slice %arg9[%dma_wait3A_152, %dma_wait3A_153] : memref<5120x144xf32, #tpu.memory_space<vmem_shared>> -> memref<5120x144xf32, #tpu.memory_space<vmem_shared>>
      tpu.wait_indirect_dma semaphore(%arg20 : memref<!tpu.dma_semaphore, #tpu.memory_space<semaphore_mem>>) src(%arg12 : memref<100x144xf32, #tpu.memory_space<vmem>>) dst(%dma_wait3A_154 : memref<5120x144xf32, #tpu.memory_space<vmem_shared>>)
      %add3A_155 = arith.constant 2 : i32
      %add3A_156 = arith.addi %add3A_52, %add3A_155 : i32
      %add3A_157 = arith.constant 4 : i32
      %add3A_158 = arith.addi %add3A_156, %add3A_157 : i32
      %lt3A_159 = arith.constant 100 : i32
      %lt3A_160 = arith.cmpi slt, %add3A_158, %lt3A_159 : i32
      %convert_element_type3A_161 = arith.extui %lt3A_160 : i1 to i32
      %cond3A_162 = arith.constant 0 : i32
      %cond3A_163 = arith.cmpi ne, %convert_element_type3A_161, %cond3A_162 : i32
      scf.if %cond3A_163 {
        %add3A_181 = arith.constant 2 : i32
        %add3A_182 = arith.addi %add3A_52, %add3A_181 : i32
        %add3A_183 = arith.constant 4 : i32
        %add3A_184 = arith.addi %add3A_182, %add3A_183 : i32
        %dma_start3A_185 = arith.constant 0 : i32
        %dma_start3A_186 = tpu.memref_slice %arg6[%add3A_184, %dma_start3A_185] : memref<100x100xi32, #tpu.memory_space<vmem>> -> memref<1x100xi32, #tpu.memory_space<vmem>>
        %dma_start3A_187 = tpu.memref_squeeze %dma_start3A_186 : memref<1x100xi32, #tpu.memory_space<vmem>> -> memref<100xi32, #tpu.memory_space<vmem>>
        %dma_start3A_188 = arith.constant 0 : i32
        %dma_start3A_189 = arith.constant 0 : i32
        %dma_start3A_190 = tpu.memref_slice %arg2[%dma_start3A_188, %dma_start3A_189] : memref<10000x144xf32, #tpu.memory_space<hbm>> -> memref<10000x144xf32, #tpu.memory_space<hbm>>
        tpu.enqueue_indirect_dma source(%dma_start3A_190 : memref<10000x144xf32, #tpu.memory_space<hbm>>) target(%arg12 : memref<100x144xf32, #tpu.memory_space<vmem>>) offsets(%dma_start3A_187 : memref<100xi32, #tpu.memory_space<vmem>>) semaphore(%arg16 : memref<!tpu.dma_semaphore, #tpu.memory_space<semaphore_mem>>)
      } else {
      }
      %add3A_164 = arith.constant 3 : i32
      %add3A_165 = arith.addi %add3A_52, %add3A_164 : i32
      %dma_wait3A_166 = arith.constant 0 : i32
      %dma_wait3A_167 = tpu.memref_slice %arg7[%add3A_165, %dma_wait3A_166] : memref<100x100xi32, #tpu.memory_space<vmem>> -> memref<1x100xi32, #tpu.memory_space<vmem>>
      %dma_wait3A_168 = tpu.memref_squeeze %dma_wait3A_167 : memref<1x100xi32, #tpu.memory_space<vmem>> -> memref<100xi32, #tpu.memory_space<vmem>>
      %dma_wait3A_169 = arith.constant 0 : i32
      %dma_wait3A_170 = arith.constant 0 : i32
      %dma_wait3A_171 = tpu.memref_slice %arg9[%dma_wait3A_169, %dma_wait3A_170] : memref<5120x144xf32, #tpu.memory_space<vmem_shared>> -> memref<5120x144xf32, #tpu.memory_space<vmem_shared>>
      tpu.wait_indirect_dma semaphore(%arg21 : memref<!tpu.dma_semaphore, #tpu.memory_space<semaphore_mem>>) src(%arg13 : memref<100x144xf32, #tpu.memory_space<vmem>>) dst(%dma_wait3A_171 : memref<5120x144xf32, #tpu.memory_space<vmem_shared>>)
      %add3A_172 = arith.constant 3 : i32
      %add3A_173 = arith.addi %add3A_52, %add3A_172 : i32
      %add3A_174 = arith.constant 4 : i32
      %add3A_175 = arith.addi %add3A_173, %add3A_174 : i32
      %lt3A_176 = arith.constant 100 : i32
      %lt3A_177 = arith.cmpi slt, %add3A_175, %lt3A_176 : i32
      %convert_element_type3A_178 = arith.extui %lt3A_177 : i1 to i32
      %cond3A_179 = arith.constant 0 : i32
      %cond3A_180 = arith.cmpi ne, %convert_element_type3A_178, %cond3A_179 : i32
      scf.if %cond3A_180 {
        %add3A_181 = arith.constant 3 : i32
        %add3A_182 = arith.addi %add3A_52, %add3A_181 : i32
        %add3A_183 = arith.constant 4 : i32
        %add3A_184 = arith.addi %add3A_182, %add3A_183 : i32
        %dma_start3A_185 = arith.constant 0 : i32
        %dma_start3A_186 = tpu.memref_slice %arg6[%add3A_184, %dma_start3A_185] : memref<100x100xi32, #tpu.memory_space<vmem>> -> memref<1x100xi32, #tpu.memory_space<vmem>>
        %dma_start3A_187 = tpu.memref_squeeze %dma_start3A_186 : memref<1x100xi32, #tpu.memory_space<vmem>> -> memref<100xi32, #tpu.memory_space<vmem>>
        %dma_start3A_188 = arith.constant 0 : i32
        %dma_start3A_189 = arith.constant 0 : i32
        %dma_start3A_190 = tpu.memref_slice %arg2[%dma_start3A_188, %dma_start3A_189] : memref<10000x144xf32, #tpu.memory_space<hbm>> -> memref<10000x144xf32, #tpu.memory_space<hbm>>
        tpu.enqueue_indirect_dma source(%dma_start3A_190 : memref<10000x144xf32, #tpu.memory_space<hbm>>) target(%arg13 : memref<100x144xf32, #tpu.memory_space<vmem>>) offsets(%dma_start3A_187 : memref<100xi32, #tpu.memory_space<vmem>>) semaphore(%arg17 : memref<!tpu.dma_semaphore, #tpu.memory_space<semaphore_mem>>)
      } else {
      }
    }
    %scan3A_42 = arith.constant 25 : i32
    %barrier3A_43 = arith.constant 0 : index
    tpu.barrier barrier_id(%barrier3A_43)
    %mul3A_44 = arith.constant 320 : i32
    %mul3A_45 = arith.muli %arg1, %mul3A_44 : i32
    %mul3A_46 = arith.constant 320 : i32
    %mul3A_47 = arith.muli %arg1, %mul3A_46 : i32
    "tpu.region"() ({
      %run_scoped3A = tpu.sem_alloc : memref<!tpu.dma_semaphore, #tpu.memory_space<semaphore_mem>>
      %dma_start3A_48 = arith.constant 0 : i32
      %dma_start3A_49 = tpu.memref_slice %arg5[%arg0, %mul3A_47, %dma_start3A_48] : memref<2x5120x144xf32, #tpu.memory_space<hbm>> -> memref<1x320x144xf32, #tpu.memory_space<hbm>>
      %dma_start3A_50 = tpu.memref_squeeze %dma_start3A_49 : memref<1x320x144xf32, #tpu.memory_space<hbm>> -> memref<320x144xf32, #tpu.memory_space<hbm>>
      %dma_start3A_51 = arith.constant 0 : i32
      %dma_start3A_52 = tpu.memref_slice %arg9[%mul3A_45, %dma_start3A_51] : memref<5120x144xf32, #tpu.memory_space<vmem_shared>> -> memref<320x144xf32, #tpu.memory_space<vmem_shared>>
      tpu.enqueue_dma source(%dma_start3A_52 : memref<320x144xf32, #tpu.memory_space<vmem_shared>>) target(%dma_start3A_50 : memref<320x144xf32, #tpu.memory_space<hbm>>) target_semaphore(%run_scoped3A : memref<!tpu.dma_semaphore, #tpu.memory_space<semaphore_mem>>)
      %dma_wait3A = arith.constant 0 : i32
      %dma_wait3A_53 = tpu.memref_slice %arg5[%arg0, %mul3A_47, %dma_wait3A] : memref<2x5120x144xf32, #tpu.memory_space<hbm>> -> memref<1x320x144xf32, #tpu.memory_space<hbm>>
      %dma_wait3A_54 = tpu.memref_squeeze %dma_wait3A_53 : memref<1x320x144xf32, #tpu.memory_space<hbm>> -> memref<320x144xf32, #tpu.memory_space<hbm>>
      %dma_wait3A_55 = arith.constant 0 : i32
      %dma_wait3A_56 = tpu.memref_slice %arg9[%mul3A_45, %dma_wait3A_55] : memref<5120x144xf32, #tpu.memory_space<vmem_shared>> -> memref<320x144xf32, #tpu.memory_space<vmem_shared>>
      tpu.wait_dma2 semaphore(%run_scoped3A : memref<!tpu.dma_semaphore, #tpu.memory_space<semaphore_mem>>) src(%dma_wait3A_56 : memref<320x144xf32, #tpu.memory_space<vmem_shared>>) dst(%dma_wait3A_54 : memref<320x144xf32, #tpu.memory_space<hbm>>)
      tpu.yield
    }) : () -> ()
    return
  }
}

#map = affine_map<(d0, d1) -> (0, 0)>
#map1 = affine_map<(d0, d1) -> (0, 0, 0)>
module attributes {stable_mosaic.version = 14 : i64} {
  func.func @k(%arg0: i32, %arg1: i32, %arg2: memref<5120x80xf32, #tpu.memory_space<hbm>>, %arg3: memref<32x100x100xi32, #tpu.memory_space<hbm>>, %arg4: memref<32x100x100xi32, #tpu.memory_space<hbm>>, %arg5: memref<2x10240x80xf32, #tpu.memory_space<hbm>>, %arg6: memref<100x100xi32, #tpu.memory_space<vmem>>, %arg7: memref<100x100xi32, #tpu.memory_space<vmem>>, %arg8: memref<32x80xf32, #tpu.memory_space<vmem>>, %arg9: memref<10240x80xf32, #tpu.memory_space<vmem_shared>>, %arg10: memref<100x80xf32, #tpu.memory_space<vmem>>, %arg11: memref<100x80xf32, #tpu.memory_space<vmem>>, %arg12: memref<100x80xf32, #tpu.memory_space<vmem>>, %arg13: memref<100x80xf32, #tpu.memory_space<vmem>>, %arg14: memref<!tpu.dma_semaphore, #tpu.memory_space<semaphore_mem>>, %arg15: memref<!tpu.dma_semaphore, #tpu.memory_space<semaphore_mem>>, %arg16: memref<!tpu.dma_semaphore, #tpu.memory_space<semaphore_mem>>, %arg17: memref<!tpu.dma_semaphore, #tpu.memory_space<semaphore_mem>>, %arg18: memref<!tpu.dma_semaphore, #tpu.memory_space<semaphore_mem>>, %arg19: memref<!tpu.dma_semaphore, #tpu.memory_space<semaphore_mem>>, %arg20: memref<!tpu.dma_semaphore, #tpu.memory_space<semaphore_mem>>, %arg21: memref<!tpu.dma_semaphore, #tpu.memory_space<semaphore_mem>>) attributes {dimension_semantics = [#tpu.dimension_semantics<core_parallel>, #tpu.dimension_semantics<subcore_parallel>], iteration_bounds = array<i64: 2, 16>, scalar_prefetch = 0 : i64, scratch_operands = 16 : i64, tpu.core_type = #tpu.core_type<sc_vector_subcore>, window_params = [{transform_indices = #map}, {transform_indices = #map1}, {transform_indices = #map1}, {transform_indices = #map1}]} {
    %mul3A = arith.constant 16 : i32
    %mul3A_0 = arith.muli %arg0, %mul3A : i32
    %add3A = arith.addi %mul3A_0, %arg1 : i32
    %broadcast_in_dim3A = arith.constant 0.000000e+00 : f32
    %broadcast_in_dim3A_1 = vector.broadcast %broadcast_in_dim3A : f32 to vector<16xf32>
    %scan3A = arith.constant 0 : i32
    %scan3A_2 = arith.constant 32 : i32
    %scan3A_3 = arith.addi %scan3A, %scan3A_2 : i32
    %scan3A_4 = arith.constant 1 : i32
    scf.for %scan3A_48 = %scan3A to %scan3A_3 step %scan3A_4  : i32 {
      %mul3A_49 = arith.constant 1 : i32
      %mul3A_50 = arith.muli %scan3A_48, %mul3A_49 : i32
      %add3A_51 = arith.constant 0 : i32
      %add3A_52 = arith.addi %add3A_51, %mul3A_50 : i32
      %scan3A_53 = arith.constant 0 : i32
      %scan3A_54 = arith.constant 5 : i32
      %scan3A_55 = arith.addi %scan3A_53, %scan3A_54 : i32
      %scan3A_56 = arith.constant 1 : i32
      scf.for %scan3A_58 = %scan3A_53 to %scan3A_55 step %scan3A_56  : i32 {
        %mul3A_59 = arith.constant 16 : i32
        %mul3A_60 = arith.muli %scan3A_58, %mul3A_59 : i32
        %add3A_61 = arith.constant 0 : i32
        %add3A_62 = arith.addi %add3A_61, %mul3A_60 : i32
        %swap3A = arith.index_cast %add3A_52 : i32 to index
        %swap3A_63 = arith.index_cast %add3A_62 : i32 to index
        %swap3A_64 = tpu.vector_load %arg8[%swap3A, %swap3A_63] {strides = array<i32>} : memref<32x80xf32, #tpu.memory_space<vmem>>, vector<1x16xf32>,
        %swap3A_65 = vector.shape_cast %swap3A_64 : vector<1x16xf32> to vector<16xf32>
        %swap3A_66 = vector.shape_cast %broadcast_in_dim3A_1 : vector<16xf32> to vector<1x16xf32>
        tpu.vector_store %arg8[%swap3A, %swap3A_63], %swap3A_66 {strides = array<i32>} : memref<32x80xf32, #tpu.memory_space<vmem>>, vector<1x16xf32>,
      }
      %scan3A_57 = arith.constant 5 : i32
    }
    %scan3A_5 = arith.constant 32 : i32
    "tpu.region"() ({
      %run_scoped3A = tpu.sem_alloc : memref<!tpu.dma_semaphore, #tpu.memory_space<semaphore_mem>>
      %dma_start3A_48 = arith.constant 0 : i32
      %dma_start3A_49 = arith.constant 0 : i32
      %dma_start3A_50 = tpu.memref_slice %arg3[%add3A, %dma_start3A_48, %dma_start3A_49] : memref<32x100x100xi32, #tpu.memory_space<hbm>> -> memref<1x100x100xi32, #tpu.memory_space<hbm>>
      %dma_start3A_51 = tpu.memref_squeeze %dma_start3A_50 : memref<1x100x100xi32, #tpu.memory_space<hbm>> -> memref<100x100xi32, #tpu.memory_space<hbm>>
      %dma_start3A_52 = arith.constant 0 : i32
      %dma_start3A_53 = arith.constant 0 : i32
      %dma_start3A_54 = tpu.memref_slice %arg3[%add3A, %dma_start3A_52, %dma_start3A_53] : memref<32x100x100xi32, #tpu.memory_space<hbm>> -> memref<1x100x100xi32, #tpu.memory_space<hbm>>
      %dma_start3A_55 = tpu.memref_squeeze %dma_start3A_54 : memref<1x100x100xi32, #tpu.memory_space<hbm>> -> memref<100x100xi32, #tpu.memory_space<hbm>>
      tpu.enqueue_dma source(%dma_start3A_55 : memref<100x100xi32, #tpu.memory_space<hbm>>) target(%arg6 : memref<100x100xi32, #tpu.memory_space<vmem>>) target_semaphore(%run_scoped3A : memref<!tpu.dma_semaphore, #tpu.memory_space<semaphore_mem>>)
      %dma_wait3A = arith.constant 0 : i32
      %dma_wait3A_56 = arith.constant 0 : i32
      %dma_wait3A_57 = tpu.memref_slice %arg3[%add3A, %dma_wait3A, %dma_wait3A_56] : memref<32x100x100xi32, #tpu.memory_space<hbm>> -> memref<1x100x100xi32, #tpu.memory_space<hbm>>
      %dma_wait3A_58 = tpu.memref_squeeze %dma_wait3A_57 : memref<1x100x100xi32, #tpu.memory_space<hbm>> -> memref<100x100xi32, #tpu.memory_space<hbm>>
      %dma_wait3A_59 = arith.constant 0 : i32
      %dma_wait3A_60 = arith.constant 0 : i32
      %dma_wait3A_61 = tpu.memref_slice %arg3[%add3A, %dma_wait3A_59, %dma_wait3A_60] : memref<32x100x100xi32, #tpu.memory_space<hbm>> -> memref<1x100x100xi32, #tpu.memory_space<hbm>>
      %dma_wait3A_62 = tpu.memref_squeeze %dma_wait3A_61 : memref<1x100x100xi32, #tpu.memory_space<hbm>> -> memref<100x100xi32, #tpu.memory_space<hbm>>
      tpu.wait_dma2 semaphore(%run_scoped3A : memref<!tpu.dma_semaphore, #tpu.memory_space<semaphore_mem>>) src(%dma_wait3A_62 : memref<100x100xi32, #tpu.memory_space<hbm>>) dst(%arg6 : memref<100x100xi32, #tpu.memory_space<vmem>>)
      tpu.yield
    }) : () -> ()
    "tpu.region"() ({
      %run_scoped3A = tpu.sem_alloc : memref<!tpu.dma_semaphore, #tpu.memory_space<semaphore_mem>>
      %dma_start3A_48 = arith.constant 0 : i32
      %dma_start3A_49 = arith.constant 0 : i32
      %dma_start3A_50 = tpu.memref_slice %arg4[%add3A, %dma_start3A_48, %dma_start3A_49] : memref<32x100x100xi32, #tpu.memory_space<hbm>> -> memref<1x100x100xi32, #tpu.memory_space<hbm>>
      %dma_start3A_51 = tpu.memref_squeeze %dma_start3A_50 : memref<1x100x100xi32, #tpu.memory_space<hbm>> -> memref<100x100xi32, #tpu.memory_space<hbm>>
      %dma_start3A_52 = arith.constant 0 : i32
      %dma_start3A_53 = arith.constant 0 : i32
      %dma_start3A_54 = tpu.memref_slice %arg4[%add3A, %dma_start3A_52, %dma_start3A_53] : memref<32x100x100xi32, #tpu.memory_space<hbm>> -> memref<1x100x100xi32, #tpu.memory_space<hbm>>
      %dma_start3A_55 = tpu.memref_squeeze %dma_start3A_54 : memref<1x100x100xi32, #tpu.memory_space<hbm>> -> memref<100x100xi32, #tpu.memory_space<hbm>>
      tpu.enqueue_dma source(%dma_start3A_55 : memref<100x100xi32, #tpu.memory_space<hbm>>) target(%arg7 : memref<100x100xi32, #tpu.memory_space<vmem>>) target_semaphore(%run_scoped3A : memref<!tpu.dma_semaphore, #tpu.memory_space<semaphore_mem>>)
      %dma_wait3A = arith.constant 0 : i32
      %dma_wait3A_56 = arith.constant 0 : i32
      %dma_wait3A_57 = tpu.memref_slice %arg4[%add3A, %dma_wait3A, %dma_wait3A_56] : memref<32x100x100xi32, #tpu.memory_space<hbm>> -> memref<1x100x100xi32, #tpu.memory_space<hbm>>
      %dma_wait3A_58 = tpu.memref_squeeze %dma_wait3A_57 : memref<1x100x100xi32, #tpu.memory_space<hbm>> -> memref<100x100xi32, #tpu.memory_space<hbm>>
      %dma_wait3A_59 = arith.constant 0 : i32
      %dma_wait3A_60 = arith.constant 0 : i32
      %dma_wait3A_61 = tpu.memref_slice %arg4[%add3A, %dma_wait3A_59, %dma_wait3A_60] : memref<32x100x100xi32, #tpu.memory_space<hbm>> -> memref<1x100x100xi32, #tpu.memory_space<hbm>>
      %dma_wait3A_62 = tpu.memref_squeeze %dma_wait3A_61 : memref<1x100x100xi32, #tpu.memory_space<hbm>> -> memref<100x100xi32, #tpu.memory_space<hbm>>
      tpu.wait_dma2 semaphore(%run_scoped3A : memref<!tpu.dma_semaphore, #tpu.memory_space<semaphore_mem>>) src(%dma_wait3A_62 : memref<100x100xi32, #tpu.memory_space<hbm>>) dst(%arg7 : memref<100x100xi32, #tpu.memory_space<vmem>>)
      tpu.yield
    }) : () -> ()
    %scan3A_6 = arith.constant 0 : i32
    %scan3A_7 = arith.constant 20 : i32
    %scan3A_8 = arith.addi %scan3A_6, %scan3A_7 : i32
    %scan3A_9 = arith.constant 1 : i32
    scf.for %scan3A_48 = %scan3A_6 to %scan3A_8 step %scan3A_9  : i32 {
      %mul3A_49 = arith.constant 32 : i32
      %mul3A_50 = arith.muli %scan3A_48, %mul3A_49 : i32
      %add3A_51 = arith.constant 0 : i32
      %add3A_52 = arith.addi %add3A_51, %mul3A_50 : i32
      %mul3A_53 = arith.constant 640 : i32
      %mul3A_54 = arith.muli %arg1, %mul3A_53 : i32
      %add3A_55 = arith.addi %mul3A_54, %add3A_52 : i32
      "tpu.region"() ({
        %run_scoped3A = tpu.sem_alloc : memref<!tpu.dma_semaphore, #tpu.memory_space<semaphore_mem>>
        %dma_start3A_56 = arith.constant 0 : i32
        %dma_start3A_57 = tpu.memref_slice %arg9[%add3A_55, %dma_start3A_56] : memref<10240x80xf32, #tpu.memory_space<vmem_shared>> -> memref<32x80xf32, #tpu.memory_space<vmem_shared>>
        %dma_start3A_58 = arith.constant 0 : i32
        %dma_start3A_59 = tpu.memref_slice %arg9[%add3A_55, %dma_start3A_58] : memref<10240x80xf32, #tpu.memory_space<vmem_shared>> -> memref<32x80xf32, #tpu.memory_space<vmem_shared>>
        tpu.enqueue_dma source(%arg8 : memref<32x80xf32, #tpu.memory_space<vmem>>) target(%dma_start3A_59 : memref<32x80xf32, #tpu.memory_space<vmem_shared>>) target_semaphore(%run_scoped3A : memref<!tpu.dma_semaphore, #tpu.memory_space<semaphore_mem>>)
        %dma_wait3A = arith.constant 0 : i32
        %dma_wait3A_60 = tpu.memref_slice %arg9[%add3A_55, %dma_wait3A] : memref<10240x80xf32, #tpu.memory_space<vmem_shared>> -> memref<32x80xf32, #tpu.memory_space<vmem_shared>>
        %dma_wait3A_61 = arith.constant 0 : i32
        %dma_wait3A_62 = tpu.memref_slice %arg9[%add3A_55, %dma_wait3A_61] : memref<10240x80xf32, #tpu.memory_space<vmem_shared>> -> memref<32x80xf32, #tpu.memory_space<vmem_shared>>
        tpu.wait_dma2 semaphore(%run_scoped3A : memref<!tpu.dma_semaphore, #tpu.memory_space<semaphore_mem>>) src(%arg8 : memref<32x80xf32, #tpu.memory_space<vmem>>) dst(%dma_wait3A_62 : memref<32x80xf32, #tpu.memory_space<vmem_shared>>)
        tpu.yield
      }) : () -> ()
    }
    %scan3A_10 = arith.constant 20 : i32
    %barrier3A = arith.constant 0 : index
    tpu.barrier barrier_id(%barrier3A)
    %dma_start3A = arith.constant 0 : i32
    %dma_start3A_11 = arith.constant 0 : i32
    %dma_start3A_12 = tpu.memref_slice %arg6[%dma_start3A, %dma_start3A_11] : memref<100x100xi32, #tpu.memory_space<vmem>> -> memref<1x100xi32, #tpu.memory_space<vmem>>
    %dma_start3A_13 = tpu.memref_squeeze %dma_start3A_12 : memref<1x100xi32, #tpu.memory_space<vmem>> -> memref<100xi32, #tpu.memory_space<vmem>>
    %dma_start3A_14 = arith.constant 0 : i32
    %dma_start3A_15 = arith.constant 0 : i32
    %dma_start3A_16 = tpu.memref_slice %arg2[%dma_start3A_14, %dma_start3A_15] : memref<5120x80xf32, #tpu.memory_space<hbm>> -> memref<5120x80xf32, #tpu.memory_space<hbm>>
    tpu.enqueue_indirect_dma source(%dma_start3A_16 : memref<5120x80xf32, #tpu.memory_space<hbm>>) target(%arg10 : memref<100x80xf32, #tpu.memory_space<vmem>>) offsets(%dma_start3A_13 : memref<100xi32, #tpu.memory_space<vmem>>) semaphore(%arg14 : memref<!tpu.dma_semaphore, #tpu.memory_space<semaphore_mem>>)
    %dma_start3A_17 = arith.constant 1 : i32
    %dma_start3A_18 = arith.constant 0 : i32
    %dma_start3A_19 = tpu.memref_slice %arg6[%dma_start3A_17, %dma_start3A_18] : memref<100x100xi32, #tpu.memory_space<vmem>> -> memref<1x100xi32, #tpu.memory_space<vmem>>
    %dma_start3A_20 = tpu.memref_squeeze %dma_start3A_19 : memref<1x100xi32, #tpu.memory_space<vmem>> -> memref<100xi32, #tpu.memory_space<vmem>>
    %dma_start3A_21 = arith.constant 0 : i32
    %dma_start3A_22 = arith.constant 0 : i32
    %dma_start3A_23 = tpu.memref_slice %arg2[%dma_start3A_21, %dma_start3A_22] : memref<5120x80xf32, #tpu.memory_space<hbm>> -> memref<5120x80xf32, #tpu.memory_space<hbm>>
    tpu.enqueue_indirect_dma source(%dma_start3A_23 : memref<5120x80xf32, #tpu.memory_space<hbm>>) target(%arg11 : memref<100x80xf32, #tpu.memory_space<vmem>>) offsets(%dma_start3A_20 : memref<100xi32, #tpu.memory_space<vmem>>) semaphore(%arg15 : memref<!tpu.dma_semaphore, #tpu.memory_space<semaphore_mem>>)
    %dma_start3A_24 = arith.constant 2 : i32
    %dma_start3A_25 = arith.constant 0 : i32
    %dma_start3A_26 = tpu.memref_slice %arg6[%dma_start3A_24, %dma_start3A_25] : memref<100x100xi32, #tpu.memory_space<vmem>> -> memref<1x100xi32, #tpu.memory_space<vmem>>
    %dma_start3A_27 = tpu.memref_squeeze %dma_start3A_26 : memref<1x100xi32, #tpu.memory_space<vmem>> -> memref<100xi32, #tpu.memory_space<vmem>>
    %dma_start3A_28 = arith.constant 0 : i32
    %dma_start3A_29 = arith.constant 0 : i32
    %dma_start3A_30 = tpu.memref_slice %arg2[%dma_start3A_28, %dma_start3A_29] : memref<5120x80xf32, #tpu.memory_space<hbm>> -> memref<5120x80xf32, #tpu.memory_space<hbm>>
    tpu.enqueue_indirect_dma source(%dma_start3A_30 : memref<5120x80xf32, #tpu.memory_space<hbm>>) target(%arg12 : memref<100x80xf32, #tpu.memory_space<vmem>>) offsets(%dma_start3A_27 : memref<100xi32, #tpu.memory_space<vmem>>) semaphore(%arg16 : memref<!tpu.dma_semaphore, #tpu.memory_space<semaphore_mem>>)
    %dma_start3A_31 = arith.constant 3 : i32
    %dma_start3A_32 = arith.constant 0 : i32
    %dma_start3A_33 = tpu.memref_slice %arg6[%dma_start3A_31, %dma_start3A_32] : memref<100x100xi32, #tpu.memory_space<vmem>> -> memref<1x100xi32, #tpu.memory_space<vmem>>
    %dma_start3A_34 = tpu.memref_squeeze %dma_start3A_33 : memref<1x100xi32, #tpu.memory_space<vmem>> -> memref<100xi32, #tpu.memory_space<vmem>>
    %dma_start3A_35 = arith.constant 0 : i32
    %dma_start3A_36 = arith.constant 0 : i32
    %dma_start3A_37 = tpu.memref_slice %arg2[%dma_start3A_35, %dma_start3A_36] : memref<5120x80xf32, #tpu.memory_space<hbm>> -> memref<5120x80xf32, #tpu.memory_space<hbm>>
    tpu.enqueue_indirect_dma source(%dma_start3A_37 : memref<5120x80xf32, #tpu.memory_space<hbm>>) target(%arg13 : memref<100x80xf32, #tpu.memory_space<vmem>>) offsets(%dma_start3A_34 : memref<100xi32, #tpu.memory_space<vmem>>) semaphore(%arg17 : memref<!tpu.dma_semaphore, #tpu.memory_space<semaphore_mem>>)
    %scan3A_38 = arith.constant 0 : i32
    %scan3A_39 = arith.constant 25 : i32
    %scan3A_40 = arith.addi %scan3A_38, %scan3A_39 : i32
    %scan3A_41 = arith.constant 1 : i32
    scf.for %scan3A_48 = %scan3A_38 to %scan3A_40 step %scan3A_41  : i32 {
      %mul3A_49 = arith.constant 4 : i32
      %mul3A_50 = arith.muli %scan3A_48, %mul3A_49 : i32
      %add3A_51 = arith.constant 0 : i32
      %add3A_52 = arith.addi %add3A_51, %mul3A_50 : i32
      %add3A_53 = arith.constant 0 : i32
      %add3A_54 = arith.addi %add3A_52, %add3A_53 : i32
      %dma_wait3A = arith.constant 0 : i32
      %dma_wait3A_55 = tpu.memref_slice %arg6[%add3A_54, %dma_wait3A] : memref<100x100xi32, #tpu.memory_space<vmem>> -> memref<1x100xi32, #tpu.memory_space<vmem>>
      %dma_wait3A_56 = tpu.memref_squeeze %dma_wait3A_55 : memref<1x100xi32, #tpu.memory_space<vmem>> -> memref<100xi32, #tpu.memory_space<vmem>>
      %dma_wait3A_57 = arith.constant 0 : i32
      %dma_wait3A_58 = arith.constant 0 : i32
      %dma_wait3A_59 = tpu.memref_slice %arg2[%dma_wait3A_57, %dma_wait3A_58] : memref<5120x80xf32, #tpu.memory_space<hbm>> -> memref<5120x80xf32, #tpu.memory_space<hbm>>
      tpu.wait_indirect_dma semaphore(%arg14 : memref<!tpu.dma_semaphore, #tpu.memory_space<semaphore_mem>>) src(%dma_wait3A_59 : memref<5120x80xf32, #tpu.memory_space<hbm>>) dst(%arg10 : memref<100x80xf32, #tpu.memory_space<vmem>>)
      %add3A_60 = arith.constant 0 : i32
      %add3A_61 = arith.addi %add3A_52, %add3A_60 : i32
      %dma_start3A_62 = arith.constant 0 : i32
      %dma_start3A_63 = tpu.memref_slice %arg7[%add3A_61, %dma_start3A_62] : memref<100x100xi32, #tpu.memory_space<vmem>> -> memref<1x100xi32, #tpu.memory_space<vmem>>
      %dma_start3A_64 = tpu.memref_squeeze %dma_start3A_63 : memref<1x100xi32, #tpu.memory_space<vmem>> -> memref<100xi32, #tpu.memory_space<vmem>>
      %dma_start3A_65 = arith.constant 0 : i32
      %dma_start3A_66 = arith.constant 0 : i32
      %dma_start3A_67 = tpu.memref_slice %arg9[%dma_start3A_65, %dma_start3A_66] : memref<10240x80xf32, #tpu.memory_space<vmem_shared>> -> memref<10240x80xf32, #tpu.memory_space<vmem_shared>>
      tpu.enqueue_indirect_dma source(%arg10 : memref<100x80xf32, #tpu.memory_space<vmem>>) target(%dma_start3A_67 : memref<10240x80xf32, #tpu.memory_space<vmem_shared>>) offsets(%dma_start3A_64 : memref<100xi32, #tpu.memory_space<vmem>>) semaphore(%arg18 : memref<!tpu.dma_semaphore, #tpu.memory_space<semaphore_mem>>) {add = true}
      %add3A_68 = arith.constant 1 : i32
      %add3A_69 = arith.addi %add3A_52, %add3A_68 : i32
      %dma_wait3A_70 = arith.constant 0 : i32
      %dma_wait3A_71 = tpu.memref_slice %arg6[%add3A_69, %dma_wait3A_70] : memref<100x100xi32, #tpu.memory_space<vmem>> -> memref<1x100xi32, #tpu.memory_space<vmem>>
      %dma_wait3A_72 = tpu.memref_squeeze %dma_wait3A_71 : memref<1x100xi32, #tpu.memory_space<vmem>> -> memref<100xi32, #tpu.memory_space<vmem>>
      %dma_wait3A_73 = arith.constant 0 : i32
      %dma_wait3A_74 = arith.constant 0 : i32
      %dma_wait3A_75 = tpu.memref_slice %arg2[%dma_wait3A_73, %dma_wait3A_74] : memref<5120x80xf32, #tpu.memory_space<hbm>> -> memref<5120x80xf32, #tpu.memory_space<hbm>>
      tpu.wait_indirect_dma semaphore(%arg15 : memref<!tpu.dma_semaphore, #tpu.memory_space<semaphore_mem>>) src(%dma_wait3A_75 : memref<5120x80xf32, #tpu.memory_space<hbm>>) dst(%arg11 : memref<100x80xf32, #tpu.memory_space<vmem>>)
      %add3A_76 = arith.constant 1 : i32
      %add3A_77 = arith.addi %add3A_52, %add3A_76 : i32
      %dma_start3A_78 = arith.constant 0 : i32
      %dma_start3A_79 = tpu.memref_slice %arg7[%add3A_77, %dma_start3A_78] : memref<100x100xi32, #tpu.memory_space<vmem>> -> memref<1x100xi32, #tpu.memory_space<vmem>>
      %dma_start3A_80 = tpu.memref_squeeze %dma_start3A_79 : memref<1x100xi32, #tpu.memory_space<vmem>> -> memref<100xi32, #tpu.memory_space<vmem>>
      %dma_start3A_81 = arith.constant 0 : i32
      %dma_start3A_82 = arith.constant 0 : i32
      %dma_start3A_83 = tpu.memref_slice %arg9[%dma_start3A_81, %dma_start3A_82] : memref<10240x80xf32, #tpu.memory_space<vmem_shared>> -> memref<10240x80xf32, #tpu.memory_space<vmem_shared>>
      tpu.enqueue_indirect_dma source(%arg11 : memref<100x80xf32, #tpu.memory_space<vmem>>) target(%dma_start3A_83 : memref<10240x80xf32, #tpu.memory_space<vmem_shared>>) offsets(%dma_start3A_80 : memref<100xi32, #tpu.memory_space<vmem>>) semaphore(%arg19 : memref<!tpu.dma_semaphore, #tpu.memory_space<semaphore_mem>>) {add = true}
      %add3A_84 = arith.constant 2 : i32
      %add3A_85 = arith.addi %add3A_52, %add3A_84 : i32
      %dma_wait3A_86 = arith.constant 0 : i32
      %dma_wait3A_87 = tpu.memref_slice %arg6[%add3A_85, %dma_wait3A_86] : memref<100x100xi32, #tpu.memory_space<vmem>> -> memref<1x100xi32, #tpu.memory_space<vmem>>
      %dma_wait3A_88 = tpu.memref_squeeze %dma_wait3A_87 : memref<1x100xi32, #tpu.memory_space<vmem>> -> memref<100xi32, #tpu.memory_space<vmem>>
      %dma_wait3A_89 = arith.constant 0 : i32
      %dma_wait3A_90 = arith.constant 0 : i32
      %dma_wait3A_91 = tpu.memref_slice %arg2[%dma_wait3A_89, %dma_wait3A_90] : memref<5120x80xf32, #tpu.memory_space<hbm>> -> memref<5120x80xf32, #tpu.memory_space<hbm>>
      tpu.wait_indirect_dma semaphore(%arg16 : memref<!tpu.dma_semaphore, #tpu.memory_space<semaphore_mem>>) src(%dma_wait3A_91 : memref<5120x80xf32, #tpu.memory_space<hbm>>) dst(%arg12 : memref<100x80xf32, #tpu.memory_space<vmem>>)
      %add3A_92 = arith.constant 2 : i32
      %add3A_93 = arith.addi %add3A_52, %add3A_92 : i32
      %dma_start3A_94 = arith.constant 0 : i32
      %dma_start3A_95 = tpu.memref_slice %arg7[%add3A_93, %dma_start3A_94] : memref<100x100xi32, #tpu.memory_space<vmem>> -> memref<1x100xi32, #tpu.memory_space<vmem>>
      %dma_start3A_96 = tpu.memref_squeeze %dma_start3A_95 : memref<1x100xi32, #tpu.memory_space<vmem>> -> memref<100xi32, #tpu.memory_space<vmem>>
      %dma_start3A_97 = arith.constant 0 : i32
      %dma_start3A_98 = arith.constant 0 : i32
      %dma_start3A_99 = tpu.memref_slice %arg9[%dma_start3A_97, %dma_start3A_98] : memref<10240x80xf32, #tpu.memory_space<vmem_shared>> -> memref<10240x80xf32, #tpu.memory_space<vmem_shared>>
      tpu.enqueue_indirect_dma source(%arg12 : memref<100x80xf32, #tpu.memory_space<vmem>>) target(%dma_start3A_99 : memref<10240x80xf32, #tpu.memory_space<vmem_shared>>) offsets(%dma_start3A_96 : memref<100xi32, #tpu.memory_space<vmem>>) semaphore(%arg20 : memref<!tpu.dma_semaphore, #tpu.memory_space<semaphore_mem>>) {add = true}
      %add3A_100 = arith.constant 3 : i32
      %add3A_101 = arith.addi %add3A_52, %add3A_100 : i32
      %dma_wait3A_102 = arith.constant 0 : i32
      %dma_wait3A_103 = tpu.memref_slice %arg6[%add3A_101, %dma_wait3A_102] : memref<100x100xi32, #tpu.memory_space<vmem>> -> memref<1x100xi32, #tpu.memory_space<vmem>>
      %dma_wait3A_104 = tpu.memref_squeeze %dma_wait3A_103 : memref<1x100xi32, #tpu.memory_space<vmem>> -> memref<100xi32, #tpu.memory_space<vmem>>
      %dma_wait3A_105 = arith.constant 0 : i32
      %dma_wait3A_106 = arith.constant 0 : i32
      %dma_wait3A_107 = tpu.memref_slice %arg2[%dma_wait3A_105, %dma_wait3A_106] : memref<5120x80xf32, #tpu.memory_space<hbm>> -> memref<5120x80xf32, #tpu.memory_space<hbm>>
      tpu.wait_indirect_dma semaphore(%arg17 : memref<!tpu.dma_semaphore, #tpu.memory_space<semaphore_mem>>) src(%dma_wait3A_107 : memref<5120x80xf32, #tpu.memory_space<hbm>>) dst(%arg13 : memref<100x80xf32, #tpu.memory_space<vmem>>)
      %add3A_108 = arith.constant 3 : i32
      %add3A_109 = arith.addi %add3A_52, %add3A_108 : i32
      %dma_start3A_110 = arith.constant 0 : i32
      %dma_start3A_111 = tpu.memref_slice %arg7[%add3A_109, %dma_start3A_110] : memref<100x100xi32, #tpu.memory_space<vmem>> -> memref<1x100xi32, #tpu.memory_space<vmem>>
      %dma_start3A_112 = tpu.memref_squeeze %dma_start3A_111 : memref<1x100xi32, #tpu.memory_space<vmem>> -> memref<100xi32, #tpu.memory_space<vmem>>
      %dma_start3A_113 = arith.constant 0 : i32
      %dma_start3A_114 = arith.constant 0 : i32
      %dma_start3A_115 = tpu.memref_slice %arg9[%dma_start3A_113, %dma_start3A_114] : memref<10240x80xf32, #tpu.memory_space<vmem_shared>> -> memref<10240x80xf32, #tpu.memory_space<vmem_shared>>
      tpu.enqueue_indirect_dma source(%arg13 : memref<100x80xf32, #tpu.memory_space<vmem>>) target(%dma_start3A_115 : memref<10240x80xf32, #tpu.memory_space<vmem_shared>>) offsets(%dma_start3A_112 : memref<100xi32, #tpu.memory_space<vmem>>) semaphore(%arg21 : memref<!tpu.dma_semaphore, #tpu.memory_space<semaphore_mem>>) {add = true}
      %add3A_116 = arith.constant 0 : i32
      %add3A_117 = arith.addi %add3A_52, %add3A_116 : i32
      %dma_wait3A_118 = arith.constant 0 : i32
      %dma_wait3A_119 = tpu.memref_slice %arg7[%add3A_117, %dma_wait3A_118] : memref<100x100xi32, #tpu.memory_space<vmem>> -> memref<1x100xi32, #tpu.memory_space<vmem>>
      %dma_wait3A_120 = tpu.memref_squeeze %dma_wait3A_119 : memref<1x100xi32, #tpu.memory_space<vmem>> -> memref<100xi32, #tpu.memory_space<vmem>>
      %dma_wait3A_121 = arith.constant 0 : i32
      %dma_wait3A_122 = arith.constant 0 : i32
      %dma_wait3A_123 = tpu.memref_slice %arg9[%dma_wait3A_121, %dma_wait3A_122] : memref<10240x80xf32, #tpu.memory_space<vmem_shared>> -> memref<10240x80xf32, #tpu.memory_space<vmem_shared>>
      tpu.wait_indirect_dma semaphore(%arg18 : memref<!tpu.dma_semaphore, #tpu.memory_space<semaphore_mem>>) src(%arg10 : memref<100x80xf32, #tpu.memory_space<vmem>>) dst(%dma_wait3A_123 : memref<10240x80xf32, #tpu.memory_space<vmem_shared>>)
      %add3A_124 = arith.constant 0 : i32
      %add3A_125 = arith.addi %add3A_52, %add3A_124 : i32
      %add3A_126 = arith.constant 4 : i32
      %add3A_127 = arith.addi %add3A_125, %add3A_126 : i32
      %lt3A = arith.constant 100 : i32
      %lt3A_128 = arith.cmpi slt, %add3A_127, %lt3A : i32
      %convert_element_type3A = arith.extui %lt3A_128 : i1 to i32
      %cond3A = arith.constant 0 : i32
      %cond3A_129 = arith.cmpi ne, %convert_element_type3A, %cond3A : i32
      scf.if %cond3A_129 {
        %add3A_181 = arith.constant 0 : i32
        %add3A_182 = arith.addi %add3A_52, %add3A_181 : i32
        %add3A_183 = arith.constant 4 : i32
        %add3A_184 = arith.addi %add3A_182, %add3A_183 : i32
        %dma_start3A_185 = arith.constant 0 : i32
        %dma_start3A_186 = tpu.memref_slice %arg6[%add3A_184, %dma_start3A_185] : memref<100x100xi32, #tpu.memory_space<vmem>> -> memref<1x100xi32, #tpu.memory_space<vmem>>
        %dma_start3A_187 = tpu.memref_squeeze %dma_start3A_186 : memref<1x100xi32, #tpu.memory_space<vmem>> -> memref<100xi32, #tpu.memory_space<vmem>>
        %dma_start3A_188 = arith.constant 0 : i32
        %dma_start3A_189 = arith.constant 0 : i32
        %dma_start3A_190 = tpu.memref_slice %arg2[%dma_start3A_188, %dma_start3A_189] : memref<5120x80xf32, #tpu.memory_space<hbm>> -> memref<5120x80xf32, #tpu.memory_space<hbm>>
        tpu.enqueue_indirect_dma source(%dma_start3A_190 : memref<5120x80xf32, #tpu.memory_space<hbm>>) target(%arg10 : memref<100x80xf32, #tpu.memory_space<vmem>>) offsets(%dma_start3A_187 : memref<100xi32, #tpu.memory_space<vmem>>) semaphore(%arg14 : memref<!tpu.dma_semaphore, #tpu.memory_space<semaphore_mem>>)
      } else {
      }
      %add3A_130 = arith.constant 1 : i32
      %add3A_131 = arith.addi %add3A_52, %add3A_130 : i32
      %dma_wait3A_132 = arith.constant 0 : i32
      %dma_wait3A_133 = tpu.memref_slice %arg7[%add3A_131, %dma_wait3A_132] : memref<100x100xi32, #tpu.memory_space<vmem>> -> memref<1x100xi32, #tpu.memory_space<vmem>>
      %dma_wait3A_134 = tpu.memref_squeeze %dma_wait3A_133 : memref<1x100xi32, #tpu.memory_space<vmem>> -> memref<100xi32, #tpu.memory_space<vmem>>
      %dma_wait3A_135 = arith.constant 0 : i32
      %dma_wait3A_136 = arith.constant 0 : i32
      %dma_wait3A_137 = tpu.memref_slice %arg9[%dma_wait3A_135, %dma_wait3A_136] : memref<10240x80xf32, #tpu.memory_space<vmem_shared>> -> memref<10240x80xf32, #tpu.memory_space<vmem_shared>>
      tpu.wait_indirect_dma semaphore(%arg19 : memref<!tpu.dma_semaphore, #tpu.memory_space<semaphore_mem>>) src(%arg11 : memref<100x80xf32, #tpu.memory_space<vmem>>) dst(%dma_wait3A_137 : memref<10240x80xf32, #tpu.memory_space<vmem_shared>>)
      %add3A_138 = arith.constant 1 : i32
      %add3A_139 = arith.addi %add3A_52, %add3A_138 : i32
      %add3A_140 = arith.constant 4 : i32
      %add3A_141 = arith.addi %add3A_139, %add3A_140 : i32
      %lt3A_142 = arith.constant 100 : i32
      %lt3A_143 = arith.cmpi slt, %add3A_141, %lt3A_142 : i32
      %convert_element_type3A_144 = arith.extui %lt3A_143 : i1 to i32
      %cond3A_145 = arith.constant 0 : i32
      %cond3A_146 = arith.cmpi ne, %convert_element_type3A_144, %cond3A_145 : i32
      scf.if %cond3A_146 {
        %add3A_181 = arith.constant 1 : i32
        %add3A_182 = arith.addi %add3A_52, %add3A_181 : i32
        %add3A_183 = arith.constant 4 : i32
        %add3A_184 = arith.addi %add3A_182, %add3A_183 : i32
        %dma_start3A_185 = arith.constant 0 : i32
        %dma_start3A_186 = tpu.memref_slice %arg6[%add3A_184, %dma_start3A_185] : memref<100x100xi32, #tpu.memory_space<vmem>> -> memref<1x100xi32, #tpu.memory_space<vmem>>
        %dma_start3A_187 = tpu.memref_squeeze %dma_start3A_186 : memref<1x100xi32, #tpu.memory_space<vmem>> -> memref<100xi32, #tpu.memory_space<vmem>>
        %dma_start3A_188 = arith.constant 0 : i32
        %dma_start3A_189 = arith.constant 0 : i32
        %dma_start3A_190 = tpu.memref_slice %arg2[%dma_start3A_188, %dma_start3A_189] : memref<5120x80xf32, #tpu.memory_space<hbm>> -> memref<5120x80xf32, #tpu.memory_space<hbm>>
        tpu.enqueue_indirect_dma source(%dma_start3A_190 : memref<5120x80xf32, #tpu.memory_space<hbm>>) target(%arg11 : memref<100x80xf32, #tpu.memory_space<vmem>>) offsets(%dma_start3A_187 : memref<100xi32, #tpu.memory_space<vmem>>) semaphore(%arg15 : memref<!tpu.dma_semaphore, #tpu.memory_space<semaphore_mem>>)
      } else {
      }
      %add3A_147 = arith.constant 2 : i32
      %add3A_148 = arith.addi %add3A_52, %add3A_147 : i32
      %dma_wait3A_149 = arith.constant 0 : i32
      %dma_wait3A_150 = tpu.memref_slice %arg7[%add3A_148, %dma_wait3A_149] : memref<100x100xi32, #tpu.memory_space<vmem>> -> memref<1x100xi32, #tpu.memory_space<vmem>>
      %dma_wait3A_151 = tpu.memref_squeeze %dma_wait3A_150 : memref<1x100xi32, #tpu.memory_space<vmem>> -> memref<100xi32, #tpu.memory_space<vmem>>
      %dma_wait3A_152 = arith.constant 0 : i32
      %dma_wait3A_153 = arith.constant 0 : i32
      %dma_wait3A_154 = tpu.memref_slice %arg9[%dma_wait3A_152, %dma_wait3A_153] : memref<10240x80xf32, #tpu.memory_space<vmem_shared>> -> memref<10240x80xf32, #tpu.memory_space<vmem_shared>>
      tpu.wait_indirect_dma semaphore(%arg20 : memref<!tpu.dma_semaphore, #tpu.memory_space<semaphore_mem>>) src(%arg12 : memref<100x80xf32, #tpu.memory_space<vmem>>) dst(%dma_wait3A_154 : memref<10240x80xf32, #tpu.memory_space<vmem_shared>>)
      %add3A_155 = arith.constant 2 : i32
      %add3A_156 = arith.addi %add3A_52, %add3A_155 : i32
      %add3A_157 = arith.constant 4 : i32
      %add3A_158 = arith.addi %add3A_156, %add3A_157 : i32
      %lt3A_159 = arith.constant 100 : i32
      %lt3A_160 = arith.cmpi slt, %add3A_158, %lt3A_159 : i32
      %convert_element_type3A_161 = arith.extui %lt3A_160 : i1 to i32
      %cond3A_162 = arith.constant 0 : i32
      %cond3A_163 = arith.cmpi ne, %convert_element_type3A_161, %cond3A_162 : i32
      scf.if %cond3A_163 {
        %add3A_181 = arith.constant 2 : i32
        %add3A_182 = arith.addi %add3A_52, %add3A_181 : i32
        %add3A_183 = arith.constant 4 : i32
        %add3A_184 = arith.addi %add3A_182, %add3A_183 : i32
        %dma_start3A_185 = arith.constant 0 : i32
        %dma_start3A_186 = tpu.memref_slice %arg6[%add3A_184, %dma_start3A_185] : memref<100x100xi32, #tpu.memory_space<vmem>> -> memref<1x100xi32, #tpu.memory_space<vmem>>
        %dma_start3A_187 = tpu.memref_squeeze %dma_start3A_186 : memref<1x100xi32, #tpu.memory_space<vmem>> -> memref<100xi32, #tpu.memory_space<vmem>>
        %dma_start3A_188 = arith.constant 0 : i32
        %dma_start3A_189 = arith.constant 0 : i32
        %dma_start3A_190 = tpu.memref_slice %arg2[%dma_start3A_188, %dma_start3A_189] : memref<5120x80xf32, #tpu.memory_space<hbm>> -> memref<5120x80xf32, #tpu.memory_space<hbm>>
        tpu.enqueue_indirect_dma source(%dma_start3A_190 : memref<5120x80xf32, #tpu.memory_space<hbm>>) target(%arg12 : memref<100x80xf32, #tpu.memory_space<vmem>>) offsets(%dma_start3A_187 : memref<100xi32, #tpu.memory_space<vmem>>) semaphore(%arg16 : memref<!tpu.dma_semaphore, #tpu.memory_space<semaphore_mem>>)
      } else {
      }
      %add3A_164 = arith.constant 3 : i32
      %add3A_165 = arith.addi %add3A_52, %add3A_164 : i32
      %dma_wait3A_166 = arith.constant 0 : i32
      %dma_wait3A_167 = tpu.memref_slice %arg7[%add3A_165, %dma_wait3A_166] : memref<100x100xi32, #tpu.memory_space<vmem>> -> memref<1x100xi32, #tpu.memory_space<vmem>>
      %dma_wait3A_168 = tpu.memref_squeeze %dma_wait3A_167 : memref<1x100xi32, #tpu.memory_space<vmem>> -> memref<100xi32, #tpu.memory_space<vmem>>
      %dma_wait3A_169 = arith.constant 0 : i32
      %dma_wait3A_170 = arith.constant 0 : i32
      %dma_wait3A_171 = tpu.memref_slice %arg9[%dma_wait3A_169, %dma_wait3A_170] : memref<10240x80xf32, #tpu.memory_space<vmem_shared>> -> memref<10240x80xf32, #tpu.memory_space<vmem_shared>>
      tpu.wait_indirect_dma semaphore(%arg21 : memref<!tpu.dma_semaphore, #tpu.memory_space<semaphore_mem>>) src(%arg13 : memref<100x80xf32, #tpu.memory_space<vmem>>) dst(%dma_wait3A_171 : memref<10240x80xf32, #tpu.memory_space<vmem_shared>>)
      %add3A_172 = arith.constant 3 : i32
      %add3A_173 = arith.addi %add3A_52, %add3A_172 : i32
      %add3A_174 = arith.constant 4 : i32
      %add3A_175 = arith.addi %add3A_173, %add3A_174 : i32
      %lt3A_176 = arith.constant 100 : i32
      %lt3A_177 = arith.cmpi slt, %add3A_175, %lt3A_176 : i32
      %convert_element_type3A_178 = arith.extui %lt3A_177 : i1 to i32
      %cond3A_179 = arith.constant 0 : i32
      %cond3A_180 = arith.cmpi ne, %convert_element_type3A_178, %cond3A_179 : i32
      scf.if %cond3A_180 {
        %add3A_181 = arith.constant 3 : i32
        %add3A_182 = arith.addi %add3A_52, %add3A_181 : i32
        %add3A_183 = arith.constant 4 : i32
        %add3A_184 = arith.addi %add3A_182, %add3A_183 : i32
        %dma_start3A_185 = arith.constant 0 : i32
        %dma_start3A_186 = tpu.memref_slice %arg6[%add3A_184, %dma_start3A_185] : memref<100x100xi32, #tpu.memory_space<vmem>> -> memref<1x100xi32, #tpu.memory_space<vmem>>
        %dma_start3A_187 = tpu.memref_squeeze %dma_start3A_186 : memref<1x100xi32, #tpu.memory_space<vmem>> -> memref<100xi32, #tpu.memory_space<vmem>>
        %dma_start3A_188 = arith.constant 0 : i32
        %dma_start3A_189 = arith.constant 0 : i32
        %dma_start3A_190 = tpu.memref_slice %arg2[%dma_start3A_188, %dma_start3A_189] : memref<5120x80xf32, #tpu.memory_space<hbm>> -> memref<5120x80xf32, #tpu.memory_space<hbm>>
        tpu.enqueue_indirect_dma source(%dma_start3A_190 : memref<5120x80xf32, #tpu.memory_space<hbm>>) target(%arg13 : memref<100x80xf32, #tpu.memory_space<vmem>>) offsets(%dma_start3A_187 : memref<100xi32, #tpu.memory_space<vmem>>) semaphore(%arg17 : memref<!tpu.dma_semaphore, #tpu.memory_space<semaphore_mem>>)
      } else {
      }
    }
    %scan3A_42 = arith.constant 25 : i32
    %barrier3A_43 = arith.constant 0 : index
    tpu.barrier barrier_id(%barrier3A_43)
    %mul3A_44 = arith.constant 640 : i32
    %mul3A_45 = arith.muli %arg1, %mul3A_44 : i32
    %mul3A_46 = arith.constant 640 : i32
    %mul3A_47 = arith.muli %arg1, %mul3A_46 : i32
    "tpu.region"() ({
      %run_scoped3A = tpu.sem_alloc : memref<!tpu.dma_semaphore, #tpu.memory_space<semaphore_mem>>
      %dma_start3A_48 = arith.constant 0 : i32
      %dma_start3A_49 = tpu.memref_slice %arg5[%arg0, %mul3A_47, %dma_start3A_48] : memref<2x10240x80xf32, #tpu.memory_space<hbm>> -> memref<1x640x80xf32, #tpu.memory_space<hbm>>
      %dma_start3A_50 = tpu.memref_squeeze %dma_start3A_49 : memref<1x640x80xf32, #tpu.memory_space<hbm>> -> memref<640x80xf32, #tpu.memory_space<hbm>>
      %dma_start3A_51 = arith.constant 0 : i32
      %dma_start3A_52 = tpu.memref_slice %arg9[%mul3A_45, %dma_start3A_51] : memref<10240x80xf32, #tpu.memory_space<vmem_shared>> -> memref<640x80xf32, #tpu.memory_space<vmem_shared>>
      tpu.enqueue_dma source(%dma_start3A_52 : memref<640x80xf32, #tpu.memory_space<vmem_shared>>) target(%dma_start3A_50 : memref<640x80xf32, #tpu.memory_space<hbm>>) target_semaphore(%run_scoped3A : memref<!tpu.dma_semaphore, #tpu.memory_space<semaphore_mem>>)
      %dma_wait3A = arith.constant 0 : i32
      %dma_wait3A_53 = tpu.memref_slice %arg5[%arg0, %mul3A_47, %dma_wait3A] : memref<2x10240x80xf32, #tpu.memory_space<hbm>> -> memref<1x640x80xf32, #tpu.memory_space<hbm>>
      %dma_wait3A_54 = tpu.memref_squeeze %dma_wait3A_53 : memref<1x640x80xf32, #tpu.memory_space<hbm>> -> memref<640x80xf32, #tpu.memory_space<hbm>>
      %dma_wait3A_55 = arith.constant 0 : i32
      %dma_wait3A_56 = tpu.memref_slice %arg9[%mul3A_45, %dma_wait3A_55] : memref<10240x80xf32, #tpu.memory_space<vmem_shared>> -> memref<640x80xf32, #tpu.memory_space<vmem_shared>>
      tpu.wait_dma2 semaphore(%run_scoped3A : memref<!tpu.dma_semaphore, #tpu.memory_space<semaphore_mem>>) src(%dma_wait3A_56 : memref<640x80xf32, #tpu.memory_space<vmem_shared>>) dst(%dma_wait3A_54 : memref<640x80xf32, #tpu.memory_space<hbm>>)
      tpu.yield
    }) : () -> ()
    return
  }
}

#map = affine_map<(d0, d1) -> (0, 0)>
#map1 = affine_map<(d0, d1) -> (0, 0, 0)>
module attributes {stable_mosaic.version = 14 : i64} {
  func.func @k(%arg0: i32, %arg1: i32, %arg2: memref<10000x80xf32, #tpu.memory_space<hbm>>, %arg3: memref<32x100x100xi32, #tpu.memory_space<hbm>>, %arg4: memref<32x100x100xi32, #tpu.memory_space<hbm>>, %arg5: memref<2x5120x80xf32, #tpu.memory_space<hbm>>, %arg6: memref<100x100xi32, #tpu.memory_space<vmem>>, %arg7: memref<100x100xi32, #tpu.memory_space<vmem>>, %arg8: memref<32x80xf32, #tpu.memory_space<vmem>>, %arg9: memref<5120x80xf32, #tpu.memory_space<vmem_shared>>, %arg10: memref<100x80xf32, #tpu.memory_space<vmem>>, %arg11: memref<100x80xf32, #tpu.memory_space<vmem>>, %arg12: memref<100x80xf32, #tpu.memory_space<vmem>>, %arg13: memref<100x80xf32, #tpu.memory_space<vmem>>, %arg14: memref<!tpu.dma_semaphore, #tpu.memory_space<semaphore_mem>>, %arg15: memref<!tpu.dma_semaphore, #tpu.memory_space<semaphore_mem>>, %arg16: memref<!tpu.dma_semaphore, #tpu.memory_space<semaphore_mem>>, %arg17: memref<!tpu.dma_semaphore, #tpu.memory_space<semaphore_mem>>, %arg18: memref<!tpu.dma_semaphore, #tpu.memory_space<semaphore_mem>>, %arg19: memref<!tpu.dma_semaphore, #tpu.memory_space<semaphore_mem>>, %arg20: memref<!tpu.dma_semaphore, #tpu.memory_space<semaphore_mem>>, %arg21: memref<!tpu.dma_semaphore, #tpu.memory_space<semaphore_mem>>) attributes {dimension_semantics = [#tpu.dimension_semantics<core_parallel>, #tpu.dimension_semantics<subcore_parallel>], iteration_bounds = array<i64: 2, 16>, scalar_prefetch = 0 : i64, scratch_operands = 16 : i64, tpu.core_type = #tpu.core_type<sc_vector_subcore>, window_params = [{transform_indices = #map}, {transform_indices = #map1}, {transform_indices = #map1}, {transform_indices = #map1}]} {
    %mul3A = arith.constant 16 : i32
    %mul3A_0 = arith.muli %arg0, %mul3A : i32
    %add3A = arith.addi %mul3A_0, %arg1 : i32
    %broadcast_in_dim3A = arith.constant 0.000000e+00 : f32
    %broadcast_in_dim3A_1 = vector.broadcast %broadcast_in_dim3A : f32 to vector<16xf32>
    %scan3A = arith.constant 0 : i32
    %scan3A_2 = arith.constant 32 : i32
    %scan3A_3 = arith.addi %scan3A, %scan3A_2 : i32
    %scan3A_4 = arith.constant 1 : i32
    scf.for %scan3A_48 = %scan3A to %scan3A_3 step %scan3A_4  : i32 {
      %mul3A_49 = arith.constant 1 : i32
      %mul3A_50 = arith.muli %scan3A_48, %mul3A_49 : i32
      %add3A_51 = arith.constant 0 : i32
      %add3A_52 = arith.addi %add3A_51, %mul3A_50 : i32
      %scan3A_53 = arith.constant 0 : i32
      %scan3A_54 = arith.constant 5 : i32
      %scan3A_55 = arith.addi %scan3A_53, %scan3A_54 : i32
      %scan3A_56 = arith.constant 1 : i32
      scf.for %scan3A_58 = %scan3A_53 to %scan3A_55 step %scan3A_56  : i32 {
        %mul3A_59 = arith.constant 16 : i32
        %mul3A_60 = arith.muli %scan3A_58, %mul3A_59 : i32
        %add3A_61 = arith.constant 0 : i32
        %add3A_62 = arith.addi %add3A_61, %mul3A_60 : i32
        %swap3A = arith.index_cast %add3A_52 : i32 to index
        %swap3A_63 = arith.index_cast %add3A_62 : i32 to index
        %swap3A_64 = tpu.vector_load %arg8[%swap3A, %swap3A_63] {strides = array<i32>} : memref<32x80xf32, #tpu.memory_space<vmem>>, vector<1x16xf32>,
        %swap3A_65 = vector.shape_cast %swap3A_64 : vector<1x16xf32> to vector<16xf32>
        %swap3A_66 = vector.shape_cast %broadcast_in_dim3A_1 : vector<16xf32> to vector<1x16xf32>
        tpu.vector_store %arg8[%swap3A, %swap3A_63], %swap3A_66 {strides = array<i32>} : memref<32x80xf32, #tpu.memory_space<vmem>>, vector<1x16xf32>,
      }
      %scan3A_57 = arith.constant 5 : i32
    }
    %scan3A_5 = arith.constant 32 : i32
    "tpu.region"() ({
      %run_scoped3A = tpu.sem_alloc : memref<!tpu.dma_semaphore, #tpu.memory_space<semaphore_mem>>
      %dma_start3A_48 = arith.constant 0 : i32
      %dma_start3A_49 = arith.constant 0 : i32
      %dma_start3A_50 = tpu.memref_slice %arg3[%add3A, %dma_start3A_48, %dma_start3A_49] : memref<32x100x100xi32, #tpu.memory_space<hbm>> -> memref<1x100x100xi32, #tpu.memory_space<hbm>>
      %dma_start3A_51 = tpu.memref_squeeze %dma_start3A_50 : memref<1x100x100xi32, #tpu.memory_space<hbm>> -> memref<100x100xi32, #tpu.memory_space<hbm>>
      %dma_start3A_52 = arith.constant 0 : i32
      %dma_start3A_53 = arith.constant 0 : i32
      %dma_start3A_54 = tpu.memref_slice %arg3[%add3A, %dma_start3A_52, %dma_start3A_53] : memref<32x100x100xi32, #tpu.memory_space<hbm>> -> memref<1x100x100xi32, #tpu.memory_space<hbm>>
      %dma_start3A_55 = tpu.memref_squeeze %dma_start3A_54 : memref<1x100x100xi32, #tpu.memory_space<hbm>> -> memref<100x100xi32, #tpu.memory_space<hbm>>
      tpu.enqueue_dma source(%dma_start3A_55 : memref<100x100xi32, #tpu.memory_space<hbm>>) target(%arg6 : memref<100x100xi32, #tpu.memory_space<vmem>>) target_semaphore(%run_scoped3A : memref<!tpu.dma_semaphore, #tpu.memory_space<semaphore_mem>>)
      %dma_wait3A = arith.constant 0 : i32
      %dma_wait3A_56 = arith.constant 0 : i32
      %dma_wait3A_57 = tpu.memref_slice %arg3[%add3A, %dma_wait3A, %dma_wait3A_56] : memref<32x100x100xi32, #tpu.memory_space<hbm>> -> memref<1x100x100xi32, #tpu.memory_space<hbm>>
      %dma_wait3A_58 = tpu.memref_squeeze %dma_wait3A_57 : memref<1x100x100xi32, #tpu.memory_space<hbm>> -> memref<100x100xi32, #tpu.memory_space<hbm>>
      %dma_wait3A_59 = arith.constant 0 : i32
      %dma_wait3A_60 = arith.constant 0 : i32
      %dma_wait3A_61 = tpu.memref_slice %arg3[%add3A, %dma_wait3A_59, %dma_wait3A_60] : memref<32x100x100xi32, #tpu.memory_space<hbm>> -> memref<1x100x100xi32, #tpu.memory_space<hbm>>
      %dma_wait3A_62 = tpu.memref_squeeze %dma_wait3A_61 : memref<1x100x100xi32, #tpu.memory_space<hbm>> -> memref<100x100xi32, #tpu.memory_space<hbm>>
      tpu.wait_dma2 semaphore(%run_scoped3A : memref<!tpu.dma_semaphore, #tpu.memory_space<semaphore_mem>>) src(%dma_wait3A_62 : memref<100x100xi32, #tpu.memory_space<hbm>>) dst(%arg6 : memref<100x100xi32, #tpu.memory_space<vmem>>)
      tpu.yield
    }) : () -> ()
    "tpu.region"() ({
      %run_scoped3A = tpu.sem_alloc : memref<!tpu.dma_semaphore, #tpu.memory_space<semaphore_mem>>
      %dma_start3A_48 = arith.constant 0 : i32
      %dma_start3A_49 = arith.constant 0 : i32
      %dma_start3A_50 = tpu.memref_slice %arg4[%add3A, %dma_start3A_48, %dma_start3A_49] : memref<32x100x100xi32, #tpu.memory_space<hbm>> -> memref<1x100x100xi32, #tpu.memory_space<hbm>>
      %dma_start3A_51 = tpu.memref_squeeze %dma_start3A_50 : memref<1x100x100xi32, #tpu.memory_space<hbm>> -> memref<100x100xi32, #tpu.memory_space<hbm>>
      %dma_start3A_52 = arith.constant 0 : i32
      %dma_start3A_53 = arith.constant 0 : i32
      %dma_start3A_54 = tpu.memref_slice %arg4[%add3A, %dma_start3A_52, %dma_start3A_53] : memref<32x100x100xi32, #tpu.memory_space<hbm>> -> memref<1x100x100xi32, #tpu.memory_space<hbm>>
      %dma_start3A_55 = tpu.memref_squeeze %dma_start3A_54 : memref<1x100x100xi32, #tpu.memory_space<hbm>> -> memref<100x100xi32, #tpu.memory_space<hbm>>
      tpu.enqueue_dma source(%dma_start3A_55 : memref<100x100xi32, #tpu.memory_space<hbm>>) target(%arg7 : memref<100x100xi32, #tpu.memory_space<vmem>>) target_semaphore(%run_scoped3A : memref<!tpu.dma_semaphore, #tpu.memory_space<semaphore_mem>>)
      %dma_wait3A = arith.constant 0 : i32
      %dma_wait3A_56 = arith.constant 0 : i32
      %dma_wait3A_57 = tpu.memref_slice %arg4[%add3A, %dma_wait3A, %dma_wait3A_56] : memref<32x100x100xi32, #tpu.memory_space<hbm>> -> memref<1x100x100xi32, #tpu.memory_space<hbm>>
      %dma_wait3A_58 = tpu.memref_squeeze %dma_wait3A_57 : memref<1x100x100xi32, #tpu.memory_space<hbm>> -> memref<100x100xi32, #tpu.memory_space<hbm>>
      %dma_wait3A_59 = arith.constant 0 : i32
      %dma_wait3A_60 = arith.constant 0 : i32
      %dma_wait3A_61 = tpu.memref_slice %arg4[%add3A, %dma_wait3A_59, %dma_wait3A_60] : memref<32x100x100xi32, #tpu.memory_space<hbm>> -> memref<1x100x100xi32, #tpu.memory_space<hbm>>
      %dma_wait3A_62 = tpu.memref_squeeze %dma_wait3A_61 : memref<1x100x100xi32, #tpu.memory_space<hbm>> -> memref<100x100xi32, #tpu.memory_space<hbm>>
      tpu.wait_dma2 semaphore(%run_scoped3A : memref<!tpu.dma_semaphore, #tpu.memory_space<semaphore_mem>>) src(%dma_wait3A_62 : memref<100x100xi32, #tpu.memory_space<hbm>>) dst(%arg7 : memref<100x100xi32, #tpu.memory_space<vmem>>)
      tpu.yield
    }) : () -> ()
    %scan3A_6 = arith.constant 0 : i32
    %scan3A_7 = arith.constant 10 : i32
    %scan3A_8 = arith.addi %scan3A_6, %scan3A_7 : i32
    %scan3A_9 = arith.constant 1 : i32
    scf.for %scan3A_48 = %scan3A_6 to %scan3A_8 step %scan3A_9  : i32 {
      %mul3A_49 = arith.constant 32 : i32
      %mul3A_50 = arith.muli %scan3A_48, %mul3A_49 : i32
      %add3A_51 = arith.constant 0 : i32
      %add3A_52 = arith.addi %add3A_51, %mul3A_50 : i32
      %mul3A_53 = arith.constant 320 : i32
      %mul3A_54 = arith.muli %arg1, %mul3A_53 : i32
      %add3A_55 = arith.addi %mul3A_54, %add3A_52 : i32
      "tpu.region"() ({
        %run_scoped3A = tpu.sem_alloc : memref<!tpu.dma_semaphore, #tpu.memory_space<semaphore_mem>>
        %dma_start3A_56 = arith.constant 0 : i32
        %dma_start3A_57 = tpu.memref_slice %arg9[%add3A_55, %dma_start3A_56] : memref<5120x80xf32, #tpu.memory_space<vmem_shared>> -> memref<32x80xf32, #tpu.memory_space<vmem_shared>>
        %dma_start3A_58 = arith.constant 0 : i32
        %dma_start3A_59 = tpu.memref_slice %arg9[%add3A_55, %dma_start3A_58] : memref<5120x80xf32, #tpu.memory_space<vmem_shared>> -> memref<32x80xf32, #tpu.memory_space<vmem_shared>>
        tpu.enqueue_dma source(%arg8 : memref<32x80xf32, #tpu.memory_space<vmem>>) target(%dma_start3A_59 : memref<32x80xf32, #tpu.memory_space<vmem_shared>>) target_semaphore(%run_scoped3A : memref<!tpu.dma_semaphore, #tpu.memory_space<semaphore_mem>>)
        %dma_wait3A = arith.constant 0 : i32
        %dma_wait3A_60 = tpu.memref_slice %arg9[%add3A_55, %dma_wait3A] : memref<5120x80xf32, #tpu.memory_space<vmem_shared>> -> memref<32x80xf32, #tpu.memory_space<vmem_shared>>
        %dma_wait3A_61 = arith.constant 0 : i32
        %dma_wait3A_62 = tpu.memref_slice %arg9[%add3A_55, %dma_wait3A_61] : memref<5120x80xf32, #tpu.memory_space<vmem_shared>> -> memref<32x80xf32, #tpu.memory_space<vmem_shared>>
        tpu.wait_dma2 semaphore(%run_scoped3A : memref<!tpu.dma_semaphore, #tpu.memory_space<semaphore_mem>>) src(%arg8 : memref<32x80xf32, #tpu.memory_space<vmem>>) dst(%dma_wait3A_62 : memref<32x80xf32, #tpu.memory_space<vmem_shared>>)
        tpu.yield
      }) : () -> ()
    }
    %scan3A_10 = arith.constant 10 : i32
    %barrier3A = arith.constant 0 : index
    tpu.barrier barrier_id(%barrier3A)
    %dma_start3A = arith.constant 0 : i32
    %dma_start3A_11 = arith.constant 0 : i32
    %dma_start3A_12 = tpu.memref_slice %arg6[%dma_start3A, %dma_start3A_11] : memref<100x100xi32, #tpu.memory_space<vmem>> -> memref<1x100xi32, #tpu.memory_space<vmem>>
    %dma_start3A_13 = tpu.memref_squeeze %dma_start3A_12 : memref<1x100xi32, #tpu.memory_space<vmem>> -> memref<100xi32, #tpu.memory_space<vmem>>
    %dma_start3A_14 = arith.constant 0 : i32
    %dma_start3A_15 = arith.constant 0 : i32
    %dma_start3A_16 = tpu.memref_slice %arg2[%dma_start3A_14, %dma_start3A_15] : memref<10000x80xf32, #tpu.memory_space<hbm>> -> memref<10000x80xf32, #tpu.memory_space<hbm>>
    tpu.enqueue_indirect_dma source(%dma_start3A_16 : memref<10000x80xf32, #tpu.memory_space<hbm>>) target(%arg10 : memref<100x80xf32, #tpu.memory_space<vmem>>) offsets(%dma_start3A_13 : memref<100xi32, #tpu.memory_space<vmem>>) semaphore(%arg14 : memref<!tpu.dma_semaphore, #tpu.memory_space<semaphore_mem>>)
    %dma_start3A_17 = arith.constant 1 : i32
    %dma_start3A_18 = arith.constant 0 : i32
    %dma_start3A_19 = tpu.memref_slice %arg6[%dma_start3A_17, %dma_start3A_18] : memref<100x100xi32, #tpu.memory_space<vmem>> -> memref<1x100xi32, #tpu.memory_space<vmem>>
    %dma_start3A_20 = tpu.memref_squeeze %dma_start3A_19 : memref<1x100xi32, #tpu.memory_space<vmem>> -> memref<100xi32, #tpu.memory_space<vmem>>
    %dma_start3A_21 = arith.constant 0 : i32
    %dma_start3A_22 = arith.constant 0 : i32
    %dma_start3A_23 = tpu.memref_slice %arg2[%dma_start3A_21, %dma_start3A_22] : memref<10000x80xf32, #tpu.memory_space<hbm>> -> memref<10000x80xf32, #tpu.memory_space<hbm>>
    tpu.enqueue_indirect_dma source(%dma_start3A_23 : memref<10000x80xf32, #tpu.memory_space<hbm>>) target(%arg11 : memref<100x80xf32, #tpu.memory_space<vmem>>) offsets(%dma_start3A_20 : memref<100xi32, #tpu.memory_space<vmem>>) semaphore(%arg15 : memref<!tpu.dma_semaphore, #tpu.memory_space<semaphore_mem>>)
    %dma_start3A_24 = arith.constant 2 : i32
    %dma_start3A_25 = arith.constant 0 : i32
    %dma_start3A_26 = tpu.memref_slice %arg6[%dma_start3A_24, %dma_start3A_25] : memref<100x100xi32, #tpu.memory_space<vmem>> -> memref<1x100xi32, #tpu.memory_space<vmem>>
    %dma_start3A_27 = tpu.memref_squeeze %dma_start3A_26 : memref<1x100xi32, #tpu.memory_space<vmem>> -> memref<100xi32, #tpu.memory_space<vmem>>
    %dma_start3A_28 = arith.constant 0 : i32
    %dma_start3A_29 = arith.constant 0 : i32
    %dma_start3A_30 = tpu.memref_slice %arg2[%dma_start3A_28, %dma_start3A_29] : memref<10000x80xf32, #tpu.memory_space<hbm>> -> memref<10000x80xf32, #tpu.memory_space<hbm>>
    tpu.enqueue_indirect_dma source(%dma_start3A_30 : memref<10000x80xf32, #tpu.memory_space<hbm>>) target(%arg12 : memref<100x80xf32, #tpu.memory_space<vmem>>) offsets(%dma_start3A_27 : memref<100xi32, #tpu.memory_space<vmem>>) semaphore(%arg16 : memref<!tpu.dma_semaphore, #tpu.memory_space<semaphore_mem>>)
    %dma_start3A_31 = arith.constant 3 : i32
    %dma_start3A_32 = arith.constant 0 : i32
    %dma_start3A_33 = tpu.memref_slice %arg6[%dma_start3A_31, %dma_start3A_32] : memref<100x100xi32, #tpu.memory_space<vmem>> -> memref<1x100xi32, #tpu.memory_space<vmem>>
    %dma_start3A_34 = tpu.memref_squeeze %dma_start3A_33 : memref<1x100xi32, #tpu.memory_space<vmem>> -> memref<100xi32, #tpu.memory_space<vmem>>
    %dma_start3A_35 = arith.constant 0 : i32
    %dma_start3A_36 = arith.constant 0 : i32
    %dma_start3A_37 = tpu.memref_slice %arg2[%dma_start3A_35, %dma_start3A_36] : memref<10000x80xf32, #tpu.memory_space<hbm>> -> memref<10000x80xf32, #tpu.memory_space<hbm>>
    tpu.enqueue_indirect_dma source(%dma_start3A_37 : memref<10000x80xf32, #tpu.memory_space<hbm>>) target(%arg13 : memref<100x80xf32, #tpu.memory_space<vmem>>) offsets(%dma_start3A_34 : memref<100xi32, #tpu.memory_space<vmem>>) semaphore(%arg17 : memref<!tpu.dma_semaphore, #tpu.memory_space<semaphore_mem>>)
    %scan3A_38 = arith.constant 0 : i32
    %scan3A_39 = arith.constant 25 : i32
    %scan3A_40 = arith.addi %scan3A_38, %scan3A_39 : i32
    %scan3A_41 = arith.constant 1 : i32
    scf.for %scan3A_48 = %scan3A_38 to %scan3A_40 step %scan3A_41  : i32 {
      %mul3A_49 = arith.constant 4 : i32
      %mul3A_50 = arith.muli %scan3A_48, %mul3A_49 : i32
      %add3A_51 = arith.constant 0 : i32
      %add3A_52 = arith.addi %add3A_51, %mul3A_50 : i32
      %add3A_53 = arith.constant 0 : i32
      %add3A_54 = arith.addi %add3A_52, %add3A_53 : i32
      %dma_wait3A = arith.constant 0 : i32
      %dma_wait3A_55 = tpu.memref_slice %arg6[%add3A_54, %dma_wait3A] : memref<100x100xi32, #tpu.memory_space<vmem>> -> memref<1x100xi32, #tpu.memory_space<vmem>>
      %dma_wait3A_56 = tpu.memref_squeeze %dma_wait3A_55 : memref<1x100xi32, #tpu.memory_space<vmem>> -> memref<100xi32, #tpu.memory_space<vmem>>
      %dma_wait3A_57 = arith.constant 0 : i32
      %dma_wait3A_58 = arith.constant 0 : i32
      %dma_wait3A_59 = tpu.memref_slice %arg2[%dma_wait3A_57, %dma_wait3A_58] : memref<10000x80xf32, #tpu.memory_space<hbm>> -> memref<10000x80xf32, #tpu.memory_space<hbm>>
      tpu.wait_indirect_dma semaphore(%arg14 : memref<!tpu.dma_semaphore, #tpu.memory_space<semaphore_mem>>) src(%dma_wait3A_59 : memref<10000x80xf32, #tpu.memory_space<hbm>>) dst(%arg10 : memref<100x80xf32, #tpu.memory_space<vmem>>)
      %add3A_60 = arith.constant 0 : i32
      %add3A_61 = arith.addi %add3A_52, %add3A_60 : i32
      %dma_start3A_62 = arith.constant 0 : i32
      %dma_start3A_63 = tpu.memref_slice %arg7[%add3A_61, %dma_start3A_62] : memref<100x100xi32, #tpu.memory_space<vmem>> -> memref<1x100xi32, #tpu.memory_space<vmem>>
      %dma_start3A_64 = tpu.memref_squeeze %dma_start3A_63 : memref<1x100xi32, #tpu.memory_space<vmem>> -> memref<100xi32, #tpu.memory_space<vmem>>
      %dma_start3A_65 = arith.constant 0 : i32
      %dma_start3A_66 = arith.constant 0 : i32
      %dma_start3A_67 = tpu.memref_slice %arg9[%dma_start3A_65, %dma_start3A_66] : memref<5120x80xf32, #tpu.memory_space<vmem_shared>> -> memref<5120x80xf32, #tpu.memory_space<vmem_shared>>
      tpu.enqueue_indirect_dma source(%arg10 : memref<100x80xf32, #tpu.memory_space<vmem>>) target(%dma_start3A_67 : memref<5120x80xf32, #tpu.memory_space<vmem_shared>>) offsets(%dma_start3A_64 : memref<100xi32, #tpu.memory_space<vmem>>) semaphore(%arg18 : memref<!tpu.dma_semaphore, #tpu.memory_space<semaphore_mem>>) {add = true}
      %add3A_68 = arith.constant 1 : i32
      %add3A_69 = arith.addi %add3A_52, %add3A_68 : i32
      %dma_wait3A_70 = arith.constant 0 : i32
      %dma_wait3A_71 = tpu.memref_slice %arg6[%add3A_69, %dma_wait3A_70] : memref<100x100xi32, #tpu.memory_space<vmem>> -> memref<1x100xi32, #tpu.memory_space<vmem>>
      %dma_wait3A_72 = tpu.memref_squeeze %dma_wait3A_71 : memref<1x100xi32, #tpu.memory_space<vmem>> -> memref<100xi32, #tpu.memory_space<vmem>>
      %dma_wait3A_73 = arith.constant 0 : i32
      %dma_wait3A_74 = arith.constant 0 : i32
      %dma_wait3A_75 = tpu.memref_slice %arg2[%dma_wait3A_73, %dma_wait3A_74] : memref<10000x80xf32, #tpu.memory_space<hbm>> -> memref<10000x80xf32, #tpu.memory_space<hbm>>
      tpu.wait_indirect_dma semaphore(%arg15 : memref<!tpu.dma_semaphore, #tpu.memory_space<semaphore_mem>>) src(%dma_wait3A_75 : memref<10000x80xf32, #tpu.memory_space<hbm>>) dst(%arg11 : memref<100x80xf32, #tpu.memory_space<vmem>>)
      %add3A_76 = arith.constant 1 : i32
      %add3A_77 = arith.addi %add3A_52, %add3A_76 : i32
      %dma_start3A_78 = arith.constant 0 : i32
      %dma_start3A_79 = tpu.memref_slice %arg7[%add3A_77, %dma_start3A_78] : memref<100x100xi32, #tpu.memory_space<vmem>> -> memref<1x100xi32, #tpu.memory_space<vmem>>
      %dma_start3A_80 = tpu.memref_squeeze %dma_start3A_79 : memref<1x100xi32, #tpu.memory_space<vmem>> -> memref<100xi32, #tpu.memory_space<vmem>>
      %dma_start3A_81 = arith.constant 0 : i32
      %dma_start3A_82 = arith.constant 0 : i32
      %dma_start3A_83 = tpu.memref_slice %arg9[%dma_start3A_81, %dma_start3A_82] : memref<5120x80xf32, #tpu.memory_space<vmem_shared>> -> memref<5120x80xf32, #tpu.memory_space<vmem_shared>>
      tpu.enqueue_indirect_dma source(%arg11 : memref<100x80xf32, #tpu.memory_space<vmem>>) target(%dma_start3A_83 : memref<5120x80xf32, #tpu.memory_space<vmem_shared>>) offsets(%dma_start3A_80 : memref<100xi32, #tpu.memory_space<vmem>>) semaphore(%arg19 : memref<!tpu.dma_semaphore, #tpu.memory_space<semaphore_mem>>) {add = true}
      %add3A_84 = arith.constant 2 : i32
      %add3A_85 = arith.addi %add3A_52, %add3A_84 : i32
      %dma_wait3A_86 = arith.constant 0 : i32
      %dma_wait3A_87 = tpu.memref_slice %arg6[%add3A_85, %dma_wait3A_86] : memref<100x100xi32, #tpu.memory_space<vmem>> -> memref<1x100xi32, #tpu.memory_space<vmem>>
      %dma_wait3A_88 = tpu.memref_squeeze %dma_wait3A_87 : memref<1x100xi32, #tpu.memory_space<vmem>> -> memref<100xi32, #tpu.memory_space<vmem>>
      %dma_wait3A_89 = arith.constant 0 : i32
      %dma_wait3A_90 = arith.constant 0 : i32
      %dma_wait3A_91 = tpu.memref_slice %arg2[%dma_wait3A_89, %dma_wait3A_90] : memref<10000x80xf32, #tpu.memory_space<hbm>> -> memref<10000x80xf32, #tpu.memory_space<hbm>>
      tpu.wait_indirect_dma semaphore(%arg16 : memref<!tpu.dma_semaphore, #tpu.memory_space<semaphore_mem>>) src(%dma_wait3A_91 : memref<10000x80xf32, #tpu.memory_space<hbm>>) dst(%arg12 : memref<100x80xf32, #tpu.memory_space<vmem>>)
      %add3A_92 = arith.constant 2 : i32
      %add3A_93 = arith.addi %add3A_52, %add3A_92 : i32
      %dma_start3A_94 = arith.constant 0 : i32
      %dma_start3A_95 = tpu.memref_slice %arg7[%add3A_93, %dma_start3A_94] : memref<100x100xi32, #tpu.memory_space<vmem>> -> memref<1x100xi32, #tpu.memory_space<vmem>>
      %dma_start3A_96 = tpu.memref_squeeze %dma_start3A_95 : memref<1x100xi32, #tpu.memory_space<vmem>> -> memref<100xi32, #tpu.memory_space<vmem>>
      %dma_start3A_97 = arith.constant 0 : i32
      %dma_start3A_98 = arith.constant 0 : i32
      %dma_start3A_99 = tpu.memref_slice %arg9[%dma_start3A_97, %dma_start3A_98] : memref<5120x80xf32, #tpu.memory_space<vmem_shared>> -> memref<5120x80xf32, #tpu.memory_space<vmem_shared>>
      tpu.enqueue_indirect_dma source(%arg12 : memref<100x80xf32, #tpu.memory_space<vmem>>) target(%dma_start3A_99 : memref<5120x80xf32, #tpu.memory_space<vmem_shared>>) offsets(%dma_start3A_96 : memref<100xi32, #tpu.memory_space<vmem>>) semaphore(%arg20 : memref<!tpu.dma_semaphore, #tpu.memory_space<semaphore_mem>>) {add = true}
      %add3A_100 = arith.constant 3 : i32
      %add3A_101 = arith.addi %add3A_52, %add3A_100 : i32
      %dma_wait3A_102 = arith.constant 0 : i32
      %dma_wait3A_103 = tpu.memref_slice %arg6[%add3A_101, %dma_wait3A_102] : memref<100x100xi32, #tpu.memory_space<vmem>> -> memref<1x100xi32, #tpu.memory_space<vmem>>
      %dma_wait3A_104 = tpu.memref_squeeze %dma_wait3A_103 : memref<1x100xi32, #tpu.memory_space<vmem>> -> memref<100xi32, #tpu.memory_space<vmem>>
      %dma_wait3A_105 = arith.constant 0 : i32
      %dma_wait3A_106 = arith.constant 0 : i32
      %dma_wait3A_107 = tpu.memref_slice %arg2[%dma_wait3A_105, %dma_wait3A_106] : memref<10000x80xf32, #tpu.memory_space<hbm>> -> memref<10000x80xf32, #tpu.memory_space<hbm>>
      tpu.wait_indirect_dma semaphore(%arg17 : memref<!tpu.dma_semaphore, #tpu.memory_space<semaphore_mem>>) src(%dma_wait3A_107 : memref<10000x80xf32, #tpu.memory_space<hbm>>) dst(%arg13 : memref<100x80xf32, #tpu.memory_space<vmem>>)
      %add3A_108 = arith.constant 3 : i32
      %add3A_109 = arith.addi %add3A_52, %add3A_108 : i32
      %dma_start3A_110 = arith.constant 0 : i32
      %dma_start3A_111 = tpu.memref_slice %arg7[%add3A_109, %dma_start3A_110] : memref<100x100xi32, #tpu.memory_space<vmem>> -> memref<1x100xi32, #tpu.memory_space<vmem>>
      %dma_start3A_112 = tpu.memref_squeeze %dma_start3A_111 : memref<1x100xi32, #tpu.memory_space<vmem>> -> memref<100xi32, #tpu.memory_space<vmem>>
      %dma_start3A_113 = arith.constant 0 : i32
      %dma_start3A_114 = arith.constant 0 : i32
      %dma_start3A_115 = tpu.memref_slice %arg9[%dma_start3A_113, %dma_start3A_114] : memref<5120x80xf32, #tpu.memory_space<vmem_shared>> -> memref<5120x80xf32, #tpu.memory_space<vmem_shared>>
      tpu.enqueue_indirect_dma source(%arg13 : memref<100x80xf32, #tpu.memory_space<vmem>>) target(%dma_start3A_115 : memref<5120x80xf32, #tpu.memory_space<vmem_shared>>) offsets(%dma_start3A_112 : memref<100xi32, #tpu.memory_space<vmem>>) semaphore(%arg21 : memref<!tpu.dma_semaphore, #tpu.memory_space<semaphore_mem>>) {add = true}
      %add3A_116 = arith.constant 0 : i32
      %add3A_117 = arith.addi %add3A_52, %add3A_116 : i32
      %dma_wait3A_118 = arith.constant 0 : i32
      %dma_wait3A_119 = tpu.memref_slice %arg7[%add3A_117, %dma_wait3A_118] : memref<100x100xi32, #tpu.memory_space<vmem>> -> memref<1x100xi32, #tpu.memory_space<vmem>>
      %dma_wait3A_120 = tpu.memref_squeeze %dma_wait3A_119 : memref<1x100xi32, #tpu.memory_space<vmem>> -> memref<100xi32, #tpu.memory_space<vmem>>
      %dma_wait3A_121 = arith.constant 0 : i32
      %dma_wait3A_122 = arith.constant 0 : i32
      %dma_wait3A_123 = tpu.memref_slice %arg9[%dma_wait3A_121, %dma_wait3A_122] : memref<5120x80xf32, #tpu.memory_space<vmem_shared>> -> memref<5120x80xf32, #tpu.memory_space<vmem_shared>>
      tpu.wait_indirect_dma semaphore(%arg18 : memref<!tpu.dma_semaphore, #tpu.memory_space<semaphore_mem>>) src(%arg10 : memref<100x80xf32, #tpu.memory_space<vmem>>) dst(%dma_wait3A_123 : memref<5120x80xf32, #tpu.memory_space<vmem_shared>>)
      %add3A_124 = arith.constant 0 : i32
      %add3A_125 = arith.addi %add3A_52, %add3A_124 : i32
      %add3A_126 = arith.constant 4 : i32
      %add3A_127 = arith.addi %add3A_125, %add3A_126 : i32
      %lt3A = arith.constant 100 : i32
      %lt3A_128 = arith.cmpi slt, %add3A_127, %lt3A : i32
      %convert_element_type3A = arith.extui %lt3A_128 : i1 to i32
      %cond3A = arith.constant 0 : i32
      %cond3A_129 = arith.cmpi ne, %convert_element_type3A, %cond3A : i32
      scf.if %cond3A_129 {
        %add3A_181 = arith.constant 0 : i32
        %add3A_182 = arith.addi %add3A_52, %add3A_181 : i32
        %add3A_183 = arith.constant 4 : i32
        %add3A_184 = arith.addi %add3A_182, %add3A_183 : i32
        %dma_start3A_185 = arith.constant 0 : i32
        %dma_start3A_186 = tpu.memref_slice %arg6[%add3A_184, %dma_start3A_185] : memref<100x100xi32, #tpu.memory_space<vmem>> -> memref<1x100xi32, #tpu.memory_space<vmem>>
        %dma_start3A_187 = tpu.memref_squeeze %dma_start3A_186 : memref<1x100xi32, #tpu.memory_space<vmem>> -> memref<100xi32, #tpu.memory_space<vmem>>
        %dma_start3A_188 = arith.constant 0 : i32
        %dma_start3A_189 = arith.constant 0 : i32
        %dma_start3A_190 = tpu.memref_slice %arg2[%dma_start3A_188, %dma_start3A_189] : memref<10000x80xf32, #tpu.memory_space<hbm>> -> memref<10000x80xf32, #tpu.memory_space<hbm>>
        tpu.enqueue_indirect_dma source(%dma_start3A_190 : memref<10000x80xf32, #tpu.memory_space<hbm>>) target(%arg10 : memref<100x80xf32, #tpu.memory_space<vmem>>) offsets(%dma_start3A_187 : memref<100xi32, #tpu.memory_space<vmem>>) semaphore(%arg14 : memref<!tpu.dma_semaphore, #tpu.memory_space<semaphore_mem>>)
      } else {
      }
      %add3A_130 = arith.constant 1 : i32
      %add3A_131 = arith.addi %add3A_52, %add3A_130 : i32
      %dma_wait3A_132 = arith.constant 0 : i32
      %dma_wait3A_133 = tpu.memref_slice %arg7[%add3A_131, %dma_wait3A_132] : memref<100x100xi32, #tpu.memory_space<vmem>> -> memref<1x100xi32, #tpu.memory_space<vmem>>
      %dma_wait3A_134 = tpu.memref_squeeze %dma_wait3A_133 : memref<1x100xi32, #tpu.memory_space<vmem>> -> memref<100xi32, #tpu.memory_space<vmem>>
      %dma_wait3A_135 = arith.constant 0 : i32
      %dma_wait3A_136 = arith.constant 0 : i32
      %dma_wait3A_137 = tpu.memref_slice %arg9[%dma_wait3A_135, %dma_wait3A_136] : memref<5120x80xf32, #tpu.memory_space<vmem_shared>> -> memref<5120x80xf32, #tpu.memory_space<vmem_shared>>
      tpu.wait_indirect_dma semaphore(%arg19 : memref<!tpu.dma_semaphore, #tpu.memory_space<semaphore_mem>>) src(%arg11 : memref<100x80xf32, #tpu.memory_space<vmem>>) dst(%dma_wait3A_137 : memref<5120x80xf32, #tpu.memory_space<vmem_shared>>)
      %add3A_138 = arith.constant 1 : i32
      %add3A_139 = arith.addi %add3A_52, %add3A_138 : i32
      %add3A_140 = arith.constant 4 : i32
      %add3A_141 = arith.addi %add3A_139, %add3A_140 : i32
      %lt3A_142 = arith.constant 100 : i32
      %lt3A_143 = arith.cmpi slt, %add3A_141, %lt3A_142 : i32
      %convert_element_type3A_144 = arith.extui %lt3A_143 : i1 to i32
      %cond3A_145 = arith.constant 0 : i32
      %cond3A_146 = arith.cmpi ne, %convert_element_type3A_144, %cond3A_145 : i32
      scf.if %cond3A_146 {
        %add3A_181 = arith.constant 1 : i32
        %add3A_182 = arith.addi %add3A_52, %add3A_181 : i32
        %add3A_183 = arith.constant 4 : i32
        %add3A_184 = arith.addi %add3A_182, %add3A_183 : i32
        %dma_start3A_185 = arith.constant 0 : i32
        %dma_start3A_186 = tpu.memref_slice %arg6[%add3A_184, %dma_start3A_185] : memref<100x100xi32, #tpu.memory_space<vmem>> -> memref<1x100xi32, #tpu.memory_space<vmem>>
        %dma_start3A_187 = tpu.memref_squeeze %dma_start3A_186 : memref<1x100xi32, #tpu.memory_space<vmem>> -> memref<100xi32, #tpu.memory_space<vmem>>
        %dma_start3A_188 = arith.constant 0 : i32
        %dma_start3A_189 = arith.constant 0 : i32
        %dma_start3A_190 = tpu.memref_slice %arg2[%dma_start3A_188, %dma_start3A_189] : memref<10000x80xf32, #tpu.memory_space<hbm>> -> memref<10000x80xf32, #tpu.memory_space<hbm>>
        tpu.enqueue_indirect_dma source(%dma_start3A_190 : memref<10000x80xf32, #tpu.memory_space<hbm>>) target(%arg11 : memref<100x80xf32, #tpu.memory_space<vmem>>) offsets(%dma_start3A_187 : memref<100xi32, #tpu.memory_space<vmem>>) semaphore(%arg15 : memref<!tpu.dma_semaphore, #tpu.memory_space<semaphore_mem>>)
      } else {
      }
      %add3A_147 = arith.constant 2 : i32
      %add3A_148 = arith.addi %add3A_52, %add3A_147 : i32
      %dma_wait3A_149 = arith.constant 0 : i32
      %dma_wait3A_150 = tpu.memref_slice %arg7[%add3A_148, %dma_wait3A_149] : memref<100x100xi32, #tpu.memory_space<vmem>> -> memref<1x100xi32, #tpu.memory_space<vmem>>
      %dma_wait3A_151 = tpu.memref_squeeze %dma_wait3A_150 : memref<1x100xi32, #tpu.memory_space<vmem>> -> memref<100xi32, #tpu.memory_space<vmem>>
      %dma_wait3A_152 = arith.constant 0 : i32
      %dma_wait3A_153 = arith.constant 0 : i32
      %dma_wait3A_154 = tpu.memref_slice %arg9[%dma_wait3A_152, %dma_wait3A_153] : memref<5120x80xf32, #tpu.memory_space<vmem_shared>> -> memref<5120x80xf32, #tpu.memory_space<vmem_shared>>
      tpu.wait_indirect_dma semaphore(%arg20 : memref<!tpu.dma_semaphore, #tpu.memory_space<semaphore_mem>>) src(%arg12 : memref<100x80xf32, #tpu.memory_space<vmem>>) dst(%dma_wait3A_154 : memref<5120x80xf32, #tpu.memory_space<vmem_shared>>)
      %add3A_155 = arith.constant 2 : i32
      %add3A_156 = arith.addi %add3A_52, %add3A_155 : i32
      %add3A_157 = arith.constant 4 : i32
      %add3A_158 = arith.addi %add3A_156, %add3A_157 : i32
      %lt3A_159 = arith.constant 100 : i32
      %lt3A_160 = arith.cmpi slt, %add3A_158, %lt3A_159 : i32
      %convert_element_type3A_161 = arith.extui %lt3A_160 : i1 to i32
      %cond3A_162 = arith.constant 0 : i32
      %cond3A_163 = arith.cmpi ne, %convert_element_type3A_161, %cond3A_162 : i32
      scf.if %cond3A_163 {
        %add3A_181 = arith.constant 2 : i32
        %add3A_182 = arith.addi %add3A_52, %add3A_181 : i32
        %add3A_183 = arith.constant 4 : i32
        %add3A_184 = arith.addi %add3A_182, %add3A_183 : i32
        %dma_start3A_185 = arith.constant 0 : i32
        %dma_start3A_186 = tpu.memref_slice %arg6[%add3A_184, %dma_start3A_185] : memref<100x100xi32, #tpu.memory_space<vmem>> -> memref<1x100xi32, #tpu.memory_space<vmem>>
        %dma_start3A_187 = tpu.memref_squeeze %dma_start3A_186 : memref<1x100xi32, #tpu.memory_space<vmem>> -> memref<100xi32, #tpu.memory_space<vmem>>
        %dma_start3A_188 = arith.constant 0 : i32
        %dma_start3A_189 = arith.constant 0 : i32
        %dma_start3A_190 = tpu.memref_slice %arg2[%dma_start3A_188, %dma_start3A_189] : memref<10000x80xf32, #tpu.memory_space<hbm>> -> memref<10000x80xf32, #tpu.memory_space<hbm>>
        tpu.enqueue_indirect_dma source(%dma_start3A_190 : memref<10000x80xf32, #tpu.memory_space<hbm>>) target(%arg12 : memref<100x80xf32, #tpu.memory_space<vmem>>) offsets(%dma_start3A_187 : memref<100xi32, #tpu.memory_space<vmem>>) semaphore(%arg16 : memref<!tpu.dma_semaphore, #tpu.memory_space<semaphore_mem>>)
      } else {
      }
      %add3A_164 = arith.constant 3 : i32
      %add3A_165 = arith.addi %add3A_52, %add3A_164 : i32
      %dma_wait3A_166 = arith.constant 0 : i32
      %dma_wait3A_167 = tpu.memref_slice %arg7[%add3A_165, %dma_wait3A_166] : memref<100x100xi32, #tpu.memory_space<vmem>> -> memref<1x100xi32, #tpu.memory_space<vmem>>
      %dma_wait3A_168 = tpu.memref_squeeze %dma_wait3A_167 : memref<1x100xi32, #tpu.memory_space<vmem>> -> memref<100xi32, #tpu.memory_space<vmem>>
      %dma_wait3A_169 = arith.constant 0 : i32
      %dma_wait3A_170 = arith.constant 0 : i32
      %dma_wait3A_171 = tpu.memref_slice %arg9[%dma_wait3A_169, %dma_wait3A_170] : memref<5120x80xf32, #tpu.memory_space<vmem_shared>> -> memref<5120x80xf32, #tpu.memory_space<vmem_shared>>
      tpu.wait_indirect_dma semaphore(%arg21 : memref<!tpu.dma_semaphore, #tpu.memory_space<semaphore_mem>>) src(%arg13 : memref<100x80xf32, #tpu.memory_space<vmem>>) dst(%dma_wait3A_171 : memref<5120x80xf32, #tpu.memory_space<vmem_shared>>)
      %add3A_172 = arith.constant 3 : i32
      %add3A_173 = arith.addi %add3A_52, %add3A_172 : i32
      %add3A_174 = arith.constant 4 : i32
      %add3A_175 = arith.addi %add3A_173, %add3A_174 : i32
      %lt3A_176 = arith.constant 100 : i32
      %lt3A_177 = arith.cmpi slt, %add3A_175, %lt3A_176 : i32
      %convert_element_type3A_178 = arith.extui %lt3A_177 : i1 to i32
      %cond3A_179 = arith.constant 0 : i32
      %cond3A_180 = arith.cmpi ne, %convert_element_type3A_178, %cond3A_179 : i32
      scf.if %cond3A_180 {
        %add3A_181 = arith.constant 3 : i32
        %add3A_182 = arith.addi %add3A_52, %add3A_181 : i32
        %add3A_183 = arith.constant 4 : i32
        %add3A_184 = arith.addi %add3A_182, %add3A_183 : i32
        %dma_start3A_185 = arith.constant 0 : i32
        %dma_start3A_186 = tpu.memref_slice %arg6[%add3A_184, %dma_start3A_185] : memref<100x100xi32, #tpu.memory_space<vmem>> -> memref<1x100xi32, #tpu.memory_space<vmem>>
        %dma_start3A_187 = tpu.memref_squeeze %dma_start3A_186 : memref<1x100xi32, #tpu.memory_space<vmem>> -> memref<100xi32, #tpu.memory_space<vmem>>
        %dma_start3A_188 = arith.constant 0 : i32
        %dma_start3A_189 = arith.constant 0 : i32
        %dma_start3A_190 = tpu.memref_slice %arg2[%dma_start3A_188, %dma_start3A_189] : memref<10000x80xf32, #tpu.memory_space<hbm>> -> memref<10000x80xf32, #tpu.memory_space<hbm>>
        tpu.enqueue_indirect_dma source(%dma_start3A_190 : memref<10000x80xf32, #tpu.memory_space<hbm>>) target(%arg13 : memref<100x80xf32, #tpu.memory_space<vmem>>) offsets(%dma_start3A_187 : memref<100xi32, #tpu.memory_space<vmem>>) semaphore(%arg17 : memref<!tpu.dma_semaphore, #tpu.memory_space<semaphore_mem>>)
      } else {
      }
    }
    %scan3A_42 = arith.constant 25 : i32
    %barrier3A_43 = arith.constant 0 : index
    tpu.barrier barrier_id(%barrier3A_43)
    %mul3A_44 = arith.constant 320 : i32
    %mul3A_45 = arith.muli %arg1, %mul3A_44 : i32
    %mul3A_46 = arith.constant 320 : i32
    %mul3A_47 = arith.muli %arg1, %mul3A_46 : i32
    "tpu.region"() ({
      %run_scoped3A = tpu.sem_alloc : memref<!tpu.dma_semaphore, #tpu.memory_space<semaphore_mem>>
      %dma_start3A_48 = arith.constant 0 : i32
      %dma_start3A_49 = tpu.memref_slice %arg5[%arg0, %mul3A_47, %dma_start3A_48] : memref<2x5120x80xf32, #tpu.memory_space<hbm>> -> memref<1x320x80xf32, #tpu.memory_space<hbm>>
      %dma_start3A_50 = tpu.memref_squeeze %dma_start3A_49 : memref<1x320x80xf32, #tpu.memory_space<hbm>> -> memref<320x80xf32, #tpu.memory_space<hbm>>
      %dma_start3A_51 = arith.constant 0 : i32
      %dma_start3A_52 = tpu.memref_slice %arg9[%mul3A_45, %dma_start3A_51] : memref<5120x80xf32, #tpu.memory_space<vmem_shared>> -> memref<320x80xf32, #tpu.memory_space<vmem_shared>>
      tpu.enqueue_dma source(%dma_start3A_52 : memref<320x80xf32, #tpu.memory_space<vmem_shared>>) target(%dma_start3A_50 : memref<320x80xf32, #tpu.memory_space<hbm>>) target_semaphore(%run_scoped3A : memref<!tpu.dma_semaphore, #tpu.memory_space<semaphore_mem>>)
      %dma_wait3A = arith.constant 0 : i32
      %dma_wait3A_53 = tpu.memref_slice %arg5[%arg0, %mul3A_47, %dma_wait3A] : memref<2x5120x80xf32, #tpu.memory_space<hbm>> -> memref<1x320x80xf32, #tpu.memory_space<hbm>>
      %dma_wait3A_54 = tpu.memref_squeeze %dma_wait3A_53 : memref<1x320x80xf32, #tpu.memory_space<hbm>> -> memref<320x80xf32, #tpu.memory_space<hbm>>
      %dma_wait3A_55 = arith.constant 0 : i32
      %dma_wait3A_56 = tpu.memref_slice %arg9[%mul3A_45, %dma_wait3A_55] : memref<5120x80xf32, #tpu.memory_space<vmem_shared>> -> memref<320x80xf32, #tpu.memory_space<vmem_shared>>
      tpu.wait_dma2 semaphore(%run_scoped3A : memref<!tpu.dma_semaphore, #tpu.memory_space<semaphore_mem>>) src(%dma_wait3A_56 : memref<320x80xf32, #tpu.memory_space<vmem_shared>>) dst(%dma_wait3A_54 : memref<320x80xf32, #tpu.memory_space<hbm>>)
      tpu.yield
    }) : () -> ()
    return
  }
}

module attributes {stable_mosaic.version = 14 : i64} {
  func.func @_tc1_body(%arg0: memref<10000x128xf32, #tpu.memory_space<vmem>>, %arg1: memref<128x64xf32, #tpu.memory_space<vmem>>, %arg2: memref<64x1xf32, #tpu.memory_space<vmem>>, %arg3: memref<10000x144xf32, #tpu.memory_space<vmem>>) attributes {dimension_semantics = [], scalar_prefetch = 0 : i64, scratch_operands = 0 : i64, tpu.core_type = #tpu.core_type<tc>} {
    %get3A = arith.constant 0 : index
    %get3A_0 = arith.constant 0 : index
    %get3A_1 = vector.load %arg0[%get3A, %get3A_0] : memref<10000x128xf32, #tpu.memory_space<vmem>>, vector<10000x128xf32>
    %get3A_2 = arith.constant 0 : index
    %get3A_3 = arith.constant 0 : index
    %get3A_4 = vector.load %arg1[%get3A_2, %get3A_3] : memref<128x64xf32, #tpu.memory_space<vmem>>, vector<128x64xf32>
    %get3A_5 = arith.constant 0 : index
    %get3A_6 = arith.constant 0 : index
    %get3A_7 = vector.load %arg2[%get3A_5, %get3A_6] : memref<64x1xf32, #tpu.memory_space<vmem>>, vector<64x1xf32>
    %dot_general3A = arith.constant dense<0.000000e+00> : vector<128x1xf32>
    %dot_general3A_8 = tpu.matmul %get3A_4, %get3A_7, %dot_general3A {dimension_numbers = #tpu.dot_dimension_numbers<[1], [0], [0], [1], [0, 0, 1, 1], [], []>, transpose_lhs_hint = false} : vector<128x64xf32>, vector<64x1xf32>, vector<128x1xf32> -> vector<128x1xf32>
    %dot_general3A_9 = arith.constant dense<0.000000e+00> : vector<10000x1xf32>
    %dot_general3A_10 = tpu.matmul %get3A_1, %dot_general3A_8, %dot_general3A_9 {dimension_numbers = #tpu.dot_dimension_numbers<[1], [0], [0], [1], [0, 0, 1, 1], [], []>, transpose_lhs_hint = false} : vector<10000x128xf32>, vector<128x1xf32>, vector<10000x1xf32> -> vector<10000x1xf32>
    %exp3A = math.exp %dot_general3A_10 : vector<10000x1xf32>
    %mul3A = vector.broadcast %exp3A : vector<10000x1xf32> to vector<10000x128xf32>
    %mul3A_11 = arith.mulf %get3A_1, %mul3A : vector<10000x128xf32>
    %iota3A = tpu.iota {dimensions = array<i32: 1>} : vector<1x16xi32>
    %eq3A = arith.constant 0 : i32
    %eq3A_12 = vector.broadcast %eq3A : i32 to vector<1x16xi32>
    %eq3A_13 = arith.cmpi eq, %iota3A, %eq3A_12 : vector<1x16xi32>
    %convert_element_type3A = arith.extui %eq3A_13 : vector<1x16xi1> to vector<1x16xi32>
    %convert_element_type3A_14 = arith.sitofp %convert_element_type3A : vector<1x16xi32> to vector<1x16xf32>
    %mul3A_15 = vector.broadcast %exp3A : vector<10000x1xf32> to vector<10000x16xf32>
    %mul3A_16 = vector.broadcast %convert_element_type3A_14 : vector<1x16xf32> to vector<10000x16xf32>
    %mul3A_17 = arith.mulf %mul3A_15, %mul3A_16 : vector<10000x16xf32>
    %concatenate3A = tpu.concatenate %mul3A_11, %mul3A_17 in 1 : vector<10000x128xf32>, vector<10000x16xf32> -> vector<10000x144xf32>
    %swap3A = arith.constant 0 : index
    %swap3A_18 = arith.constant 0 : index
    %swap3A_19 = vector.load %arg3[%swap3A, %swap3A_18] : memref<10000x144xf32, #tpu.memory_space<vmem>>, vector<10000x144xf32>
    tpu.vector_store %arg3[%swap3A, %swap3A_18], %concatenate3A {strides = array<i32>} : memref<10000x144xf32, #tpu.memory_space<vmem>>, vector<10000x144xf32>,
    return
  }
}

module attributes {stable_mosaic.version = 14 : i64} {
  func.func @_edge_stage_body(%arg0: memref<2x5120x144xf32, #tpu.memory_space<vmem>>, %arg1: memref<128x64xf32, #tpu.memory_space<vmem>>, %arg2: memref<64x64xf32, #tpu.memory_space<vmem>>, %arg3: memref<1x64xf32, #tpu.memory_space<vmem>>, %arg4: memref<1x64xf32, #tpu.memory_space<vmem>>, %arg5: memref<1x64xf32, #tpu.memory_space<vmem>>, %arg6: memref<64x64xf32, #tpu.memory_space<vmem>>, %arg7: memref<64x1xf32, #tpu.memory_space<vmem>>, %arg8: memref<5120x80xf32, #tpu.memory_space<vmem>>) attributes {dimension_semantics = [], scalar_prefetch = 0 : i64, scratch_operands = 0 : i64, tpu.core_type = #tpu.core_type<tc>} {
    %get3A = arith.constant 0 : index
    %get3A_0 = arith.constant 0 : index
    %get3A_1 = arith.constant 0 : index
    %get3A_2 = vector.load %arg0[%get3A, %get3A_0, %get3A_1] : memref<2x5120x144xf32, #tpu.memory_space<vmem>>, vector<1x5120x144xf32>
    %get3A_3 = vector.shape_cast %get3A_2 : vector<1x5120x144xf32> to vector<5120x144xf32>
    %get3A_4 = arith.constant 1 : index
    %get3A_5 = arith.constant 0 : index
    %get3A_6 = arith.constant 0 : index
    %get3A_7 = vector.load %arg0[%get3A_4, %get3A_5, %get3A_6] : memref<2x5120x144xf32, #tpu.memory_space<vmem>>, vector<1x5120x144xf32>
    %get3A_8 = vector.shape_cast %get3A_7 : vector<1x5120x144xf32> to vector<5120x144xf32>
    %add3A = arith.addf %get3A_3, %get3A_8 : vector<5120x144xf32>
    %slice3A = vector.extract_strided_slice %add3A {offsets = [0, 128], sizes = [5120, 1], strides = [1, 1]} : vector<5120x144xf32> to vector<5120x1xf32>
    %slice3A_9 = vector.extract_strided_slice %add3A {offsets = [0, 0], sizes = [5120, 128], strides = [1, 1]} : vector<5120x144xf32> to vector<5120x128xf32>
    %add3A_10 = arith.constant 9.99999971E-10 : f32
    %add3A_11 = vector.broadcast %add3A_10 : f32 to vector<5120x1xf32>
    %add3A_12 = arith.addf %slice3A, %add3A_11 : vector<5120x1xf32>
    %div3A = vector.broadcast %add3A_12 : vector<5120x1xf32> to vector<5120x128xf32>
    %div3A_13 = arith.divf %slice3A_9, %div3A : vector<5120x128xf32>
    %get3A_14 = arith.constant 0 : index
    %get3A_15 = arith.constant 0 : index
    %get3A_16 = vector.load %arg1[%get3A_14, %get3A_15] : memref<128x64xf32, #tpu.memory_space<vmem>>, vector<128x64xf32>
    %dot_general3A = arith.constant dense<0.000000e+00> : vector<5120x64xf32>
    %dot_general3A_17 = tpu.matmul %div3A_13, %get3A_16, %dot_general3A {dimension_numbers = #tpu.dot_dimension_numbers<[1], [0], [0], [1], [0, 0, 1, 1], [], []>, transpose_lhs_hint = false} : vector<5120x128xf32>, vector<128x64xf32>, vector<5120x64xf32> -> vector<5120x64xf32>
    %max3A = arith.constant 0.000000e+00 : f32
    %max3A_18 = vector.broadcast %max3A : f32 to vector<5120x64xf32>
    %max3A_19 = arith.maximumf %dot_general3A_17, %max3A_18 : vector<5120x64xf32>
    %get3A_20 = arith.constant 0 : index
    %get3A_21 = arith.constant 0 : index
    %get3A_22 = vector.load %arg2[%get3A_20, %get3A_21] : memref<64x64xf32, #tpu.memory_space<vmem>>, vector<64x64xf32>
    %dot_general3A_23 = arith.constant dense<0.000000e+00> : vector<5120x64xf32>
    %dot_general3A_24 = tpu.matmul %max3A_19, %get3A_22, %dot_general3A_23 {dimension_numbers = #tpu.dot_dimension_numbers<[1], [0], [0], [1], [0, 0, 1, 1], [], []>, transpose_lhs_hint = false} : vector<5120x64xf32>, vector<64x64xf32>, vector<5120x64xf32> -> vector<5120x64xf32>
    %get3A_25 = arith.constant 0 : index
    %get3A_26 = arith.constant 0 : index
    %get3A_27 = vector.load %arg3[%get3A_25, %get3A_26] : memref<1x64xf32, #tpu.memory_space<vmem>>, vector<1x64xf32>
    %add3A_28 = vector.broadcast %get3A_27 : vector<1x64xf32> to vector<5120x64xf32>
    %add3A_29 = arith.addf %dot_general3A_24, %add3A_28 : vector<5120x64xf32>
    %get3A_30 = arith.constant 0 : index
    %get3A_31 = arith.constant 0 : index
    %get3A_32 = vector.load %arg4[%get3A_30, %get3A_31] : memref<1x64xf32, #tpu.memory_space<vmem>>, vector<1x64xf32>
    %get3A_33 = arith.constant 0 : index
    %get3A_34 = arith.constant 0 : index
    %get3A_35 = vector.load %arg5[%get3A_33, %get3A_34] : memref<1x64xf32, #tpu.memory_space<vmem>>, vector<1x64xf32>
    %reduce_sum3A = arith.constant dense<0.000000e+00> : vector<5120xf32>
    %reduce_sum3A_36 = vector.multi_reduction <add>, %add3A_29, %reduce_sum3A [1] : vector<5120x64xf32> to vector<5120xf32>
    %broadcast_in_dim3A = vector.shape_cast %reduce_sum3A_36 : vector<5120xf32> to vector<5120x1xf32>
    %div3A_37 = arith.constant 6.400000e+01 : f32
    %div3A_38 = vector.broadcast %div3A_37 : f32 to vector<5120x1xf32>
    %div3A_39 = arith.divf %broadcast_in_dim3A, %div3A_38 : vector<5120x1xf32>
    %sub3A = vector.broadcast %div3A_39 : vector<5120x1xf32> to vector<5120x64xf32>
    %sub3A_40 = arith.subf %add3A_29, %sub3A : vector<5120x64xf32>
    %integer_pow3A = arith.mulf %sub3A_40, %sub3A_40 : vector<5120x64xf32>
    %reduce_sum3A_41 = arith.constant dense<0.000000e+00> : vector<5120xf32>
    %reduce_sum3A_42 = vector.multi_reduction <add>, %integer_pow3A, %reduce_sum3A_41 [1] : vector<5120x64xf32> to vector<5120xf32>
    %broadcast_in_dim3A_43 = vector.shape_cast %reduce_sum3A_42 : vector<5120xf32> to vector<5120x1xf32>
    %div3A_44 = arith.constant 6.400000e+01 : f32
    %div3A_45 = vector.broadcast %div3A_44 : f32 to vector<5120x1xf32>
    %div3A_46 = arith.divf %broadcast_in_dim3A_43, %div3A_45 : vector<5120x1xf32>
    %sub3A_47 = vector.broadcast %div3A_39 : vector<5120x1xf32> to vector<5120x64xf32>
    %sub3A_48 = arith.subf %add3A_29, %sub3A_47 : vector<5120x64xf32>
    %add3A_49 = arith.constant 9.99999974E-6 : f32
    %add3A_50 = vector.broadcast %add3A_49 : f32 to vector<5120x1xf32>
    %add3A_51 = arith.addf %div3A_46, %add3A_50 : vector<5120x1xf32>
    %sqrt3A = math.sqrt %add3A_51 : vector<5120x1xf32>
    %div3A_52 = vector.broadcast %sqrt3A : vector<5120x1xf32> to vector<5120x64xf32>
    %div3A_53 = arith.divf %sub3A_48, %div3A_52 : vector<5120x64xf32>
    %mul3A = vector.broadcast %get3A_32 : vector<1x64xf32> to vector<5120x64xf32>
    %mul3A_54 = arith.mulf %div3A_53, %mul3A : vector<5120x64xf32>
    %add3A_55 = vector.broadcast %get3A_35 : vector<1x64xf32> to vector<5120x64xf32>
    %add3A_56 = arith.addf %mul3A_54, %add3A_55 : vector<5120x64xf32>
    %max3A_57 = arith.constant 0.000000e+00 : f32
    %max3A_58 = vector.broadcast %max3A_57 : f32 to vector<5120x64xf32>
    %max3A_59 = arith.maximumf %add3A_56, %max3A_58 : vector<5120x64xf32>
    %get3A_60 = arith.constant 0 : index
    %get3A_61 = arith.constant 0 : index
    %get3A_62 = vector.load %arg6[%get3A_60, %get3A_61] : memref<64x64xf32, #tpu.memory_space<vmem>>, vector<64x64xf32>
    %get3A_63 = arith.constant 0 : index
    %get3A_64 = arith.constant 0 : index
    %get3A_65 = vector.load %arg7[%get3A_63, %get3A_64] : memref<64x1xf32, #tpu.memory_space<vmem>>, vector<64x1xf32>
    %dot_general3A_66 = arith.constant dense<0.000000e+00> : vector<64x1xf32>
    %dot_general3A_67 = tpu.matmul %get3A_62, %get3A_65, %dot_general3A_66 {dimension_numbers = #tpu.dot_dimension_numbers<[1], [0], [0], [1], [0, 0, 1, 1], [], []>, transpose_lhs_hint = false} : vector<64x64xf32>, vector<64x1xf32>, vector<64x1xf32> -> vector<64x1xf32>
    %dot_general3A_68 = arith.constant dense<0.000000e+00> : vector<5120x1xf32>
    %dot_general3A_69 = tpu.matmul %max3A_59, %dot_general3A_67, %dot_general3A_68 {dimension_numbers = #tpu.dot_dimension_numbers<[1], [0], [0], [1], [0, 0, 1, 1], [], []>, transpose_lhs_hint = false} : vector<5120x64xf32>, vector<64x1xf32>, vector<5120x1xf32> -> vector<5120x1xf32>
    %exp3A = math.exp %dot_general3A_69 : vector<5120x1xf32>
    %mul3A_70 = vector.broadcast %exp3A : vector<5120x1xf32> to vector<5120x64xf32>
    %mul3A_71 = arith.mulf %max3A_59, %mul3A_70 : vector<5120x64xf32>
    %iota3A = tpu.iota {dimensions = array<i32: 1>} : vector<1x16xi32>
    %eq3A = arith.constant 0 : i32
    %eq3A_72 = vector.broadcast %eq3A : i32 to vector<1x16xi32>
    %eq3A_73 = arith.cmpi eq, %iota3A, %eq3A_72 : vector<1x16xi32>
    %convert_element_type3A = arith.extui %eq3A_73 : vector<1x16xi1> to vector<1x16xi32>
    %convert_element_type3A_74 = arith.sitofp %convert_element_type3A : vector<1x16xi32> to vector<1x16xf32>
    %mul3A_75 = vector.broadcast %exp3A : vector<5120x1xf32> to vector<5120x16xf32>
    %mul3A_76 = vector.broadcast %convert_element_type3A_74 : vector<1x16xf32> to vector<5120x16xf32>
    %mul3A_77 = arith.mulf %mul3A_75, %mul3A_76 : vector<5120x16xf32>
    %concatenate3A = tpu.concatenate %mul3A_71, %mul3A_77 in 1 : vector<5120x64xf32>, vector<5120x16xf32> -> vector<5120x80xf32>
    %swap3A = arith.constant 0 : index
    %swap3A_78 = arith.constant 0 : index
    %swap3A_79 = vector.load %arg8[%swap3A, %swap3A_78] : memref<5120x80xf32, #tpu.memory_space<vmem>>, vector<5120x80xf32>
    tpu.vector_store %arg8[%swap3A, %swap3A_78], %concatenate3A {strides = array<i32>} : memref<5120x80xf32, #tpu.memory_space<vmem>>, vector<5120x80xf32>,
    return
  }
}

module attributes {stable_mosaic.version = 14 : i64} {
  func.func @_node_stage_body(%arg0: memref<2x10240x80xf32, #tpu.memory_space<vmem>>, %arg1: memref<10000x128xf32, #tpu.memory_space<vmem>>, %arg2: memref<64x64xf32, #tpu.memory_space<vmem>>, %arg3: memref<128x64xf32, #tpu.memory_space<vmem>>, %arg4: memref<64x64xf32, #tpu.memory_space<vmem>>, %arg5: memref<1x64xf32, #tpu.memory_space<vmem>>, %arg6: memref<1x64xf32, #tpu.memory_space<vmem>>, %arg7: memref<1x64xf32, #tpu.memory_space<vmem>>, %arg8: memref<64x64xf32, #tpu.memory_space<vmem>>, %arg9: memref<64x1xf32, #tpu.memory_space<vmem>>, %arg10: memref<10000x64xf32, #tpu.memory_space<vmem>>, %arg11: memref<10000x80xf32, #tpu.memory_space<vmem>>) attributes {dimension_semantics = [], scalar_prefetch = 0 : i64, scratch_operands = 0 : i64, tpu.core_type = #tpu.core_type<tc>} {
    %get3A = arith.constant 0 : index
    %get3A_0 = arith.constant 0 : index
    %get3A_1 = arith.constant 0 : index
    %get3A_2 = vector.load %arg0[%get3A, %get3A_0, %get3A_1] : memref<2x10240x80xf32, #tpu.memory_space<vmem>>, vector<1x10240x80xf32>
    %get3A_3 = vector.shape_cast %get3A_2 : vector<1x10240x80xf32> to vector<10240x80xf32>
    %get3A_4 = arith.constant 1 : index
    %get3A_5 = arith.constant 0 : index
    %get3A_6 = arith.constant 0 : index
    %get3A_7 = vector.load %arg0[%get3A_4, %get3A_5, %get3A_6] : memref<2x10240x80xf32, #tpu.memory_space<vmem>>, vector<1x10240x80xf32>
    %get3A_8 = vector.shape_cast %get3A_7 : vector<1x10240x80xf32> to vector<10240x80xf32>
    %add3A = arith.addf %get3A_3, %get3A_8 : vector<10240x80xf32>
    %slice3A = vector.extract_strided_slice %add3A {offsets = [0, 0], sizes = [10000, 80], strides = [1, 1]} : vector<10240x80xf32> to vector<10000x80xf32>
    %slice3A_9 = vector.extract_strided_slice %slice3A {offsets = [0, 0], sizes = [10000, 64], strides = [1, 1]} : vector<10000x80xf32> to vector<10000x64xf32>
    %slice3A_10 = vector.extract_strided_slice %slice3A {offsets = [0, 64], sizes = [10000, 1], strides = [1, 1]} : vector<10000x80xf32> to vector<10000x1xf32>
    %add3A_11 = arith.constant 9.99999971E-10 : f32
    %add3A_12 = vector.broadcast %add3A_11 : f32 to vector<10000x1xf32>
    %add3A_13 = arith.addf %slice3A_10, %add3A_12 : vector<10000x1xf32>
    %div3A = vector.broadcast %add3A_13 : vector<10000x1xf32> to vector<10000x64xf32>
    %div3A_14 = arith.divf %slice3A_9, %div3A : vector<10000x64xf32>
    %get3A_15 = arith.constant 0 : index
    %get3A_16 = arith.constant 0 : index
    %get3A_17 = vector.load %arg2[%get3A_15, %get3A_16] : memref<64x64xf32, #tpu.memory_space<vmem>>, vector<64x64xf32>
    %dot_general3A = arith.constant dense<0.000000e+00> : vector<10000x64xf32>
    %dot_general3A_18 = tpu.matmul %div3A_14, %get3A_17, %dot_general3A {dimension_numbers = #tpu.dot_dimension_numbers<[1], [0], [0], [1], [0, 0, 1, 1], [], []>, transpose_lhs_hint = false} : vector<10000x64xf32>, vector<64x64xf32>, vector<10000x64xf32> -> vector<10000x64xf32>
    %max3A = arith.constant 0.000000e+00 : f32
    %max3A_19 = vector.broadcast %max3A : f32 to vector<10000x64xf32>
    %max3A_20 = arith.maximumf %dot_general3A_18, %max3A_19 : vector<10000x64xf32>
    %get3A_21 = arith.constant 0 : index
    %get3A_22 = arith.constant 0 : index
    %get3A_23 = vector.load %arg1[%get3A_21, %get3A_22] : memref<10000x128xf32, #tpu.memory_space<vmem>>, vector<10000x128xf32>
    %get3A_24 = arith.constant 0 : index
    %get3A_25 = arith.constant 0 : index
    %get3A_26 = vector.load %arg3[%get3A_24, %get3A_25] : memref<128x64xf32, #tpu.memory_space<vmem>>, vector<128x64xf32>
    %dot_general3A_27 = arith.constant dense<0.000000e+00> : vector<10000x64xf32>
    %dot_general3A_28 = tpu.matmul %get3A_23, %get3A_26, %dot_general3A_27 {dimension_numbers = #tpu.dot_dimension_numbers<[1], [0], [0], [1], [0, 0, 1, 1], [], []>, transpose_lhs_hint = false} : vector<10000x128xf32>, vector<128x64xf32>, vector<10000x64xf32> -> vector<10000x64xf32>
    %get3A_29 = arith.constant 0 : index
    %get3A_30 = arith.constant 0 : index
    %get3A_31 = vector.load %arg4[%get3A_29, %get3A_30] : memref<64x64xf32, #tpu.memory_space<vmem>>, vector<64x64xf32>
    %dot_general3A_32 = arith.constant dense<0.000000e+00> : vector<10000x64xf32>
    %dot_general3A_33 = tpu.matmul %max3A_20, %get3A_31, %dot_general3A_32 {dimension_numbers = #tpu.dot_dimension_numbers<[1], [0], [0], [1], [0, 0, 1, 1], [], []>, transpose_lhs_hint = false} : vector<10000x64xf32>, vector<64x64xf32>, vector<10000x64xf32> -> vector<10000x64xf32>
    %add3A_34 = arith.addf %dot_general3A_28, %dot_general3A_33 : vector<10000x64xf32>
    %get3A_35 = arith.constant 0 : index
    %get3A_36 = arith.constant 0 : index
    %get3A_37 = vector.load %arg5[%get3A_35, %get3A_36] : memref<1x64xf32, #tpu.memory_space<vmem>>, vector<1x64xf32>
    %add3A_38 = vector.broadcast %get3A_37 : vector<1x64xf32> to vector<10000x64xf32>
    %add3A_39 = arith.addf %add3A_34, %add3A_38 : vector<10000x64xf32>
    %get3A_40 = arith.constant 0 : index
    %get3A_41 = arith.constant 0 : index
    %get3A_42 = vector.load %arg6[%get3A_40, %get3A_41] : memref<1x64xf32, #tpu.memory_space<vmem>>, vector<1x64xf32>
    %get3A_43 = arith.constant 0 : index
    %get3A_44 = arith.constant 0 : index
    %get3A_45 = vector.load %arg7[%get3A_43, %get3A_44] : memref<1x64xf32, #tpu.memory_space<vmem>>, vector<1x64xf32>
    %reduce_sum3A = arith.constant dense<0.000000e+00> : vector<10000xf32>
    %reduce_sum3A_46 = vector.multi_reduction <add>, %add3A_39, %reduce_sum3A [1] : vector<10000x64xf32> to vector<10000xf32>
    %broadcast_in_dim3A = vector.shape_cast %reduce_sum3A_46 : vector<10000xf32> to vector<10000x1xf32>
    %div3A_47 = arith.constant 6.400000e+01 : f32
    %div3A_48 = vector.broadcast %div3A_47 : f32 to vector<10000x1xf32>
    %div3A_49 = arith.divf %broadcast_in_dim3A, %div3A_48 : vector<10000x1xf32>
    %sub3A = vector.broadcast %div3A_49 : vector<10000x1xf32> to vector<10000x64xf32>
    %sub3A_50 = arith.subf %add3A_39, %sub3A : vector<10000x64xf32>
    %integer_pow3A = arith.mulf %sub3A_50, %sub3A_50 : vector<10000x64xf32>
    %reduce_sum3A_51 = arith.constant dense<0.000000e+00> : vector<10000xf32>
    %reduce_sum3A_52 = vector.multi_reduction <add>, %integer_pow3A, %reduce_sum3A_51 [1] : vector<10000x64xf32> to vector<10000xf32>
    %broadcast_in_dim3A_53 = vector.shape_cast %reduce_sum3A_52 : vector<10000xf32> to vector<10000x1xf32>
    %div3A_54 = arith.constant 6.400000e+01 : f32
    %div3A_55 = vector.broadcast %div3A_54 : f32 to vector<10000x1xf32>
    %div3A_56 = arith.divf %broadcast_in_dim3A_53, %div3A_55 : vector<10000x1xf32>
    %sub3A_57 = vector.broadcast %div3A_49 : vector<10000x1xf32> to vector<10000x64xf32>
    %sub3A_58 = arith.subf %add3A_39, %sub3A_57 : vector<10000x64xf32>
    %add3A_59 = arith.constant 9.99999974E-6 : f32
    %add3A_60 = vector.broadcast %add3A_59 : f32 to vector<10000x1xf32>
    %add3A_61 = arith.addf %div3A_56, %add3A_60 : vector<10000x1xf32>
    %sqrt3A = math.sqrt %add3A_61 : vector<10000x1xf32>
    %div3A_62 = vector.broadcast %sqrt3A : vector<10000x1xf32> to vector<10000x64xf32>
    %div3A_63 = arith.divf %sub3A_58, %div3A_62 : vector<10000x64xf32>
    %mul3A = vector.broadcast %get3A_42 : vector<1x64xf32> to vector<10000x64xf32>
    %mul3A_64 = arith.mulf %div3A_63, %mul3A : vector<10000x64xf32>
    %add3A_65 = vector.broadcast %get3A_45 : vector<1x64xf32> to vector<10000x64xf32>
    %add3A_66 = arith.addf %mul3A_64, %add3A_65 : vector<10000x64xf32>
    %max3A_67 = arith.constant 0.000000e+00 : f32
    %max3A_68 = vector.broadcast %max3A_67 : f32 to vector<10000x64xf32>
    %max3A_69 = arith.maximumf %add3A_66, %max3A_68 : vector<10000x64xf32>
    %swap3A = arith.constant 0 : index
    %swap3A_70 = arith.constant 0 : index
    %swap3A_71 = vector.load %arg10[%swap3A, %swap3A_70] : memref<10000x64xf32, #tpu.memory_space<vmem>>, vector<10000x64xf32>
    tpu.vector_store %arg10[%swap3A, %swap3A_70], %max3A_69 {strides = array<i32>} : memref<10000x64xf32, #tpu.memory_space<vmem>>, vector<10000x64xf32>,
    %get3A_72 = arith.constant 0 : index
    %get3A_73 = arith.constant 0 : index
    %get3A_74 = vector.load %arg8[%get3A_72, %get3A_73] : memref<64x64xf32, #tpu.memory_space<vmem>>, vector<64x64xf32>
    %get3A_75 = arith.constant 0 : index
    %get3A_76 = arith.constant 0 : index
    %get3A_77 = vector.load %arg9[%get3A_75, %get3A_76] : memref<64x1xf32, #tpu.memory_space<vmem>>, vector<64x1xf32>
    %dot_general3A_78 = arith.constant dense<0.000000e+00> : vector<64x1xf32>
    %dot_general3A_79 = tpu.matmul %get3A_74, %get3A_77, %dot_general3A_78 {dimension_numbers = #tpu.dot_dimension_numbers<[1], [0], [0], [1], [0, 0, 1, 1], [], []>, transpose_lhs_hint = false} : vector<64x64xf32>, vector<64x1xf32>, vector<64x1xf32> -> vector<64x1xf32>
    %dot_general3A_80 = arith.constant dense<0.000000e+00> : vector<10000x1xf32>
    %dot_general3A_81 = tpu.matmul %max3A_69, %dot_general3A_79, %dot_general3A_80 {dimension_numbers = #tpu.dot_dimension_numbers<[1], [0], [0], [1], [0, 0, 1, 1], [], []>, transpose_lhs_hint = false} : vector<10000x64xf32>, vector<64x1xf32>, vector<10000x1xf32> -> vector<10000x1xf32>
    %exp3A = math.exp %dot_general3A_81 : vector<10000x1xf32>
    %mul3A_82 = vector.broadcast %exp3A : vector<10000x1xf32> to vector<10000x64xf32>
    %mul3A_83 = arith.mulf %max3A_69, %mul3A_82 : vector<10000x64xf32>
    %iota3A = tpu.iota {dimensions = array<i32: 1>} : vector<1x16xi32>
    %eq3A = arith.constant 0 : i32
    %eq3A_84 = vector.broadcast %eq3A : i32 to vector<1x16xi32>
    %eq3A_85 = arith.cmpi eq, %iota3A, %eq3A_84 : vector<1x16xi32>
    %convert_element_type3A = arith.extui %eq3A_85 : vector<1x16xi1> to vector<1x16xi32>
    %convert_element_type3A_86 = arith.sitofp %convert_element_type3A : vector<1x16xi32> to vector<1x16xf32>
    %mul3A_87 = vector.broadcast %exp3A : vector<10000x1xf32> to vector<10000x16xf32>
    %mul3A_88 = vector.broadcast %convert_element_type3A_86 : vector<1x16xf32> to vector<10000x16xf32>
    %mul3A_89 = arith.mulf %mul3A_87, %mul3A_88 : vector<10000x16xf32>
    %concatenate3A = tpu.concatenate %mul3A_83, %mul3A_89 in 1 : vector<10000x64xf32>, vector<10000x16xf32> -> vector<10000x80xf32>
    %swap3A_90 = arith.constant 0 : index
    %swap3A_91 = arith.constant 0 : index
    %swap3A_92 = vector.load %arg11[%swap3A_90, %swap3A_91] : memref<10000x80xf32, #tpu.memory_space<vmem>>, vector<10000x80xf32>
    tpu.vector_store %arg11[%swap3A_90, %swap3A_91], %concatenate3A {strides = array<i32>} : memref<10000x80xf32, #tpu.memory_space<vmem>>, vector<10000x80xf32>,
    return
  }
}

module attributes {stable_mosaic.version = 14 : i64} {
  func.func @_edge_stage_body(%arg0: memref<2x5120x80xf32, #tpu.memory_space<vmem>>, %arg1: memref<64x64xf32, #tpu.memory_space<vmem>>, %arg2: memref<64x64xf32, #tpu.memory_space<vmem>>, %arg3: memref<1x64xf32, #tpu.memory_space<vmem>>, %arg4: memref<1x64xf32, #tpu.memory_space<vmem>>, %arg5: memref<1x64xf32, #tpu.memory_space<vmem>>, %arg6: memref<64x64xf32, #tpu.memory_space<vmem>>, %arg7: memref<64x1xf32, #tpu.memory_space<vmem>>, %arg8: memref<5120x80xf32, #tpu.memory_space<vmem>>) attributes {dimension_semantics = [], scalar_prefetch = 0 : i64, scratch_operands = 0 : i64, tpu.core_type = #tpu.core_type<tc>} {
    %get3A = arith.constant 0 : index
    %get3A_0 = arith.constant 0 : index
    %get3A_1 = arith.constant 0 : index
    %get3A_2 = vector.load %arg0[%get3A, %get3A_0, %get3A_1] : memref<2x5120x80xf32, #tpu.memory_space<vmem>>, vector<1x5120x80xf32>
    %get3A_3 = vector.shape_cast %get3A_2 : vector<1x5120x80xf32> to vector<5120x80xf32>
    %get3A_4 = arith.constant 1 : index
    %get3A_5 = arith.constant 0 : index
    %get3A_6 = arith.constant 0 : index
    %get3A_7 = vector.load %arg0[%get3A_4, %get3A_5, %get3A_6] : memref<2x5120x80xf32, #tpu.memory_space<vmem>>, vector<1x5120x80xf32>
    %get3A_8 = vector.shape_cast %get3A_7 : vector<1x5120x80xf32> to vector<5120x80xf32>
    %add3A = arith.addf %get3A_3, %get3A_8 : vector<5120x80xf32>
    %slice3A = vector.extract_strided_slice %add3A {offsets = [0, 64], sizes = [5120, 1], strides = [1, 1]} : vector<5120x80xf32> to vector<5120x1xf32>
    %slice3A_9 = vector.extract_strided_slice %add3A {offsets = [0, 0], sizes = [5120, 64], strides = [1, 1]} : vector<5120x80xf32> to vector<5120x64xf32>
    %add3A_10 = arith.constant 9.99999971E-10 : f32
    %add3A_11 = vector.broadcast %add3A_10 : f32 to vector<5120x1xf32>
    %add3A_12 = arith.addf %slice3A, %add3A_11 : vector<5120x1xf32>
    %div3A = vector.broadcast %add3A_12 : vector<5120x1xf32> to vector<5120x64xf32>
    %div3A_13 = arith.divf %slice3A_9, %div3A : vector<5120x64xf32>
    %get3A_14 = arith.constant 0 : index
    %get3A_15 = arith.constant 0 : index
    %get3A_16 = vector.load %arg1[%get3A_14, %get3A_15] : memref<64x64xf32, #tpu.memory_space<vmem>>, vector<64x64xf32>
    %dot_general3A = arith.constant dense<0.000000e+00> : vector<5120x64xf32>
    %dot_general3A_17 = tpu.matmul %div3A_13, %get3A_16, %dot_general3A {dimension_numbers = #tpu.dot_dimension_numbers<[1], [0], [0], [1], [0, 0, 1, 1], [], []>, transpose_lhs_hint = false} : vector<5120x64xf32>, vector<64x64xf32>, vector<5120x64xf32> -> vector<5120x64xf32>
    %max3A = arith.constant 0.000000e+00 : f32
    %max3A_18 = vector.broadcast %max3A : f32 to vector<5120x64xf32>
    %max3A_19 = arith.maximumf %dot_general3A_17, %max3A_18 : vector<5120x64xf32>
    %get3A_20 = arith.constant 0 : index
    %get3A_21 = arith.constant 0 : index
    %get3A_22 = vector.load %arg2[%get3A_20, %get3A_21] : memref<64x64xf32, #tpu.memory_space<vmem>>, vector<64x64xf32>
    %dot_general3A_23 = arith.constant dense<0.000000e+00> : vector<5120x64xf32>
    %dot_general3A_24 = tpu.matmul %max3A_19, %get3A_22, %dot_general3A_23 {dimension_numbers = #tpu.dot_dimension_numbers<[1], [0], [0], [1], [0, 0, 1, 1], [], []>, transpose_lhs_hint = false} : vector<5120x64xf32>, vector<64x64xf32>, vector<5120x64xf32> -> vector<5120x64xf32>
    %get3A_25 = arith.constant 0 : index
    %get3A_26 = arith.constant 0 : index
    %get3A_27 = vector.load %arg3[%get3A_25, %get3A_26] : memref<1x64xf32, #tpu.memory_space<vmem>>, vector<1x64xf32>
    %add3A_28 = vector.broadcast %get3A_27 : vector<1x64xf32> to vector<5120x64xf32>
    %add3A_29 = arith.addf %dot_general3A_24, %add3A_28 : vector<5120x64xf32>
    %get3A_30 = arith.constant 0 : index
    %get3A_31 = arith.constant 0 : index
    %get3A_32 = vector.load %arg4[%get3A_30, %get3A_31] : memref<1x64xf32, #tpu.memory_space<vmem>>, vector<1x64xf32>
    %get3A_33 = arith.constant 0 : index
    %get3A_34 = arith.constant 0 : index
    %get3A_35 = vector.load %arg5[%get3A_33, %get3A_34] : memref<1x64xf32, #tpu.memory_space<vmem>>, vector<1x64xf32>
    %reduce_sum3A = arith.constant dense<0.000000e+00> : vector<5120xf32>
    %reduce_sum3A_36 = vector.multi_reduction <add>, %add3A_29, %reduce_sum3A [1] : vector<5120x64xf32> to vector<5120xf32>
    %broadcast_in_dim3A = vector.shape_cast %reduce_sum3A_36 : vector<5120xf32> to vector<5120x1xf32>
    %div3A_37 = arith.constant 6.400000e+01 : f32
    %div3A_38 = vector.broadcast %div3A_37 : f32 to vector<5120x1xf32>
    %div3A_39 = arith.divf %broadcast_in_dim3A, %div3A_38 : vector<5120x1xf32>
    %sub3A = vector.broadcast %div3A_39 : vector<5120x1xf32> to vector<5120x64xf32>
    %sub3A_40 = arith.subf %add3A_29, %sub3A : vector<5120x64xf32>
    %integer_pow3A = arith.mulf %sub3A_40, %sub3A_40 : vector<5120x64xf32>
    %reduce_sum3A_41 = arith.constant dense<0.000000e+00> : vector<5120xf32>
    %reduce_sum3A_42 = vector.multi_reduction <add>, %integer_pow3A, %reduce_sum3A_41 [1] : vector<5120x64xf32> to vector<5120xf32>
    %broadcast_in_dim3A_43 = vector.shape_cast %reduce_sum3A_42 : vector<5120xf32> to vector<5120x1xf32>
    %div3A_44 = arith.constant 6.400000e+01 : f32
    %div3A_45 = vector.broadcast %div3A_44 : f32 to vector<5120x1xf32>
    %div3A_46 = arith.divf %broadcast_in_dim3A_43, %div3A_45 : vector<5120x1xf32>
    %sub3A_47 = vector.broadcast %div3A_39 : vector<5120x1xf32> to vector<5120x64xf32>
    %sub3A_48 = arith.subf %add3A_29, %sub3A_47 : vector<5120x64xf32>
    %add3A_49 = arith.constant 9.99999974E-6 : f32
    %add3A_50 = vector.broadcast %add3A_49 : f32 to vector<5120x1xf32>
    %add3A_51 = arith.addf %div3A_46, %add3A_50 : vector<5120x1xf32>
    %sqrt3A = math.sqrt %add3A_51 : vector<5120x1xf32>
    %div3A_52 = vector.broadcast %sqrt3A : vector<5120x1xf32> to vector<5120x64xf32>
    %div3A_53 = arith.divf %sub3A_48, %div3A_52 : vector<5120x64xf32>
    %mul3A = vector.broadcast %get3A_32 : vector<1x64xf32> to vector<5120x64xf32>
    %mul3A_54 = arith.mulf %div3A_53, %mul3A : vector<5120x64xf32>
    %add3A_55 = vector.broadcast %get3A_35 : vector<1x64xf32> to vector<5120x64xf32>
    %add3A_56 = arith.addf %mul3A_54, %add3A_55 : vector<5120x64xf32>
    %max3A_57 = arith.constant 0.000000e+00 : f32
    %max3A_58 = vector.broadcast %max3A_57 : f32 to vector<5120x64xf32>
    %max3A_59 = arith.maximumf %add3A_56, %max3A_58 : vector<5120x64xf32>
    %get3A_60 = arith.constant 0 : index
    %get3A_61 = arith.constant 0 : index
    %get3A_62 = vector.load %arg6[%get3A_60, %get3A_61] : memref<64x64xf32, #tpu.memory_space<vmem>>, vector<64x64xf32>
    %get3A_63 = arith.constant 0 : index
    %get3A_64 = arith.constant 0 : index
    %get3A_65 = vector.load %arg7[%get3A_63, %get3A_64] : memref<64x1xf32, #tpu.memory_space<vmem>>, vector<64x1xf32>
    %dot_general3A_66 = arith.constant dense<0.000000e+00> : vector<64x1xf32>
    %dot_general3A_67 = tpu.matmul %get3A_62, %get3A_65, %dot_general3A_66 {dimension_numbers = #tpu.dot_dimension_numbers<[1], [0], [0], [1], [0, 0, 1, 1], [], []>, transpose_lhs_hint = false} : vector<64x64xf32>, vector<64x1xf32>, vector<64x1xf32> -> vector<64x1xf32>
    %dot_general3A_68 = arith.constant dense<0.000000e+00> : vector<5120x1xf32>
    %dot_general3A_69 = tpu.matmul %max3A_59, %dot_general3A_67, %dot_general3A_68 {dimension_numbers = #tpu.dot_dimension_numbers<[1], [0], [0], [1], [0, 0, 1, 1], [], []>, transpose_lhs_hint = false} : vector<5120x64xf32>, vector<64x1xf32>, vector<5120x1xf32> -> vector<5120x1xf32>
    %exp3A = math.exp %dot_general3A_69 : vector<5120x1xf32>
    %mul3A_70 = vector.broadcast %exp3A : vector<5120x1xf32> to vector<5120x64xf32>
    %mul3A_71 = arith.mulf %max3A_59, %mul3A_70 : vector<5120x64xf32>
    %iota3A = tpu.iota {dimensions = array<i32: 1>} : vector<1x16xi32>
    %eq3A = arith.constant 0 : i32
    %eq3A_72 = vector.broadcast %eq3A : i32 to vector<1x16xi32>
    %eq3A_73 = arith.cmpi eq, %iota3A, %eq3A_72 : vector<1x16xi32>
    %convert_element_type3A = arith.extui %eq3A_73 : vector<1x16xi1> to vector<1x16xi32>
    %convert_element_type3A_74 = arith.sitofp %convert_element_type3A : vector<1x16xi32> to vector<1x16xf32>
    %mul3A_75 = vector.broadcast %exp3A : vector<5120x1xf32> to vector<5120x16xf32>
    %mul3A_76 = vector.broadcast %convert_element_type3A_74 : vector<1x16xf32> to vector<5120x16xf32>
    %mul3A_77 = arith.mulf %mul3A_75, %mul3A_76 : vector<5120x16xf32>
    %concatenate3A = tpu.concatenate %mul3A_71, %mul3A_77 in 1 : vector<5120x64xf32>, vector<5120x16xf32> -> vector<5120x80xf32>
    %swap3A = arith.constant 0 : index
    %swap3A_78 = arith.constant 0 : index
    %swap3A_79 = vector.load %arg8[%swap3A, %swap3A_78] : memref<5120x80xf32, #tpu.memory_space<vmem>>, vector<5120x80xf32>
    tpu.vector_store %arg8[%swap3A, %swap3A_78], %concatenate3A {strides = array<i32>} : memref<5120x80xf32, #tpu.memory_space<vmem>>, vector<5120x80xf32>,
    return
  }
}

module attributes {stable_mosaic.version = 14 : i64} {
  func.func @_node_stage_body(%arg0: memref<2x10240x80xf32, #tpu.memory_space<vmem>>, %arg1: memref<10000x64xf32, #tpu.memory_space<vmem>>, %arg2: memref<64x64xf32, #tpu.memory_space<vmem>>, %arg3: memref<64x64xf32, #tpu.memory_space<vmem>>, %arg4: memref<64x64xf32, #tpu.memory_space<vmem>>, %arg5: memref<1x64xf32, #tpu.memory_space<vmem>>, %arg6: memref<1x64xf32, #tpu.memory_space<vmem>>, %arg7: memref<1x64xf32, #tpu.memory_space<vmem>>, %arg8: memref<64x40xf32, #tpu.memory_space<vmem>>, %arg9: memref<1x40xf32, #tpu.memory_space<vmem>>, %arg10: memref<10000x40xf32, #tpu.memory_space<vmem>>) attributes {dimension_semantics = [], scalar_prefetch = 0 : i64, scratch_operands = 0 : i64, tpu.core_type = #tpu.core_type<tc>} {
    %get3A = arith.constant 0 : index
    %get3A_0 = arith.constant 0 : index
    %get3A_1 = arith.constant 0 : index
    %get3A_2 = vector.load %arg0[%get3A, %get3A_0, %get3A_1] : memref<2x10240x80xf32, #tpu.memory_space<vmem>>, vector<1x10240x80xf32>
    %get3A_3 = vector.shape_cast %get3A_2 : vector<1x10240x80xf32> to vector<10240x80xf32>
    %get3A_4 = arith.constant 1 : index
    %get3A_5 = arith.constant 0 : index
    %get3A_6 = arith.constant 0 : index
    %get3A_7 = vector.load %arg0[%get3A_4, %get3A_5, %get3A_6] : memref<2x10240x80xf32, #tpu.memory_space<vmem>>, vector<1x10240x80xf32>
    %get3A_8 = vector.shape_cast %get3A_7 : vector<1x10240x80xf32> to vector<10240x80xf32>
    %add3A = arith.addf %get3A_3, %get3A_8 : vector<10240x80xf32>
    %slice3A = vector.extract_strided_slice %add3A {offsets = [0, 0], sizes = [10000, 80], strides = [1, 1]} : vector<10240x80xf32> to vector<10000x80xf32>
    %slice3A_9 = vector.extract_strided_slice %slice3A {offsets = [0, 0], sizes = [10000, 64], strides = [1, 1]} : vector<10000x80xf32> to vector<10000x64xf32>
    %slice3A_10 = vector.extract_strided_slice %slice3A {offsets = [0, 64], sizes = [10000, 1], strides = [1, 1]} : vector<10000x80xf32> to vector<10000x1xf32>
    %add3A_11 = arith.constant 9.99999971E-10 : f32
    %add3A_12 = vector.broadcast %add3A_11 : f32 to vector<10000x1xf32>
    %add3A_13 = arith.addf %slice3A_10, %add3A_12 : vector<10000x1xf32>
    %div3A = vector.broadcast %add3A_13 : vector<10000x1xf32> to vector<10000x64xf32>
    %div3A_14 = arith.divf %slice3A_9, %div3A : vector<10000x64xf32>
    %get3A_15 = arith.constant 0 : index
    %get3A_16 = arith.constant 0 : index
    %get3A_17 = vector.load %arg2[%get3A_15, %get3A_16] : memref<64x64xf32, #tpu.memory_space<vmem>>, vector<64x64xf32>
    %dot_general3A = arith.constant dense<0.000000e+00> : vector<10000x64xf32>
    %dot_general3A_18 = tpu.matmul %div3A_14, %get3A_17, %dot_general3A {dimension_numbers = #tpu.dot_dimension_numbers<[1], [0], [0], [1], [0, 0, 1, 1], [], []>, transpose_lhs_hint = false} : vector<10000x64xf32>, vector<64x64xf32>, vector<10000x64xf32> -> vector<10000x64xf32>
    %max3A = arith.constant 0.000000e+00 : f32
    %max3A_19 = vector.broadcast %max3A : f32 to vector<10000x64xf32>
    %max3A_20 = arith.maximumf %dot_general3A_18, %max3A_19 : vector<10000x64xf32>
    %get3A_21 = arith.constant 0 : index
    %get3A_22 = arith.constant 0 : index
    %get3A_23 = vector.load %arg1[%get3A_21, %get3A_22] : memref<10000x64xf32, #tpu.memory_space<vmem>>, vector<10000x64xf32>
    %get3A_24 = arith.constant 0 : index
    %get3A_25 = arith.constant 0 : index
    %get3A_26 = vector.load %arg3[%get3A_24, %get3A_25] : memref<64x64xf32, #tpu.memory_space<vmem>>, vector<64x64xf32>
    %dot_general3A_27 = arith.constant dense<0.000000e+00> : vector<10000x64xf32>
    %dot_general3A_28 = tpu.matmul %get3A_23, %get3A_26, %dot_general3A_27 {dimension_numbers = #tpu.dot_dimension_numbers<[1], [0], [0], [1], [0, 0, 1, 1], [], []>, transpose_lhs_hint = false} : vector<10000x64xf32>, vector<64x64xf32>, vector<10000x64xf32> -> vector<10000x64xf32>
    %get3A_29 = arith.constant 0 : index
    %get3A_30 = arith.constant 0 : index
    %get3A_31 = vector.load %arg4[%get3A_29, %get3A_30] : memref<64x64xf32, #tpu.memory_space<vmem>>, vector<64x64xf32>
    %dot_general3A_32 = arith.constant dense<0.000000e+00> : vector<10000x64xf32>
    %dot_general3A_33 = tpu.matmul %max3A_20, %get3A_31, %dot_general3A_32 {dimension_numbers = #tpu.dot_dimension_numbers<[1], [0], [0], [1], [0, 0, 1, 1], [], []>, transpose_lhs_hint = false} : vector<10000x64xf32>, vector<64x64xf32>, vector<10000x64xf32> -> vector<10000x64xf32>
    %add3A_34 = arith.addf %dot_general3A_28, %dot_general3A_33 : vector<10000x64xf32>
    %get3A_35 = arith.constant 0 : index
    %get3A_36 = arith.constant 0 : index
    %get3A_37 = vector.load %arg5[%get3A_35, %get3A_36] : memref<1x64xf32, #tpu.memory_space<vmem>>, vector<1x64xf32>
    %add3A_38 = vector.broadcast %get3A_37 : vector<1x64xf32> to vector<10000x64xf32>
    %add3A_39 = arith.addf %add3A_34, %add3A_38 : vector<10000x64xf32>
    %get3A_40 = arith.constant 0 : index
    %get3A_41 = arith.constant 0 : index
    %get3A_42 = vector.load %arg6[%get3A_40, %get3A_41] : memref<1x64xf32, #tpu.memory_space<vmem>>, vector<1x64xf32>
    %get3A_43 = arith.constant 0 : index
    %get3A_44 = arith.constant 0 : index
    %get3A_45 = vector.load %arg7[%get3A_43, %get3A_44] : memref<1x64xf32, #tpu.memory_space<vmem>>, vector<1x64xf32>
    %reduce_sum3A = arith.constant dense<0.000000e+00> : vector<10000xf32>
    %reduce_sum3A_46 = vector.multi_reduction <add>, %add3A_39, %reduce_sum3A [1] : vector<10000x64xf32> to vector<10000xf32>
    %broadcast_in_dim3A = vector.shape_cast %reduce_sum3A_46 : vector<10000xf32> to vector<10000x1xf32>
    %div3A_47 = arith.constant 6.400000e+01 : f32
    %div3A_48 = vector.broadcast %div3A_47 : f32 to vector<10000x1xf32>
    %div3A_49 = arith.divf %broadcast_in_dim3A, %div3A_48 : vector<10000x1xf32>
    %sub3A = vector.broadcast %div3A_49 : vector<10000x1xf32> to vector<10000x64xf32>
    %sub3A_50 = arith.subf %add3A_39, %sub3A : vector<10000x64xf32>
    %integer_pow3A = arith.mulf %sub3A_50, %sub3A_50 : vector<10000x64xf32>
    %reduce_sum3A_51 = arith.constant dense<0.000000e+00> : vector<10000xf32>
    %reduce_sum3A_52 = vector.multi_reduction <add>, %integer_pow3A, %reduce_sum3A_51 [1] : vector<10000x64xf32> to vector<10000xf32>
    %broadcast_in_dim3A_53 = vector.shape_cast %reduce_sum3A_52 : vector<10000xf32> to vector<10000x1xf32>
    %div3A_54 = arith.constant 6.400000e+01 : f32
    %div3A_55 = vector.broadcast %div3A_54 : f32 to vector<10000x1xf32>
    %div3A_56 = arith.divf %broadcast_in_dim3A_53, %div3A_55 : vector<10000x1xf32>
    %sub3A_57 = vector.broadcast %div3A_49 : vector<10000x1xf32> to vector<10000x64xf32>
    %sub3A_58 = arith.subf %add3A_39, %sub3A_57 : vector<10000x64xf32>
    %add3A_59 = arith.constant 9.99999974E-6 : f32
    %add3A_60 = vector.broadcast %add3A_59 : f32 to vector<10000x1xf32>
    %add3A_61 = arith.addf %div3A_56, %add3A_60 : vector<10000x1xf32>
    %sqrt3A = math.sqrt %add3A_61 : vector<10000x1xf32>
    %div3A_62 = vector.broadcast %sqrt3A : vector<10000x1xf32> to vector<10000x64xf32>
    %div3A_63 = arith.divf %sub3A_58, %div3A_62 : vector<10000x64xf32>
    %mul3A = vector.broadcast %get3A_42 : vector<1x64xf32> to vector<10000x64xf32>
    %mul3A_64 = arith.mulf %div3A_63, %mul3A : vector<10000x64xf32>
    %add3A_65 = vector.broadcast %get3A_45 : vector<1x64xf32> to vector<10000x64xf32>
    %add3A_66 = arith.addf %mul3A_64, %add3A_65 : vector<10000x64xf32>
    %max3A_67 = arith.constant 0.000000e+00 : f32
    %max3A_68 = vector.broadcast %max3A_67 : f32 to vector<10000x64xf32>
    %max3A_69 = arith.maximumf %add3A_66, %max3A_68 : vector<10000x64xf32>
    %get3A_70 = arith.constant 0 : index
    %get3A_71 = arith.constant 0 : index
    %get3A_72 = vector.load %arg8[%get3A_70, %get3A_71] : memref<64x40xf32, #tpu.memory_space<vmem>>, vector<64x40xf32>
    %dot_general3A_73 = arith.constant dense<0.000000e+00> : vector<10000x40xf32>
    %dot_general3A_74 = tpu.matmul %max3A_69, %get3A_72, %dot_general3A_73 {dimension_numbers = #tpu.dot_dimension_numbers<[1], [0], [0], [1], [0, 0, 1, 1], [], []>, transpose_lhs_hint = false} : vector<10000x64xf32>, vector<64x40xf32>, vector<10000x40xf32> -> vector<10000x40xf32>
    %get3A_75 = arith.constant 0 : index
    %get3A_76 = arith.constant 0 : index
    %get3A_77 = vector.load %arg9[%get3A_75, %get3A_76] : memref<1x40xf32, #tpu.memory_space<vmem>>, vector<1x40xf32>
    %add3A_78 = vector.broadcast %get3A_77 : vector<1x40xf32> to vector<10000x40xf32>
    %add3A_79 = arith.addf %dot_general3A_74, %add3A_78 : vector<10000x40xf32>
    %reduce_max3A = arith.constant dense<0xFF800000> : vector<10000xf32>
    %reduce_max3A_80 = vector.multi_reduction <maximumf>, %add3A_79, %reduce_max3A [1] : vector<10000x40xf32> to vector<10000xf32>
    %broadcast_in_dim3A_81 = vector.shape_cast %reduce_max3A_80 : vector<10000xf32> to vector<10000x1xf32>
    %sub3A_82 = vector.broadcast %broadcast_in_dim3A_81 : vector<10000x1xf32> to vector<10000x40xf32>
    %sub3A_83 = arith.subf %add3A_79, %sub3A_82 : vector<10000x40xf32>
    %exp3A = math.exp %sub3A_83 : vector<10000x40xf32>
    %sub3A_84 = vector.broadcast %broadcast_in_dim3A_81 : vector<10000x1xf32> to vector<10000x40xf32>
    %sub3A_85 = arith.subf %add3A_79, %sub3A_84 : vector<10000x40xf32>
    %reduce_sum3A_86 = arith.constant dense<0.000000e+00> : vector<10000xf32>
    %reduce_sum3A_87 = vector.multi_reduction <add>, %exp3A, %reduce_sum3A_86 [1] : vector<10000x40xf32> to vector<10000xf32>
    %broadcast_in_dim3A_88 = vector.shape_cast %reduce_sum3A_87 : vector<10000xf32> to vector<10000x1xf32>
    %log3A = math.log %broadcast_in_dim3A_88 : vector<10000x1xf32>
    %sub3A_89 = vector.broadcast %log3A : vector<10000x1xf32> to vector<10000x40xf32>
    %sub3A_90 = arith.subf %sub3A_85, %sub3A_89 : vector<10000x40xf32>
    %swap3A = arith.constant 0 : index
    %swap3A_91 = arith.constant 0 : index
    %swap3A_92 = vector.load %arg10[%swap3A, %swap3A_91] : memref<10000x40xf32, #tpu.memory_space<vmem>>, vector<10000x40xf32>
    tpu.vector_store %arg10[%swap3A, %swap3A_91], %sub3A_90 {strides = array<i32>} : memref<10000x40xf32, #tpu.memory_space<vmem>>, vector<10000x40xf32>,
    return
  }
}

</mosaic_0001>

<sc_bundles>
// kernel: kernel.11.cloned.1.call-start
scs
__scs_entry_jumppad:
0x0: {  	(pc) =	sbr.rel $0x88, $3  }
0x1: {  	(tag) =	ssettag $0x0;
	lr =	simm.s32 $0x1  }
0x2: {  	[smem:$0x3F7E] =	sst lr;
	_ =	strace $0xD0000000  }
0x3: {  	_ = 	snop  }
0x4: {  	_ = 	snop  }
0x5: {  	_ = 	snop  }
0x6: {  	_ = 	snop  }
0x7: {  	_ = 	snop  }
__scs_overlays_trampoline_lowered:
0x8: {  	[smem:$0x3F8D] =	sst s0  }
0x9: {  	[smem:$0x3F8E] =	sst s1  }
0xa: {  	[smem:$0x3F8F] =	sst s2  }
0xb: {  	[smem:$0x3F90] =	sst s3  }
0xc: {  	[smem:$0x3F91] =	sst s4  }
0xd: {  	[smem:$0x3F92] =	sst s5  }
0xe: {  	[smem:$0x3F93] =	sst s6  }
0xf: {  	[smem:$0x3F94] =	sst s7  }
0x10: {  	[smem:$0x3F95] =	sst s8  }
0x11: {  	[smem:$0x3F96] =	sst s9;
	s0 =	simm.s32 @!p0 $0x0  }
0x12: {  	s1 =	sld [smem:$0x3F7C];
	s0 =	simm.s32 @p0 $0x1  }
0x13: {  	[smem:$0x3F97] =	sst s0;
	s0 =	simm.s32 @!p1 $0x0  }
0x14: {  	s2 =	sld [smem:$0x3F7B];
	s0 =	simm.s32 @p1 $0x1  }
0x15: {  	[smem:$0x3F98] =	sst s0;
	s0 =	simm.s32 @!p2 $0x0  }
0x16: {  	s3 =	sld [smem:$0x3FDB];
	s0 =	simm.s32 @p2 $0x1  }
0x17: {  	s4 =	simm.s32 $0x1BF5;
	[smem:$0x3F9A] =	sst s0  }
0x18: {  	s0 =	sld [smem:$0x3F7D];
	_ =	swait.ge [sflag:s4], $0x0  }
0x19: {  	s7 =	sld [smem:$0x3F7E]  }
0x1a: {  	s8 =	sadd.s32 $0xFFFFE003, lr  }
0x1b: {  	s9 =	sadd.s32 $0xFFFFFEF7, lr;
	s5 =	simm.s32 $0xFFFFFFFF;
	p2 =	slt.u32 s8, $0xFFFFF086  }
0x1c: {  	p1 =	slt.u32 s9, $0xF7A;
	s5 =	simm.s32 @!p2 $0x0  }
0x1d: {  	s5 =	simm.s32 @p1 $0x1;
	p0 =	seq.s32 s7, s2  }
0x1e: {  	s7 =	smul.u32 @!p0 $0xF7A, s2;
	p2 =	seq.s32 @!p0 s5, $0x0  }
0x1f: {  	s9 =	smul.u32 $0xF7A, s1;
	s8 =	simm.s32 @!p0 $0x1BF5;
	p2 =	por !p2, p0  }
0x20: {  	[sflag:s8] =	ssyncset.s32 @!p0 $0xFFFFF086;
	s6 =	sadd.s32 @!p0 s3, s7;
	s7 =	simm.s32 @!p0 $0x108  }
0x21: {  	s3 =	sadd.s32 s3, s9;
	s6 =	sadd.s32 @!p0 $0x88, s6;
	s7 =	simm.s32 @p2 $0x1082  }
0x22: {  	[simem:s7], [sflag:s8] =	dma.local @!p0 [hbm:s6], $0xF7A  }
0x23: {  	s9 =	sor.u32 $0xD0000000, s2;
	s6 =	simm.s32 $0x108;
	_ =	swait.ge @!p0 [sflag:s8], $0x0  }
0x24: {  	s3 =	sadd.s32 $0x88, s3;
	s6 =	simm.s32 @!p1 $0x1082;
	[sflag:s4] =	ssyncset.s32 $0xFFFFF086  }
0x25: {  	[simem:s6], [sflag:s4] =	dma.local [hbm:s3], $0xF7A  }
0x26: {  	[smem:$0x3F7E] =	sst s1;
	(tag) =	ssettag s2;
	_ =	strace s9  }
0x27: {  	s1 =	sld [smem:$0x3F8E]  }
0x28: {  	s2 =	sld [smem:$0x3F8F]  }
0x29: {  	s4 =	sld [smem:$0x3F91]  }
0x2a: {  	p0 =	seq.s32 s5, $0x0;
	s5 =	sld [smem:$0x3F92]  }
0x2b: {  	s6 =	sld [smem:$0x3F93]  }
0x2c: {  	s7 =	sld [smem:$0x3F94]  }
0x2d: {  	s3 =	simm.s32 $0x108;
	s8 =	sld [smem:$0x3F95]  }
0x2e: {  	s3 =	simm.s32 @!p0 $0x1082;
	s9 =	sld [smem:$0x3F96]  }
0x2f: {  	lr =	sadd.s32 s0, s3;
	s0 =	sld [smem:$0x3F8D]  }
0x30: {  	s3 =	sld [smem:$0x3F90]  }
0x31: {  	[smem:$0x3F99] =	sst s10  }
0x32: {  	s10 =	sld [smem:$0x3F97];
	_ =	sdelay $0x3  }
0x33: {  	p0 =	seq.s32 s10, $0x1;
	s10 =	sld [smem:$0x3F99];
	_ =	sdelay $0x3  }
0x34: {  	[smem:$0x3F99] =	sst s10  }
0x35: {  	s10 =	sld [smem:$0x3F98];
	_ =	sdelay $0x3  }
0x36: {  	p1 =	seq.s32 s10, $0x1;
	s10 =	sld [smem:$0x3F99];
	_ =	sdelay $0x3  }
0x37: {  	[smem:$0x3F99] =	sst s10  }
0x38: {  	s10 =	sld [smem:$0x3F9A]  }
0x39: {  	_ = 	snop;
	(pc) =	sbr.ind lr, $3  }
0x3a: {  	_ = 	snop  }
0x3b: {  	_ = 	snop  }
0x3c: {  	p2 =	seq.s32 s10, $0x1;
	s10 =	sld [smem:$0x3F99]  }
0x3d: {  	_ =	shalt  }
0x3e: {  	_ =	shalt  }
0x3f: {  	_ =	shalt  }
0x40: {  	_ =	shalt  }
0x41: {  	_ =	shalt  }
0x42: {  	_ =	shalt  }
0x43: {  	_ =	shalt  }
0x44: {  	_ =	shalt  }
0x45: {  	_ =	shalt  }
0x46: {  	_ =	shalt  }
0x47: {  	_ =	shalt  }
0x48: {  	_ =	shalt  }
0x49: {  	_ =	shalt  }
0x4a: {  	_ =	shalt  }
0x4b: {  	_ =	shalt  }
0x4c: {  	_ =	shalt  }
0x4d: {  	_ =	shalt  }
0x4e: {  	_ =	shalt  }
0x4f: {  	_ =	shalt  }
0x50: {  	_ =	shalt  }
0x51: {  	_ =	shalt  }
0x52: {  	_ =	shalt  }
0x53: {  	_ =	shalt  }
0x54: {  	_ =	shalt  }
0x55: {  	_ =	shalt  }
0x56: {  	_ =	shalt  }
0x57: {  	_ =	shalt  }
0x58: {  	_ =	shalt  }
0x59: {  	_ =	shalt  }
0x5a: {  	_ =	shalt  }
0x5b: {  	_ =	shalt  }
0x5c: {  	_ =	shalt  }
0x5d: {  	_ =	shalt  }
0x5e: {  	_ =	shalt  }
0x5f: {  	_ =	shalt  }
0x60: {  	_ =	shalt  }
0x61: {  	_ =	shalt  }
0x62: {  	_ =	shalt  }
0x63: {  	_ =	shalt  }
0x64: {  	_ =	shalt  }
0x65: {  	_ =	shalt  }
0x66: {  	_ =	shalt  }
0x67: {  	_ =	shalt  }
0x68: {  	_ =	shalt  }
0x69: {  	_ =	shalt  }
0x6a: {  	_ =	shalt  }
0x6b: {  	_ =	shalt  }
0x6c: {  	_ =	shalt  }
0x6d: {  	_ =	shalt  }
0x6e: {  	_ =	shalt  }
0x6f: {  	_ =	shalt  }
0x70: {  	_ =	shalt  }
0x71: {  	_ =	shalt  }
0x72: {  	_ =	shalt  }
0x73: {  	_ =	shalt  }
0x74: {  	_ =	shalt  }
0x75: {  	_ =	shalt  }
0x76: {  	_ =	shalt  }
0x77: {  	_ =	shalt  }
0x78: {  	_ =	shalt  }
0x79: {  	_ =	shalt  }
0x7a: {  	_ =	shalt  }
0x7b: {  	_ =	shalt  }
0x7c: {  	_ =	shalt  }
0x7d: {  	_ =	shalt  }
0x7e: {  	_ =	shalt  }
0x7f: {  	_ =	shalt  }
0x80: {  	_ =	shalt  }
0x81: {  	_ =	shalt  }
0x82: {  	_ =	shalt  }
0x83: {  	_ =	shalt  }
0x84: {  	_ =	shalt  }
0x85: {  	_ =	shalt  }
0x86: {  	_ =	shalt  }
0x87: {  	_ =	shalt  }
.Lfunc_end0:
.L_simem_size_0:
called_computation_lowered:
.L_overlay_start_0:
0x88: {  	s2 =	sld [smem:$0x3FD9]  }
0x89: {  	s3 =	sld [smem:$0x3FFE];
	_ =	sdelay $0x1  }
0x8a: {  	s1 =	srdreg.scid  }
0x8b: {  	s0 =	sand.u32 $0x1, s1  }
0x8c: {  	s17 =	sshll.u32 s0, $0xA;
	s2 =	sadd.s32 s3, s2  }
0x8d: {  	s2 =	sadd.s32 s2, s17  }
0x8e: {  	[smem:$0x3FA5] =	sst s2  }
0x8f: {  	_ = 	snop  }
0x90: {  	s2 =	sld [smem:$0x3FD0];
	(tm) =	ssettm $0x1  }
0x91: {  	s18 =	sld [smem:$0x3FFB];
	_ =	sdelay $0x3  }
0x92: {  	_ =	strace s18  }
0x93: {  	s3 =	sld [smem:$0x3FFC];
	_ =	sdelay $0x3  }
0x94: {  	_ =	strace s3  }
0x95: {  	s3 =	sld [smem:$0x3FFD];
	_ =	sdelay $0x3  }
0x96: {  	_ =	strace s3  }
0x97: {  	_ =	strace $0x8FFFFFFF  }
0x98: {  	s19 =	sld [smem:$0x3FDB];
	_ =	sdelay $0x1  }
0x99: {  	s4 =	simm.s32 $_scs_section_size  }
0x9a: {  	s5 =	simm.s32 $_size__tile_overlayer_lowered;
	s6 =	simm.s32 $_tile_overlayer_lowered  }
0x9b: {  	s22 =	simm.s32 $0x1BFF;
	s21 =	sshll.u32 s6, $0x1;
	s3 =	sadd.s32 s4, s19  }
0x9c: {  	s7 =	simm.s32 $0x0;
	s20 =	sshll.u32 s5, $0x1;
	s5 =	sadd.s32 s21, s3  }
0x9d: {  	[timem:s7], [sflag:s22] =	dma.local [hbm:s5], s20  }
0x9e: {  	_ =	swait.ge [sflag:s22], s20  }
0x9f: {  	s4 =	ssub.s32 $0x0, s20;
	[sflag:s22] =	ssyncset.done $0x0  }
0xa0: {  	[sflag:s22] =	ssyncadd.s32 s4;
	_ =	sdelay $0x1  }
0xa1: {  	s23 =	simm.s32 $0x1B8B  }
0xa2: {  	_ =	swait.ge [sflag:s23], $0x1  }
0xa3: {  	[sflag:s23] =	ssyncset.done $0x0  }
0xa4: {  	s25 =	simm.s32 $0x1B8E;
	s24 =	sld [smem:$0x3FFE];
	[sflag:s23] =	ssyncadd.s32 $0xFFFFFFFF  }
0xa5: {  	s26 =	simm.s32 $execute0_lowered;
	[smem:$0x3FD2] =	sst s25  }
0xa6: {  	s5 =	sshll.u32 s26, $0x1;
	_ =	strace $0x80000046;
	[dreg:$0x1] =	wrdreg $0xFFFFFFFF  }
0xa7: {  	s28 =	simm.s32 $_size_execute0_lowered;
	s3 =	sadd.s32 s3, s5;
	[dreg:$0x0] =	wrdreg $0x0  }
0xa8: {  	s5 =	sshll.u32 s28, $0x1;
	[dreg:$0x2] =	wrdreg s3  }
0xa9: {  	[dreg:$0x3] =	wrdreg s5  }
0xaa: {  	[dreg:$0x4] =	wrdreg $0xC0  }
0xab: {  	_ =	task [dreg:s7], $0x5FFFF  }
0xac: {  	[dreg:$0x1] =	wrdreg $0xFFFFFFFF  }
0xad: {  	[dreg:$0x0] =	wrdreg $0x60  }
0xae: {  	[dreg:$0x2] =	wrdreg s24  }
0xaf: {  	[dreg:$0x3] =	wrdreg s2  }
0xb0: {  	[dreg:$0x4] =	wrdreg $0x63400  }
0xb1: {  	[dreg:$0x5] =	wrdreg $0x9  }
0xb2: {  	_ =	task.clear_ibuf [dreg:s7], $0x6FFFF;
	_ =	strace $0x90000046  }
0xb3: {  	s29 =	simm.s32 $0x9;
	_ =	strace $0x80000048  }
0xb4: {  	_ =	swait.ge [sflag:s29], $0x1  }
0xb5: {  	[sflag:s29] =	ssyncadd.s32 $0xFFFFFFFF  }
0xb6: {  	_ =	strace $0x90000048  }
0xb7: {  	_ =	sfence  }
0xb8: {  	s30 =	sld [smem:$0x0];
	_ =	sdelay $0x2  }
0xb9: {  	s31 =	sshll.u32 s1, $0xD;
	s1 =	sshrl.u32 s1, $0x2  }
0xba: {  	s3 =	sand.u32 $0x4000, s31;
	s1 =	sadd.s32 s1, s30  }
0xbb: {  	s0 =	sor.u32 s3, s0;
	s1 =	sshll.u32 s1, $0x11  }
0xbc: {  	s0 =	sor.u32 s1, s0  }
0xbd: {  	s0 =	sadd.s32 $0x8F2B, s0  }
0xbe: {  	[sflag:s0] =	ssyncadd.remote.s32 $0x1  }
0xbf: {  	_ =	sfence.sel $0xFFFF  }
0xc0: {  	[dreg:$0x0] =	wrdreg $0xFFFFFFFF;
	(pc) =	sbr.abs _section_cstart, $3  }
0xc1: {  	[dreg:$0x1] =	wrdreg $0xFFFFFFFF  }
0xc2: {  	_ =	task.clear_ibuf [dreg:s7], $0x2FFFF;
	_ =	strace $0x9FFFFFFF  }
0xc3: {  	(tm) =	ssettm $0x7FFFFFFF  }
tec
execute0_lowered:
.L_overlay_start_1:
0x0: {  	(tag) =	ssettag $0x1  }
0x1: {  	s0 =	srdreg.scid  }
0x2: {  	s1 =	rddreg [dreg:$0x0];
	s11 =	stileid.u32  }
0x3: {  	s5 =	rddreg [dreg:$0x1];
	s19 =	simm.s32 $0x9;
	s21 =	simm.s32 $0x5140  }
0x4: {  	s22 =	simm.s32 $0x64;
	s29 =	simm.s32 $0x187C0;
	s31 =	simm.s32 $0x1C000  }
0x5: {  	s20 =	simm.s32 $0x3;
	s28 =	simm.s32 $0x5;
	s30 =	simm.s32 $0x6  }
0x6: {  	s0 =	sand.u32 $0x1, s0;
	s8 =	smul.u32 $0xB400, s11;
	s4 =	sadd.s32 $0x10800, s1  }
0x7: {  	s2 =	sshll.u32 s0, $0x4;
	s7 =	smul.u32 $0xB4000, s0;
	s0 =	ssub.s32 $0x2, s0  }
0x8: {  	s3 =	sor.u32 s11, s2;
	s2 =	rddreg [dreg:$0x2];
	s11 =	smul.u32 $0x2D000, s11  }
0x9: {  	s10 =	sshrl.u32 s0, $0x1;
	s6 =	smul.u32 $0x514, s3;
	s3 =	simm.s32 $0x0  }
0xa: {  	s7 =	sadd.s32 s8, s7;
	s0 =	ssub.s32 s0, s10;
	s25 =	sadd.s32 s8, s2  }
0xb: {  	[smem:$0x7FF] =	sst s3;
	s7 =	sshrl.u32 s7, $0x3;
	s24 =	sshrl.u32 s11, $0x2  }
0xc: {  	s0 =	smax.u32 s0, $0x1;
	s25 =	sshrl.u32 s25, $0x3;
	_ =	strace $0x80000047  }
0xd: {  	s9 =	sadd.s32 s6, s1;
	s1 =	sadd.s32 s7, s1;
	s5 =	sadd.s32 s5, s6  }
0xe: {  	[dreg:$0x7] =	wrdreg s0;
	s0 =	simm.s32 $0x2;
	s6 =	simm.s32 $0x8  }
0xf: {  	[dreg:$0x4] =	wrdreg s5;
	s23 =	sadd.s32 $0x6400, s9;
	s1 =	sadd.s32 $0x3C800, s1  }
0x10: {  	s9 =	sadd.s32 s24, s2;
	s24 =	simm.s32 $0x4;
	[dreg:$0x5] =	wrdreg s23  }
0x11: {  	s5 =	simm.s32 $0x7;
	[dreg:$0x6] =	wrdreg s1;
	s26 =	sadd.s32 $0x1200, s9  }
0x12: {  	s11 =	sadd.s32 $0x2400, s9;
	s12 =	sadd.s32 $0x3600, s9;
	s13 =	sadd.s32 $0x4800, s9  }
0x13: {  	s14 =	sadd.s32 $0x5A00, s9;
	s15 =	sadd.s32 $0x6C00, s9;
	s16 =	sadd.s32 $0x7E00, s9  }
0x14: {  	s17 =	sadd.s32 $0x9000, s9;
	s18 =	sadd.s32 $0xA200, s9;
	s23 =	simm.s32 $0x11740  }
0x15: {  	v0 =	vimm.f32 $0.0e+00;
	s1 =	simm.s32 $0x1;
	[dreg:$0x8] =	wrdreg s26;
	s26 =	simm.s32 $0x14F80  }
.LBB2_1:
0x16: {  	s7 =	simm.s32 $0x80;
	s8 =	simm.s32 $0x440  }
.LBB2_2:
0x17: {  	p0 =	sne.s32 s8, $0x47C0;
	[tilespmem:s7+$0x5140] =	vst v0  }
0x18: {  	[tilespmem:s7+$0x50C0] =	vst v0  }
0x19: {  	[tilespmem:s7+$0x50D0] =	vst v0  }
0x1a: {  	[tilespmem:s7+$0x50E0] =	vst v0  }
.Ltmp0:
0x1b: {  	[tilespmem:s7+$0x50F0] =	vst v0;
	(pc) =	sbr.rel @p0 .LBB2_2-.Ltmp0, $4  }
0x1c: {  	[tilespmem:s7+$0x5100] =	vst v0  }
0x1d: {  	[tilespmem:s7+$0x5110] =	vst v0  }
0x1e: {  	[tilespmem:s7+$0x5120] =	vst v0  }
0x1f: {  	[tilespmem:s7+$0x5130] =	vst v0;
	s7 =	sshra.s32 s8, $0x2;
	s8 =	sadd.s32 $0x240, s8  }
0x20: {  	[tilespmem:s7+$0x5140] =	vst v0  }
0x21: {  	[tilespmem:s7+$0x50C0] =	vst v0  }
0x22: {  	[tilespmem:s7+$0x50D0] =	vst v0  }
0x23: {  	[tilespmem:s7+$0x50E0] =	vst v0  }
0x24: {  	[tilespmem:s7+$0x50F0] =	vst v0  }
0x25: {  	[tilespmem:s7+$0x5100] =	vst v0  }
0x26: {  	[tilespmem:s7+$0x5110] =	vst v0  }
0x27: {  	[tilespmem:s7+$0x5120] =	vst v0  }
0x28: {  	[tilespmem:s7+$0x5130] =	vst v0;
	s7 =	simm.s32 $0x0;
	s8 =	rddreg [dreg:$0x4]  }
0x29: {  	[tilespmem:s7], [sflag:$0x9] =	stream.linear.gather [hbm4b:s8+s7], $0x28A0, $0x38;
	[tilespmem:$0x1F840] =	vst v63  }
0x2a: {  	_ =	swait.ge [sflag:s19], $0x28A0  }
0x2b: {  	[sflag:s19] =	ssyncset.done $0x0  }
0x2c: {  	s10 =	simm.s32 $0x28A0;
	s8 =	rddreg [dreg:$0x5];
	[sflag:s19] =	ssyncadd.s32 $0xFFFFD760  }
0x2d: {  	[tilespmem:s10], [sflag:$0x9] =	stream.linear.gather [hbm4b:s8+s7], $0x28A0, $0x38;
	[tilespmem:$0x1F840] =	vst v63  }
0x2e: {  	_ =	swait.ge [sflag:s19], $0x28A0  }
0x2f: {  	[sflag:s19] =	ssyncset.done $0x0  }
0x30: {  	[sflag:s19] =	ssyncadd.s32 $0xFFFFD760  }
0x31: {  	[spmem:s9] =	stream.linear.scatter [tilespmem:s21], [sflag:$0x9], $0x1200, $0x38;
	[tilespmem:$0x1F840] =	vst v63  }
0x32: {  	_ =	swait.ge [sflag:s19], $0x1200  }
0x33: {  	[sflag:s19] =	ssyncset.done $0x0  }
0x34: {  	s10 =	rddreg [dreg:$0x8];
	[sflag:s19] =	ssyncadd.s32 $0xFFFFEE00  }
0x35: {  	[spmem:s10] =	stream.linear.scatter [tilespmem:s21], [sflag:$0x9], $0x1200, $0x38;
	[tilespmem:$0x1F840] =	vst v63  }
0x36: {  	_ =	swait.ge [sflag:s19], $0x1200  }
0x37: {  	[sflag:s19] =	ssyncset.done $0x0  }
0x38: {  	[sflag:s19] =	ssyncadd.s32 $0xFFFFEE00  }
0x39: {  	[spmem:s11] =	stream.linear.scatter [tilespmem:s21], [sflag:$0x9], $0x1200, $0x38;
	[tilespmem:$0x1F840] =	vst v63  }
0x3a: {  	_ =	swait.ge [sflag:s19], $0x1200  }
0x3b: {  	[sflag:s19] =	ssyncset.done $0x0  }
0x3c: {  	[sflag:s19] =	ssyncadd.s32 $0xFFFFEE00  }
0x3d: {  	[spmem:s12] =	stream.linear.scatter [tilespmem:s21], [sflag:$0x9], $0x1200, $0x38;
	[tilespmem:$0x1F840] =	vst v63  }
0x3e: {  	_ =	swait.ge [sflag:s19], $0x1200  }
0x3f: {  	[sflag:s19] =	ssyncset.done $0x0  }
0x40: {  	[sflag:s19] =	ssyncadd.s32 $0xFFFFEE00  }
0x41: {  	[spmem:s13] =	stream.linear.scatter [tilespmem:s21], [sflag:$0x9], $0x1200, $0x38;
	[tilespmem:$0x1F840] =	vst v63  }
0x42: {  	_ =	swait.ge [sflag:s19], $0x1200  }
0x43: {  	[sflag:s19] =	ssyncset.done $0x0  }
0x44: {  	[sflag:s19] =	ssyncadd.s32 $0xFFFFEE00  }
0x45: {  	[spmem:s14] =	stream.linear.scatter [tilespmem:s21], [sflag:$0x9], $0x1200, $0x38;
	[tilespmem:$0x1F840] =	vst v63  }
0x46: {  	_ =	swait.ge [sflag:s19], $0x1200  }
0x47: {  	[sflag:s19] =	ssyncset.done $0x0  }
0x48: {  	[sflag:s19] =	ssyncadd.s32 $0xFFFFEE00  }
0x49: {  	[spmem:s15] =	stream.linear.scatter [tilespmem:s21], [sflag:$0x9], $0x1200, $0x38;
	[tilespmem:$0x1F840] =	vst v63  }
0x4a: {  	_ =	swait.ge [sflag:s19], $0x1200  }
0x4b: {  	[sflag:s19] =	ssyncset.done $0x0  }
0x4c: {  	[sflag:s19] =	ssyncadd.s32 $0xFFFFEE00  }
0x4d: {  	[spmem:s16] =	stream.linear.scatter [tilespmem:s21], [sflag:$0x9], $0x1200, $0x38;
	[tilespmem:$0x1F840] =	vst v63  }
0x4e: {  	_ =	swait.ge [sflag:s19], $0x1200  }
0x4f: {  	[sflag:s19] =	ssyncset.done $0x0  }
0x50: {  	[sflag:s19] =	ssyncadd.s32 $0xFFFFEE00  }
0x51: {  	[spmem:s17] =	stream.linear.scatter [tilespmem:s21], [sflag:$0x9], $0x1200, $0x38;
	[tilespmem:$0x1F840] =	vst v63  }
0x52: {  	_ =	swait.ge [sflag:s19], $0x1200  }
0x53: {  	[sflag:s19] =	ssyncset.done $0x0  }
0x54: {  	[sflag:s19] =	ssyncadd.s32 $0xFFFFEE00  }
0x55: {  	[spmem:s18] =	stream.linear.scatter [tilespmem:s21], [sflag:$0x9], $0x1200, $0x38;
	[tilespmem:$0x1F840] =	vst v63  }
0x56: {  	_ =	swait.ge [sflag:s19], $0x1200  }
0x57: {  	[sflag:s19] =	ssyncset.done $0x0  }
0x58: {  	[sflag:s19] =	ssyncadd.s32 $0xFFFFEE00  }
0x59: {  	[bflag:$0x0] =	sbarrier.arrive $0xFFFF  }
0x5a: {  	[tilespmem:s23], [sflag:$0x1] =	stream.indirect.gather [hbm4b:s4+s22], $0x90, s7, s22, $0xb8;
	[tilespmem:$0x1F840] =	vst v63  }
0x5b: {  	s8 =	simm.s32 $0x68  }
0x5c: {  	[tilespmem:s26], [sflag:$0x2] =	stream.indirect.gather [hbm4b:s4+s22], $0x90, s8, s22, $0xb8;
	[tilespmem:$0x1F840] =	vst v63  }
0x5d: {  	s10 =	simm.s32 $0xD0  }
0x5e: {  	[tilespmem:s29], [sflag:$0x3] =	stream.indirect.gather [hbm4b:s4+s22], $0x90, s10, s22, $0xb8;
	[tilespmem:$0x1F840] =	vst v63  }
0x5f: {  	s8 =	simm.s32 $0x138  }
0x60: {  	[tilespmem:s31], [sflag:$0x4] =	stream.indirect.gather [hbm4b:s4+s22], $0x90, s8, s22, $0xb8;
	[tilespmem:$0x1F840] =	vst v63  }
0x61: {  	_ =	swait.ge [sflag:s1], $0x3840  }
0x62: {  	[sflag:s1] =	ssyncset.done $0x0  }
0x63: {  	s10 =	simm.s32 $0x28A0;
	[sflag:s1] =	ssyncadd.s32 $0xFFFFC7C0  }
0x64: {  	[spmem:s2] =	stream.indirect.scatter.add.f32 [tilespmem:s23], [sflag:$0x5], $0x90, s10, s22, $0xb8;
	[tilespmem:$0x1F840] =	vst v63  }
0x65: {  	_ =	swait.ge [sflag:s0], $0x3840  }
0x66: {  	[sflag:s0] =	ssyncset.done $0x0  }
0x67: {  	s8 =	simm.s32 $0x2908;
	[sflag:s0] =	ssyncadd.s32 $0xFFFFC7C0  }
0x68: {  	[spmem:s2] =	stream.indirect.scatter.add.f32 [tilespmem:s26], [sflag:$0x6], $0x90, s8, s22, $0xb8;
	[tilespmem:$0x1F840] =	vst v63  }
0x69: {  	_ =	swait.ge [sflag:s20], $0x3840  }
0x6a: {  	[sflag:s20] =	ssyncset.done $0x0  }
0x6b: {  	s10 =	simm.s32 $0x2970;
	[sflag:s20] =	ssyncadd.s32 $0xFFFFC7C0  }
0x6c: {  	[spmem:s2] =	stream.indirect.scatter.add.f32 [tilespmem:s29], [sflag:$0x7], $0x90, s10, s22, $0xb8;
	[tilespmem:$0x1F840] =	vst v63  }
0x6d: {  	_ =	swait.ge [sflag:s24], $0x3840  }
0x6e: {  	[sflag:s24] =	ssyncset.done $0x0  }
0x6f: {  	s8 =	simm.s32 $0x29D8;
	[sflag:s24] =	ssyncadd.s32 $0xFFFFC7C0  }
0x70: {  	[spmem:s2] =	stream.indirect.scatter.add.f32 [tilespmem:s31], [sflag:$0x8], $0x90, s8, s22, $0xb8;
	[tilespmem:$0x1F840] =	vst v63  }
0x71: {  	_ =	swait.ge [sflag:s28], $0x3840  }
0x72: {  	[sflag:s28] =	ssyncset.done $0x0  }
0x73: {  	s10 =	simm.s32 $0x1A0;
	[sflag:s28] =	ssyncadd.s32 $0xFFFFC7C0  }
0x74: {  	[tilespmem:s23], [sflag:$0x1] =	stream.indirect.gather [hbm4b:s4+s22], $0x90, s10, s22, $0xb8;
	[tilespmem:$0x1F840] =	vst v63  }
0x75: {  	_ =	swait.ge [sflag:s30], $0x3840  }
0x76: {  	[sflag:s30] =	ssyncset.done $0x0  }
0x77: {  	s8 =	simm.s32 $0x208;
	[sflag:s30] =	ssyncadd.s32 $0xFFFFC7C0  }
0x78: {  	[tilespmem:s26], [sflag:$0x2] =	stream.indirect.gather [hbm4b:s4+s22], $0x90, s8, s22, $0xb8;
	[tilespmem:$0x1F840] =	vst v63  }
0x79: {  	_ =	swait.ge [sflag:s5], $0x3840  }
0x7a: {  	[sflag:s5] =	ssyncset.done $0x0  }
0x7b: {  	s10 =	simm.s32 $0x270;
	[sflag:s5] =	ssyncadd.s32 $0xFFFFC7C0  }
0x7c: {  	[tilespmem:s29], [sflag:$0x3] =	stream.indirect.gather [hbm4b:s4+s22], $0x90, s10, s22, $0xb8;
	[tilespmem:$0x1F840] =	vst v63  }
0x7d: {  	_ =	swait.ge [sflag:s6], $0x3840  }
0x7e: {  	[sflag:s6] =	ssyncset.done $0x0  }
0x7f: {  	s7 =	simm.s32 $0x680;
	s8 =	simm.s32 $0x2D8;
	[sflag:s6] =	ssyncadd.s32 $0xFFFFC7C0  }
.LBB2_4:
0x80: {  	[tilespmem:s31], [sflag:$0x4] =	stream.indirect.gather [hbm4b:s4+s22], $0x90, s8, s22, $0xb8;
	[tilespmem:$0x1F840] =	vst v63  }
0x81: {  	s8 =	smov.u32 s7  }
0x82: {  	p0 =	sne.s32 s7, $0x9580;
	s7 =	sadd.s32 $0x680, s7;
	_ =	swait.ge [sflag:s1], $0x3840  }
0x83: {  	s8 =	sshra.s32 s8, $0x2;
	[sflag:s1] =	ssyncset.done $0x0  }
0x84: {  	s10 =	sadd.s32 $0x28A0, s8;
	[sflag:s1] =	ssyncadd.s32 $0xFFFFC7C0  }
0x85: {  	[spmem:s2] =	stream.indirect.scatter.add.f32 [tilespmem:s23], [sflag:$0x5], $0x90, s10, s22, $0xb8;
	[tilespmem:$0x1F840] =	vst v63  }
0x86: {  	_ =	swait.ge [sflag:s0], $0x3840  }
0x87: {  	[sflag:s0] =	ssyncset.done $0x0  }
0x88: {  	s10 =	sadd.s32 $0x2908, s8;
	[sflag:s0] =	ssyncadd.s32 $0xFFFFC7C0  }
0x89: {  	[spmem:s2] =	stream.indirect.scatter.add.f32 [tilespmem:s26], [sflag:$0x6], $0x90, s10, s22, $0xb8;
	[tilespmem:$0x1F840] =	vst v63  }
0x8a: {  	_ =	swait.ge [sflag:s20], $0x3840  }
0x8b: {  	[sflag:s20] =	ssyncset.done $0x0  }
0x8c: {  	s10 =	sadd.s32 $0x2970, s8;
	[sflag:s20] =	ssyncadd.s32 $0xFFFFC7C0  }
0x8d: {  	[spmem:s2] =	stream.indirect.scatter.add.f32 [tilespmem:s29], [sflag:$0x7], $0x90, s10, s22, $0xb8;
	[tilespmem:$0x1F840] =	vst v63  }
0x8e: {  	_ =	swait.ge [sflag:s24], $0x3840  }
0x8f: {  	[sflag:s24] =	ssyncset.done $0x0  }
0x90: {  	s10 =	sadd.s32 $0x29D8, s8;
	[sflag:s24] =	ssyncadd.s32 $0xFFFFC7C0  }
0x91: {  	[spmem:s2] =	stream.indirect.scatter.add.f32 [tilespmem:s31], [sflag:$0x8], $0x90, s10, s22, $0xb8;
	[tilespmem:$0x1F840] =	vst v63  }
0x92: {  	_ =	swait.ge [sflag:s28], $0x3840  }
0x93: {  	[sflag:s28] =	ssyncset.done $0x0  }
0x94: {  	s10 =	sadd.s32 $0x1A0, s8;
	[sflag:s28] =	ssyncadd.s32 $0xFFFFC7C0  }
0x95: {  	[tilespmem:s23], [sflag:$0x1] =	stream.indirect.gather [hbm4b:s4+s22], $0x90, s10, s22, $0xb8;
	[tilespmem:$0x1F840] =	vst v63  }
0x96: {  	_ =	swait.ge [sflag:s30], $0x3840  }
0x97: {  	[sflag:s30] =	ssyncset.done $0x0  }
0x98: {  	s10 =	sadd.s32 $0x208, s8;
	[sflag:s30] =	ssyncadd.s32 $0xFFFFC7C0  }
0x99: {  	[tilespmem:s26], [sflag:$0x2] =	stream.indirect.gather [hbm4b:s4+s22], $0x90, s10, s22, $0xb8;
	[tilespmem:$0x1F840] =	vst v63  }
0x9a: {  	_ =	swait.ge [sflag:s5], $0x3840  }
0x9b: {  	[sflag:s5] =	ssyncset.done $0x0  }
.Ltmp1:
0x9c: {  	s10 =	sadd.s32 $0x270, s8;
	[sflag:s5] =	ssyncadd.s32 $0xFFFFC7C0;
	(pc) =	sbr.rel @p0 .LBB2_4-.Ltmp1, $4  }
0x9d: {  	[tilespmem:s29], [sflag:$0x3] =	stream.indirect.gather [hbm4b:s4+s22], $0x90, s10, s22, $0xb8;
	[tilespmem:$0x1F840] =	vst v63  }
0x9e: {  	_ =	swait.ge [sflag:s6], $0x3840  }
0x9f: {  	[sflag:s6] =	ssyncset.done $0x0  }
0xa0: {  	s8 =	sadd.s32 $0x2D8, s8;
	[sflag:s6] =	ssyncadd.s32 $0xFFFFC7C0  }
0xa1: {  	[tilespmem:s31], [sflag:$0x4] =	stream.indirect.gather [hbm4b:s4+s22], $0x90, s8, s22, $0xb8;
	[tilespmem:$0x1F840] =	vst v63  }
0xa2: {  	_ =	swait.ge [sflag:s1], $0x3840  }
0xa3: {  	[sflag:s1] =	ssyncset.done $0x0  }
0xa4: {  	s7 =	simm.s32 $0x4FA0;
	[sflag:s1] =	ssyncadd.s32 $0xFFFFC7C0  }
0xa5: {  	[spmem:s2] =	stream.indirect.scatter.add.f32 [tilespmem:s23], [sflag:$0x5], $0x90, s7, s22, $0xb8;
	[tilespmem:$0x1F840] =	vst v63  }
0xa6: {  	_ =	swait.ge [sflag:s0], $0x3840  }
0xa7: {  	[sflag:s0] =	ssyncset.done $0x0  }
0xa8: {  	s10 =	simm.s32 $0x5008;
	[sflag:s0] =	ssyncadd.s32 $0xFFFFC7C0  }
0xa9: {  	[spmem:s2] =	stream.indirect.scatter.add.f32 [tilespmem:s26], [sflag:$0x6], $0x90, s10, s22, $0xb8;
	[tilespmem:$0x1F840] =	vst v63  }
0xaa: {  	_ =	swait.ge [sflag:s20], $0x3840  }
0xab: {  	[sflag:s20] =	ssyncset.done $0x0  }
0xac: {  	s8 =	simm.s32 $0x5070;
	[sflag:s20] =	ssyncadd.s32 $0xFFFFC7C0  }
0xad: {  	[spmem:s2] =	stream.indirect.scatter.add.f32 [tilespmem:s29], [sflag:$0x7], $0x90, s8, s22, $0xb8;
	[tilespmem:$0x1F840] =	vst v63  }
0xae: {  	_ =	swait.ge [sflag:s24], $0x3840  }
0xaf: {  	[sflag:s24] =	ssyncset.done $0x0  }
0xb0: {  	s10 =	simm.s32 $0x50D8;
	[sflag:s24] =	ssyncadd.s32 $0xFFFFC7C0  }
0xb1: {  	[spmem:s2] =	stream.indirect.scatter.add.f32 [tilespmem:s31], [sflag:$0x8], $0x90, s10, s22, $0xb8;
	[tilespmem:$0x1F840] =	vst v63  }
0xb2: {  	_ =	swait.ge [sflag:s28], $0x3840  }
0xb3: {  	[sflag:s28] =	ssyncset.done $0x0  }
0xb4: {  	[sflag:s28] =	ssyncadd.s32 $0xFFFFC7C0  }
0xb5: {  	_ =	swait.ge [sflag:s30], $0x3840  }
0xb6: {  	[sflag:s30] =	ssyncset.done $0x0  }
0xb7: {  	[sflag:s30] =	ssyncadd.s32 $0xFFFFC7C0  }
0xb8: {  	_ =	swait.ge [sflag:s5], $0x3840  }
0xb9: {  	[sflag:s5] =	ssyncset.done $0x0  }
0xba: {  	[sflag:s5] =	ssyncadd.s32 $0xFFFFC7C0  }
0xbb: {  	_ =	swait.ge [sflag:s6], $0x3840  }
0xbc: {  	[sflag:s6] =	ssyncset.done $0x0  }
0xbd: {  	s8 =	stileid.u32;
	[sflag:s6] =	ssyncadd.s32 $0xFFFFC7C0  }
0xbe: {  	s7 =	sshll.u32 s8, $0x6;
	[bflag:$0x0] =	sbarrier.arrive $0xFFFF  }
0xbf: {  	s7 =	sor.u32 $0x1C09, s7;
	s10 =	rddreg [dreg:$0x6]  }
0xc0: {  	[hbm:s10], [sflag:s7] =	dma.local [spmem:s25], $0x1680  }
0xc1: {  	_ =	swait.ge [sflag:s19], $0x1680  }
0xc2: {  	s3 =	sadd.s32 $0x1, s3;
	s10 =	rddreg [dreg:$0x7]  }
0xc3: {  	p0 =	sne.s32 s3, s10  }
.Ltmp2:
0xc4: {  	_ = 	snop;
	(pc) =	sbr.rel @p0 .LBB2_1-.Ltmp2, $3  }
0xc5: {  	_ =	sdelay $0x1  }
0xc6: {  	[sflag:s19] =	ssyncset.done $0x0  }
0xc7: {  	[sflag:s19] =	ssyncadd.s32 $0xFFFFE980  }
0xc8: {  	_ =	sfence.sel $0x180000  }
0xc9: {  	[bflag:$0x0] =	sbarrier.arrive $0xFFFF  }
0xca: {  	_ =	strace $0x90000047  }
0xcb: {  	s0 =	stileid.u32;
	[bflag:$0x2] =	sbarrier.arrive $0xFFFF  }
0xcc: {  	p0 =	sne.s32 s0, $0x0;
	s0 =	rddreg [dreg:$0x3]  }
0xcd: {  	s0 =	sadd.s32 @!p0 $0x100000, s0  }
0xce: {  	[sflag:s0] =	ssyncadd.tile.s32 @!p0 $0x1;
	_ =	shalt  }
.Lfunc_end2:
_tile_overlayer_lowered:
.L_overlay_start_2:
0xcf: {  	(tag) =	ssettag $0x2  }
0xd0: {  	s0 =	rddreg [dreg:$0x0];
	s2 =	stileid.u32  }
0xd1: {  	s1 =	rddreg [dreg:$0x1];
	p0 =	sne.s32 s2, $0x0  }
0xd2: {  	s3 =	rddreg [dreg:$0x2];
	[bflag:$0x3] =	sbarrier.arrive $0xFFFF;
	s2 =	simm.s32 @!p0 $0x1C09  }
0xd3: {  	[timem:s3], [sflag:s2] =	dma.local @!p0 [hbm:s0], s1  }
0xd4: {  	s0 =	simm.s32 @!p0 $0x9  }
0xd5: {  	_ =	swait.ge @!p0 [sflag:s0], s1  }
0xd6: {  	s1 =	ssub.s32 @!p0 $0x0, s1;
	[sflag:s0] =	ssyncset.done @!p0 $0x0  }
0xd7: {  	[sflag:s0] =	ssyncadd.s32 @!p0 s1  }
0xd8: {  	[bflag:$0x3] =	sbarrier.arrive $0xFFFF  }
0xd9: {  	_ =	shalt  }

// kernel: kernel.14.cloned.1.call-start
scs
__scs_entry_jumppad:
0x0: {  	(pc) =	sbr.rel $0x88, $3  }
0x1: {  	(tag) =	ssettag $0x0;
	lr =	simm.s32 $0x1  }
0x2: {  	[smem:$0x3F7E] =	sst lr;
	_ =	strace $0xD0000000  }
0x3: {  	_ = 	snop  }
0x4: {  	_ = 	snop  }
0x5: {  	_ = 	snop  }
0x6: {  	_ = 	snop  }
0x7: {  	_ = 	snop  }
__scs_overlays_trampoline_lowered:
0x8: {  	[smem:$0x3F8D] =	sst s0  }
0x9: {  	[smem:$0x3F8E] =	sst s1  }
0xa: {  	[smem:$0x3F8F] =	sst s2  }
0xb: {  	[smem:$0x3F90] =	sst s3  }
0xc: {  	[smem:$0x3F91] =	sst s4  }
0xd: {  	[smem:$0x3F92] =	sst s5  }
0xe: {  	[smem:$0x3F93] =	sst s6  }
0xf: {  	[smem:$0x3F94] =	sst s7  }
0x10: {  	[smem:$0x3F95] =	sst s8  }
0x11: {  	[smem:$0x3F96] =	sst s9;
	s0 =	simm.s32 @!p0 $0x0  }
0x12: {  	s1 =	sld [smem:$0x3F7C];
	s0 =	simm.s32 @p0 $0x1  }
0x13: {  	[smem:$0x3F97] =	sst s0;
	s0 =	simm.s32 @!p1 $0x0  }
0x14: {  	s2 =	sld [smem:$0x3F7B];
	s0 =	simm.s32 @p1 $0x1  }
0x15: {  	[smem:$0x3F98] =	sst s0;
	s0 =	simm.s32 @!p2 $0x0  }
0x16: {  	s3 =	sld [smem:$0x3FDB];
	s0 =	simm.s32 @p2 $0x1  }
0x17: {  	s4 =	simm.s32 $0x1BF5;
	[smem:$0x3F9A] =	sst s0  }
0x18: {  	s0 =	sld [smem:$0x3F7D];
	_ =	swait.ge [sflag:s4], $0x0  }
0x19: {  	s7 =	sld [smem:$0x3F7E]  }
0x1a: {  	s8 =	sadd.s32 $0xFFFFE003, lr  }
0x1b: {  	s9 =	sadd.s32 $0xFFFFFEF7, lr;
	s5 =	simm.s32 $0xFFFFFFFF;
	p2 =	slt.u32 s8, $0xFFFFF086  }
0x1c: {  	p1 =	slt.u32 s9, $0xF7A;
	s5 =	simm.s32 @!p2 $0x0  }
0x1d: {  	s5 =	simm.s32 @p1 $0x1;
	p0 =	seq.s32 s7, s2  }
0x1e: {  	s7 =	smul.u32 @!p0 $0xF7A, s2;
	p2 =	seq.s32 @!p0 s5, $0x0  }
0x1f: {  	s9 =	smul.u32 $0xF7A, s1;
	s8 =	simm.s32 @!p0 $0x1BF5;
	p2 =	por !p2, p0  }
0x20: {  	[sflag:s8] =	ssyncset.s32 @!p0 $0xFFFFF086;
	s6 =	sadd.s32 @!p0 s3, s7;
	s7 =	simm.s32 @!p0 $0x108  }
0x21: {  	s3 =	sadd.s32 s3, s9;
	s6 =	sadd.s32 @!p0 $0x88, s6;
	s7 =	simm.s32 @p2 $0x1082  }
0x22: {  	[simem:s7], [sflag:s8] =	dma.local @!p0 [hbm:s6], $0xF7A  }
0x23: {  	s9 =	sor.u32 $0xD0000000, s2;
	s6 =	simm.s32 $0x108;
	_ =	swait.ge @!p0 [sflag:s8], $0x0  }
0x24: {  	s3 =	sadd.s32 $0x88, s3;
	s6 =	simm.s32 @!p1 $0x1082;
	[sflag:s4] =	ssyncset.s32 $0xFFFFF086  }
0x25: {  	[simem:s6], [sflag:s4] =	dma.local [hbm:s3], $0xF7A  }
0x26: {  	[smem:$0x3F7E] =	sst s1;
	(tag) =	ssettag s2;
	_ =	strace s9  }
0x27: {  	s1 =	sld [smem:$0x3F8E]  }
0x28: {  	s2 =	sld [smem:$0x3F8F]  }
0x29: {  	s4 =	sld [smem:$0x3F91]  }
0x2a: {  	p0 =	seq.s32 s5, $0x0;
	s5 =	sld [smem:$0x3F92]  }
0x2b: {  	s6 =	sld [smem:$0x3F93]  }
0x2c: {  	s7 =	sld [smem:$0x3F94]  }
0x2d: {  	s3 =	simm.s32 $0x108;
	s8 =	sld [smem:$0x3F95]  }
0x2e: {  	s3 =	simm.s32 @!p0 $0x1082;
	s9 =	sld [smem:$0x3F96]  }
0x2f: {  	lr =	sadd.s32 s0, s3;
	s0 =	sld [smem:$0x3F8D]  }
0x30: {  	s3 =	sld [smem:$0x3F90]  }
0x31: {  	[smem:$0x3F99] =	sst s10  }
0x32: {  	s10 =	sld [smem:$0x3F97];
	_ =	sdelay $0x3  }
0x33: {  	p0 =	seq.s32 s10, $0x1;
	s10 =	sld [smem:$0x3F99];
	_ =	sdelay $0x3  }
0x34: {  	[smem:$0x3F99] =	sst s10  }
0x35: {  	s10 =	sld [smem:$0x3F98];
	_ =	sdelay $0x3  }
0x36: {  	p1 =	seq.s32 s10, $0x1;
	s10 =	sld [smem:$0x3F99];
	_ =	sdelay $0x3  }
0x37: {  	[smem:$0x3F99] =	sst s10  }
0x38: {  	s10 =	sld [smem:$0x3F9A]  }
0x39: {  	_ = 	snop;
	(pc) =	sbr.ind lr, $3  }
0x3a: {  	_ = 	snop  }
0x3b: {  	_ = 	snop  }
0x3c: {  	p2 =	seq.s32 s10, $0x1;
	s10 =	sld [smem:$0x3F99]  }
0x3d: {  	_ =	shalt  }
0x3e: {  	_ =	shalt  }
0x3f: {  	_ =	shalt  }
0x40: {  	_ =	shalt  }
0x41: {  	_ =	shalt  }
0x42: {  	_ =	shalt  }
0x43: {  	_ =	shalt  }
0x44: {  	_ =	shalt  }
0x45: {  	_ =	shalt  }
0x46: {  	_ =	shalt  }
0x47: {  	_ =	shalt  }
0x48: {  	_ =	shalt  }
0x49: {  	_ =	shalt  }
0x4a: {  	_ =	shalt  }
0x4b: {  	_ =	shalt  }
0x4c: {  	_ =	shalt  }
0x4d: {  	_ =	shalt  }
0x4e: {  	_ =	shalt  }
0x4f: {  	_ =	shalt  }
0x50: {  	_ =	shalt  }
0x51: {  	_ =	shalt  }
0x52: {  	_ =	shalt  }
0x53: {  	_ =	shalt  }
0x54: {  	_ =	shalt  }
0x55: {  	_ =	shalt  }
0x56: {  	_ =	shalt  }
0x57: {  	_ =	shalt  }
0x58: {  	_ =	shalt  }
0x59: {  	_ =	shalt  }
0x5a: {  	_ =	shalt  }
0x5b: {  	_ =	shalt  }
0x5c: {  	_ =	shalt  }
0x5d: {  	_ =	shalt  }
0x5e: {  	_ =	shalt  }
0x5f: {  	_ =	shalt  }
0x60: {  	_ =	shalt  }
0x61: {  	_ =	shalt  }
0x62: {  	_ =	shalt  }
0x63: {  	_ =	shalt  }
0x64: {  	_ =	shalt  }
0x65: {  	_ =	shalt  }
0x66: {  	_ =	shalt  }
0x67: {  	_ =	shalt  }
0x68: {  	_ =	shalt  }
0x69: {  	_ =	shalt  }
0x6a: {  	_ =	shalt  }
0x6b: {  	_ =	shalt  }
0x6c: {  	_ =	shalt  }
0x6d: {  	_ =	shalt  }
0x6e: {  	_ =	shalt  }
0x6f: {  	_ =	shalt  }
0x70: {  	_ =	shalt  }
0x71: {  	_ =	shalt  }
0x72: {  	_ =	shalt  }
0x73: {  	_ =	shalt  }
0x74: {  	_ =	shalt  }
0x75: {  	_ =	shalt  }
0x76: {  	_ =	shalt  }
0x77: {  	_ =	shalt  }
0x78: {  	_ =	shalt  }
0x79: {  	_ =	shalt  }
0x7a: {  	_ =	shalt  }
0x7b: {  	_ =	shalt  }
0x7c: {  	_ =	shalt  }
0x7d: {  	_ =	shalt  }
0x7e: {  	_ =	shalt  }
0x7f: {  	_ =	shalt  }
0x80: {  	_ =	shalt  }
0x81: {  	_ =	shalt  }
0x82: {  	_ =	shalt  }
0x83: {  	_ =	shalt  }
0x84: {  	_ =	shalt  }
0x85: {  	_ =	shalt  }
0x86: {  	_ =	shalt  }
0x87: {  	_ =	shalt  }
.Lfunc_end0:
.L_simem_size_0:
called_computation.1_lowered:
.L_overlay_start_0:
0x88: {  	s2 =	sld [smem:$0x3FD9]  }
0x89: {  	s3 =	sld [smem:$0x3FFE];
	_ =	sdelay $0x1  }
0x8a: {  	s1 =	srdreg.scid  }
0x8b: {  	s0 =	sand.u32 $0x1, s1  }
0x8c: {  	s16 =	sshll.u32 s0, $0xA;
	s2 =	sadd.s32 s3, s2  }
0x8d: {  	s2 =	sadd.s32 s2, s16  }
0x8e: {  	[smem:$0x3FA5] =	sst s2  }
0x8f: {  	_ = 	snop  }
0x90: {  	(tm) =	ssettm $0x1  }
0x91: {  	s17 =	sld [smem:$0x3FFB];
	_ =	sdelay $0x3  }
0x92: {  	_ =	strace s17  }
0x93: {  	s2 =	sld [smem:$0x3FFC];
	_ =	sdelay $0x3  }
0x94: {  	_ =	strace s2  }
0x95: {  	s2 =	sld [smem:$0x3FFD];
	_ =	sdelay $0x3  }
0x96: {  	_ =	strace s2  }
0x97: {  	_ =	strace $0x8FFFFFFF  }
0x98: {  	s18 =	sld [smem:$0x3FDB];
	_ =	sdelay $0x1  }
0x99: {  	s19 =	simm.s32 $_scs_section_size  }
0x9a: {  	s4 =	simm.s32 $_size__tile_overlayer_lowered;
	s5 =	simm.s32 $_tile_overlayer_lowered  }
0x9b: {  	s22 =	simm.s32 $0x1BFF;
	s21 =	sshll.u32 s5, $0x1;
	s2 =	sadd.s32 s19, s18  }
0x9c: {  	s6 =	simm.s32 $0x0;
	s20 =	sshll.u32 s4, $0x1;
	s4 =	sadd.s32 s21, s2  }
0x9d: {  	[timem:s6], [sflag:s22] =	dma.local [hbm:s4], s20  }
0x9e: {  	_ =	swait.ge [sflag:s22], s20  }
0x9f: {  	s3 =	ssub.s32 $0x0, s20;
	[sflag:s22] =	ssyncset.done $0x0  }
0xa0: {  	[sflag:s22] =	ssyncadd.s32 s3;
	_ =	sdelay $0x1  }
0xa1: {  	s23 =	simm.s32 $0x1B8B  }
0xa2: {  	_ =	swait.ge [sflag:s23], $0x1  }
0xa3: {  	[sflag:s23] =	ssyncset.done $0x0  }
0xa4: {  	s25 =	simm.s32 $0x1B8E;
	s24 =	sld [smem:$0x3FFE];
	[sflag:s23] =	ssyncadd.s32 $0xFFFFFFFF  }
0xa5: {  	s26 =	simm.s32 $execute0_lowered;
	[smem:$0x3FD2] =	sst s25  }
0xa6: {  	s4 =	sshll.u32 s26, $0x1;
	_ =	strace $0x80000049;
	[dreg:$0x1] =	wrdreg $0xFFFFFFFF  }
0xa7: {  	s28 =	simm.s32 $_size_execute0_lowered;
	s2 =	sadd.s32 s2, s4;
	[dreg:$0x0] =	wrdreg $0x0  }
0xa8: {  	s4 =	sshll.u32 s28, $0x1;
	[dreg:$0x2] =	wrdreg s2  }
0xa9: {  	[dreg:$0x3] =	wrdreg s4  }
0xaa: {  	[dreg:$0x4] =	wrdreg $0xC0  }
0xab: {  	_ =	task [dreg:s6], $0x5FFFF  }
0xac: {  	[dreg:$0x1] =	wrdreg $0xFFFFFFFF  }
0xad: {  	[dreg:$0x0] =	wrdreg $0x60  }
0xae: {  	[dreg:$0x2] =	wrdreg s24  }
0xaf: {  	[dreg:$0x3] =	wrdreg $0x5B400  }
0xb0: {  	[dreg:$0x4] =	wrdreg $0x9  }
0xb1: {  	_ =	task.clear_ibuf [dreg:s6], $0x5FFFF;
	_ =	strace $0x90000049  }
0xb2: {  	s29 =	simm.s32 $0x9;
	_ =	strace $0x8000004B  }
0xb3: {  	_ =	swait.ge [sflag:s29], $0x1  }
0xb4: {  	[sflag:s29] =	ssyncadd.s32 $0xFFFFFFFF  }
0xb5: {  	_ =	strace $0x9000004B  }
0xb6: {  	_ =	sfence  }
0xb7: {  	s30 =	sld [smem:$0x0];
	_ =	sdelay $0x2  }
0xb8: {  	s31 =	sshll.u32 s1, $0xD;
	s1 =	sshrl.u32 s1, $0x2  }
0xb9: {  	s3 =	sand.u32 $0x4000, s31;
	s1 =	sadd.s32 s1, s30  }
0xba: {  	s0 =	sor.u32 s3, s0;
	s1 =	sshll.u32 s1, $0x11  }
0xbb: {  	s0 =	sor.u32 s1, s0  }
0xbc: {  	s0 =	sadd.s32 $0x8F2B, s0  }
0xbd: {  	[sflag:s0] =	ssyncadd.remote.s32 $0x1  }
0xbe: {  	_ =	sfence.sel $0xFFFF  }
0xbf: {  	[dreg:$0x0] =	wrdreg $0xFFFFFFFF;
	(pc) =	sbr.abs _section_cstart, $3  }
0xc0: {  	[dreg:$0x1] =	wrdreg $0xFFFFFFFF  }
0xc1: {  	_ =	task.clear_ibuf [dreg:s6], $0x2FFFF;
	_ =	strace $0x9FFFFFFF  }
0xc2: {  	(tm) =	ssettm $0x7FFFFFFF  }
0xc3: {  	_ =	shalt  }
tec
execute0_lowered:
.L_overlay_start_1:
0x0: {  	(tag) =	ssettag $0x1  }
0x1: {  	s0 =	srdreg.scid;
	s5 =	rddreg [dreg:$0x0]  }
0x2: {  	s9 =	stileid.u32;
	s2 =	rddreg [dreg:$0x1]  }
0x3: {  	s3 =	simm.s32 $0x0;
	s12 =	simm.s32 $0x5140;
	s13 =	simm.s32 $0x64  }
0x4: {  	s14 =	simm.s32 $0x12340;
	s16 =	simm.s32 $0x14280;
	s18 =	simm.s32 $0x161C0  }
0x5: {  	s20 =	simm.s32 $0x18100;
	s21 =	simm.s32 $0x1;
	s22 =	simm.s32 $0x2  }
0x6: {  	s23 =	simm.s32 $0x3;
	s24 =	simm.s32 $0x4;
	s28 =	simm.s32 $0x6  }
0x7: {  	s29 =	simm.s32 $0x7;
	s30 =	simm.s32 $0x8;
	s31 =	simm.s32 $0x4FA0  }
0x8: {  	s0 =	sand.u32 $0x1, s0;
	[smem:$0x7FF] =	sst s3;
	s8 =	smul.u32 $0xC800, s9  }
0x9: {  	s4 =	sadd.s32 $0x10800, s5;
	s1 =	sshll.u32 s0, $0x4;
	s6 =	smul.u32 $0xC8000, s0  }
0xa: {  	_ =	strace $0x8000004A;
	s0 =	ssub.s32 $0x2, s0;
	s1 =	sor.u32 s9, s1  }
0xb: {  	s7 =	sshrl.u32 s0, $0x1;
	s9 =	smul.u32 $0x32000, s9;
	s11 =	sadd.s32 s8, s2  }
0xc: {  	s1 =	smul.u32 $0x514, s1;
	s6 =	sadd.s32 s8, s6;
	s0 =	ssub.s32 s0, s7  }
0xd: {  	s25 =	sshrl.u32 s11, $0x3;
	s11 =	simm.s32 $0x5070;
	s6 =	sshrl.u32 s6, $0x3  }
0xe: {  	s26 =	sshrl.u32 s9, $0x2;
	s8 =	smax.u32 s0, $0x1;
	s0 =	simm.s32 $0x50D8  }
0xf: {  	s1 =	sadd.s32 s1, s5;
	s10 =	sadd.s32 s6, s5;
	s9 =	sadd.s32 s26, s2  }
0x10: {  	s26 =	simm.s32 $0x5;
	s5 =	sadd.s32 $0x69800, s1;
	s6 =	sadd.s32 $0x73C00, s1  }
0x11: {  	v0 =	vimm.f32 $0.0e+00;
	s7 =	sadd.s32 $0x1D000, s10;
	s10 =	simm.s32 $0x9;
	s1 =	simm.s32 $0x5008  }
.LBB2_1:
0x12: {  	s17 =	simm.s32 $0x240;
	s15 =	simm.s32 $0x40  }
.LBB2_2:
0x13: {  	p0 =	sne.s32 s17, $0x27C0;
	[tilespmem:s15+$0x5140] =	vst v0;
	s19 =	smov.u32 s17;
	s17 =	sadd.s32 $0x140, s17  }
.Ltmp0:
0x14: {  	[tilespmem:s15+$0x5130] =	vst v0;
	(pc) =	sbr.rel @p0 .LBB2_2-.Ltmp0, $4  }
0x15: {  	[tilespmem:s15+$0x5120] =	vst v0  }
0x16: {  	[tilespmem:s15+$0x5100] =	vst v0  }
0x17: {  	[tilespmem:s15+$0x5110] =	vst v0  }
0x18: {  	s15 =	sshra.s32 s19, $0x2  }
0x19: {  	[tilespmem:s15+$0x5140] =	vst v0  }
0x1a: {  	[tilespmem:s15+$0x5130] =	vst v0  }
0x1b: {  	[tilespmem:s15+$0x5120] =	vst v0  }
0x1c: {  	[tilespmem:s15+$0x5100] =	vst v0  }
0x1d: {  	[tilespmem:s15+$0x5110] =	vst v0;
	s19 =	simm.s32 $0x0  }
0x1e: {  	[tilespmem:s19], [sflag:$0x9] =	stream.linear.gather [hbm4b:s5+s19], $0x28A0, $0x38;
	[tilespmem:$0x1A040] =	vst v63  }
0x1f: {  	_ =	swait.ge [sflag:s10], $0x28A0  }
0x20: {  	[sflag:s10] =	ssyncset.done $0x0  }
0x21: {  	s17 =	simm.s32 $0x28A0;
	[sflag:s10] =	ssyncadd.s32 $0xFFFFD760  }
0x22: {  	[tilespmem:s17], [sflag:$0x9] =	stream.linear.gather [hbm4b:s6+s19], $0x28A0, $0x38;
	[tilespmem:$0x1A040] =	vst v63  }
0x23: {  	_ =	swait.ge [sflag:s10], $0x28A0  }
0x24: {  	[sflag:s10] =	ssyncset.done $0x0  }
0x25: {  	s19 =	sadd.s32 $0x0, s9;
	[sflag:s10] =	ssyncadd.s32 $0xFFFFD760  }
0x26: {  	[spmem:s19] =	stream.linear.scatter [tilespmem:s12], [sflag:$0x9], $0xA00, $0x38;
	[tilespmem:$0x1A040] =	vst v63  }
0x27: {  	s15 =	simm.s32 $0x2800;
	_ =	swait.ge [sflag:s10], $0xA00  }
.LBB2_4:
0x28: {  	s17 =	sshra.s32 s15, $0x2;
	[sflag:s10] =	ssyncset.done $0x0;
	p0 =	sne.s32 s15, $0x2F800  }
.Ltmp1:
0x29: {  	s17 =	sadd.s32 s17, s9;
	[sflag:s10] =	ssyncadd.s32 $0xFFFFF600;
	(pc) =	sbr.rel @p0 .LBB2_4-.Ltmp1, $3  }
0x2a: {  	[spmem:s17] =	stream.linear.scatter [tilespmem:s12], [sflag:$0x9], $0xA00, $0x38;
	[tilespmem:$0x1A040] =	vst v63  }
0x2b: {  	s15 =	sadd.s32 $0x2800, s15;
	_ =	sdelay $0x1  }
0x2c: {  	_ =	swait.ge [sflag:s10], $0xA00  }
0x2d: {  	[sflag:s10] =	ssyncset.done $0x0  }
0x2e: {  	[sflag:s10] =	ssyncadd.s32 $0xFFFFF600  }
0x2f: {  	s15 =	simm.s32 $0x0;
	[bflag:$0x0] =	sbarrier.arrive $0xFFFF  }
0x30: {  	[tilespmem:s14], [sflag:$0x1] =	stream.indirect.gather [hbm4b:s4+s13], $0x50, s15, s13, $0xb8;
	[tilespmem:$0x1A040] =	vst v63  }
0x31: {  	s17 =	simm.s32 $0x68  }
0x32: {  	[tilespmem:s16], [sflag:$0x2] =	stream.indirect.gather [hbm4b:s4+s13], $0x50, s17, s13, $0xb8;
	[tilespmem:$0x1A040] =	vst v63  }
0x33: {  	s19 =	simm.s32 $0xD0  }
0x34: {  	[tilespmem:s18], [sflag:$0x3] =	stream.indirect.gather [hbm4b:s4+s13], $0x50, s19, s13, $0xb8;
	[tilespmem:$0x1A040] =	vst v63  }
0x35: {  	s17 =	simm.s32 $0x138  }
0x36: {  	[tilespmem:s20], [sflag:$0x4] =	stream.indirect.gather [hbm4b:s4+s13], $0x50, s17, s13, $0xb8;
	[tilespmem:$0x1A040] =	vst v63  }
0x37: {  	_ =	swait.ge [sflag:s21], $0x1F40  }
0x38: {  	[sflag:s21] =	ssyncset.done $0x0  }
0x39: {  	s19 =	simm.s32 $0x28A0;
	[sflag:s21] =	ssyncadd.s32 $0xFFFFE0C0  }
0x3a: {  	[spmem:s2] =	stream.indirect.scatter.add.f32 [tilespmem:s14], [sflag:$0x5], $0x50, s19, s13, $0xb8;
	[tilespmem:$0x1A040] =	vst v63  }
0x3b: {  	_ =	swait.ge [sflag:s22], $0x1F40  }
0x3c: {  	[sflag:s22] =	ssyncset.done $0x0  }
0x3d: {  	s17 =	simm.s32 $0x2908;
	[sflag:s22] =	ssyncadd.s32 $0xFFFFE0C0  }
0x3e: {  	[spmem:s2] =	stream.indirect.scatter.add.f32 [tilespmem:s16], [sflag:$0x6], $0x50, s17, s13, $0xb8;
	[tilespmem:$0x1A040] =	vst v63  }
0x3f: {  	_ =	swait.ge [sflag:s23], $0x1F40  }
0x40: {  	[sflag:s23] =	ssyncset.done $0x0  }
0x41: {  	s19 =	simm.s32 $0x2970;
	[sflag:s23] =	ssyncadd.s32 $0xFFFFE0C0  }
0x42: {  	[spmem:s2] =	stream.indirect.scatter.add.f32 [tilespmem:s18], [sflag:$0x7], $0x50, s19, s13, $0xb8;
	[tilespmem:$0x1A040] =	vst v63  }
0x43: {  	_ =	swait.ge [sflag:s24], $0x1F40  }
0x44: {  	[sflag:s24] =	ssyncset.done $0x0  }
0x45: {  	s17 =	simm.s32 $0x29D8;
	[sflag:s24] =	ssyncadd.s32 $0xFFFFE0C0  }
0x46: {  	[spmem:s2] =	stream.indirect.scatter.add.f32 [tilespmem:s20], [sflag:$0x8], $0x50, s17, s13, $0xb8;
	[tilespmem:$0x1A040] =	vst v63  }
0x47: {  	_ =	swait.ge [sflag:s26], $0x1F40  }
0x48: {  	[sflag:s26] =	ssyncset.done $0x0  }
0x49: {  	s19 =	simm.s32 $0x1A0;
	[sflag:s26] =	ssyncadd.s32 $0xFFFFE0C0  }
0x4a: {  	[tilespmem:s14], [sflag:$0x1] =	stream.indirect.gather [hbm4b:s4+s13], $0x50, s19, s13, $0xb8;
	[tilespmem:$0x1A040] =	vst v63  }
0x4b: {  	_ =	swait.ge [sflag:s28], $0x1F40  }
0x4c: {  	[sflag:s28] =	ssyncset.done $0x0  }
0x4d: {  	s17 =	simm.s32 $0x208;
	[sflag:s28] =	ssyncadd.s32 $0xFFFFE0C0  }
0x4e: {  	[tilespmem:s16], [sflag:$0x2] =	stream.indirect.gather [hbm4b:s4+s13], $0x50, s17, s13, $0xb8;
	[tilespmem:$0x1A040] =	vst v63  }
0x4f: {  	_ =	swait.ge [sflag:s29], $0x1F40  }
0x50: {  	[sflag:s29] =	ssyncset.done $0x0  }
0x51: {  	s19 =	simm.s32 $0x270;
	[sflag:s29] =	ssyncadd.s32 $0xFFFFE0C0  }
0x52: {  	[tilespmem:s18], [sflag:$0x3] =	stream.indirect.gather [hbm4b:s4+s13], $0x50, s19, s13, $0xb8;
	[tilespmem:$0x1A040] =	vst v63  }
0x53: {  	_ =	swait.ge [sflag:s30], $0x1F40  }
0x54: {  	[sflag:s30] =	ssyncset.done $0x0  }
0x55: {  	s15 =	simm.s32 $0x680;
	s17 =	simm.s32 $0x2D8;
	[sflag:s30] =	ssyncadd.s32 $0xFFFFE0C0  }
.LBB2_6:
0x56: {  	[tilespmem:s20], [sflag:$0x4] =	stream.indirect.gather [hbm4b:s4+s13], $0x50, s17, s13, $0xb8;
	[tilespmem:$0x1A040] =	vst v63  }
0x57: {  	s17 =	smov.u32 s15  }
0x58: {  	p0 =	sne.s32 s15, $0x9580;
	s15 =	sadd.s32 $0x680, s15;
	_ =	swait.ge [sflag:s21], $0x1F40  }
0x59: {  	s17 =	sshra.s32 s17, $0x2;
	[sflag:s21] =	ssyncset.done $0x0  }
0x5a: {  	s19 =	sadd.s32 $0x28A0, s17;
	[sflag:s21] =	ssyncadd.s32 $0xFFFFE0C0  }
0x5b: {  	[spmem:s2] =	stream.indirect.scatter.add.f32 [tilespmem:s14], [sflag:$0x5], $0x50, s19, s13, $0xb8;
	[tilespmem:$0x1A040] =	vst v63  }
0x5c: {  	_ =	swait.ge [sflag:s22], $0x1F40  }
0x5d: {  	[sflag:s22] =	ssyncset.done $0x0  }
0x5e: {  	s19 =	sadd.s32 $0x2908, s17;
	[sflag:s22] =	ssyncadd.s32 $0xFFFFE0C0  }
0x5f: {  	[spmem:s2] =	stream.indirect.scatter.add.f32 [tilespmem:s16], [sflag:$0x6], $0x50, s19, s13, $0xb8;
	[tilespmem:$0x1A040] =	vst v63  }
0x60: {  	_ =	swait.ge [sflag:s23], $0x1F40  }
0x61: {  	[sflag:s23] =	ssyncset.done $0x0  }
0x62: {  	s19 =	sadd.s32 $0x2970, s17;
	[sflag:s23] =	ssyncadd.s32 $0xFFFFE0C0  }
0x63: {  	[spmem:s2] =	stream.indirect.scatter.add.f32 [tilespmem:s18], [sflag:$0x7], $0x50, s19, s13, $0xb8;
	[tilespmem:$0x1A040] =	vst v63  }
0x64: {  	_ =	swait.ge [sflag:s24], $0x1F40  }
0x65: {  	[sflag:s24] =	ssyncset.done $0x0  }
0x66: {  	s19 =	sadd.s32 $0x29D8, s17;
	[sflag:s24] =	ssyncadd.s32 $0xFFFFE0C0  }
0x67: {  	[spmem:s2] =	stream.indirect.scatter.add.f32 [tilespmem:s20], [sflag:$0x8], $0x50, s19, s13, $0xb8;
	[tilespmem:$0x1A040] =	vst v63  }
0x68: {  	_ =	swait.ge [sflag:s26], $0x1F40  }
0x69: {  	[sflag:s26] =	ssyncset.done $0x0  }
0x6a: {  	s19 =	sadd.s32 $0x1A0, s17;
	[sflag:s26] =	ssyncadd.s32 $0xFFFFE0C0  }
0x6b: {  	[tilespmem:s14], [sflag:$0x1] =	stream.indirect.gather [hbm4b:s4+s13], $0x50, s19, s13, $0xb8;
	[tilespmem:$0x1A040] =	vst v63  }
0x6c: {  	_ =	swait.ge [sflag:s28], $0x1F40  }
0x6d: {  	[sflag:s28] =	ssyncset.done $0x0  }
0x6e: {  	s19 =	sadd.s32 $0x208, s17;
	[sflag:s28] =	ssyncadd.s32 $0xFFFFE0C0  }
0x6f: {  	[tilespmem:s16], [sflag:$0x2] =	stream.indirect.gather [hbm4b:s4+s13], $0x50, s19, s13, $0xb8;
	[tilespmem:$0x1A040] =	vst v63  }
0x70: {  	_ =	swait.ge [sflag:s29], $0x1F40  }
0x71: {  	[sflag:s29] =	ssyncset.done $0x0  }
.Ltmp2:
0x72: {  	s19 =	sadd.s32 $0x270, s17;
	[sflag:s29] =	ssyncadd.s32 $0xFFFFE0C0;
	(pc) =	sbr.rel @p0 .LBB2_6-.Ltmp2, $4  }
0x73: {  	[tilespmem:s18], [sflag:$0x3] =	stream.indirect.gather [hbm4b:s4+s13], $0x50, s19, s13, $0xb8;
	[tilespmem:$0x1A040] =	vst v63  }
0x74: {  	_ =	swait.ge [sflag:s30], $0x1F40  }
0x75: {  	[sflag:s30] =	ssyncset.done $0x0  }
0x76: {  	s17 =	sadd.s32 $0x2D8, s17;
	[sflag:s30] =	ssyncadd.s32 $0xFFFFE0C0  }
0x77: {  	[tilespmem:s20], [sflag:$0x4] =	stream.indirect.gather [hbm4b:s4+s13], $0x50, s17, s13, $0xb8;
	[tilespmem:$0x1A040] =	vst v63  }
0x78: {  	_ =	swait.ge [sflag:s21], $0x1F40  }
0x79: {  	[sflag:s21] =	ssyncset.done $0x0  }
0x7a: {  	[sflag:s21] =	ssyncadd.s32 $0xFFFFE0C0  }
0x7b: {  	[spmem:s2] =	stream.indirect.scatter.add.f32 [tilespmem:s14], [sflag:$0x5], $0x50, s31, s13, $0xb8;
	[tilespmem:$0x1A040] =	vst v63  }
0x7c: {  	_ =	swait.ge [sflag:s22], $0x1F40  }
0x7d: {  	[sflag:s22] =	ssyncset.done $0x0  }
0x7e: {  	[sflag:s22] =	ssyncadd.s32 $0xFFFFE0C0  }
0x7f: {  	[spmem:s2] =	stream.indirect.scatter.add.f32 [tilespmem:s16], [sflag:$0x6], $0x50, s1, s13, $0xb8;
	[tilespmem:$0x1A040] =	vst v63  }
0x80: {  	_ =	swait.ge [sflag:s23], $0x1F40  }
0x81: {  	[sflag:s23] =	ssyncset.done $0x0  }
0x82: {  	[sflag:s23] =	ssyncadd.s32 $0xFFFFE0C0  }
0x83: {  	[spmem:s2] =	stream.indirect.scatter.add.f32 [tilespmem:s18], [sflag:$0x7], $0x50, s11, s13, $0xb8;
	[tilespmem:$0x1A040] =	vst v63  }
0x84: {  	_ =	swait.ge [sflag:s24], $0x1F40  }
0x85: {  	[sflag:s24] =	ssyncset.done $0x0  }
0x86: {  	[sflag:s24] =	ssyncadd.s32 $0xFFFFE0C0  }
0x87: {  	[spmem:s2] =	stream.indirect.scatter.add.f32 [tilespmem:s20], [sflag:$0x8], $0x50, s0, s13, $0xb8;
	[tilespmem:$0x1A040] =	vst v63  }
0x88: {  	_ =	swait.ge [sflag:s26], $0x1F40  }
0x89: {  	[sflag:s26] =	ssyncset.done $0x0  }
0x8a: {  	[sflag:s26] =	ssyncadd.s32 $0xFFFFE0C0  }
0x8b: {  	_ =	swait.ge [sflag:s28], $0x1F40  }
0x8c: {  	[sflag:s28] =	ssyncset.done $0x0  }
0x8d: {  	[sflag:s28] =	ssyncadd.s32 $0xFFFFE0C0  }
0x8e: {  	_ =	swait.ge [sflag:s29], $0x1F40  }
0x8f: {  	[sflag:s29] =	ssyncset.done $0x0  }
0x90: {  	[sflag:s29] =	ssyncadd.s32 $0xFFFFE0C0  }
0x91: {  	_ =	swait.ge [sflag:s30], $0x1F40  }
0x92: {  	s15 =	stileid.u32;
	s3 =	sadd.s32 $0x1, s3;
	[sflag:s30] =	ssyncset.done $0x0  }
0x93: {  	s15 =	sshll.u32 s15, $0x6;
	p0 =	sne.s32 s3, s8;
	[sflag:s30] =	ssyncadd.s32 $0xFFFFE0C0  }
.Ltmp3:
0x94: {  	s15 =	sor.u32 $0x1C09, s15;
	[bflag:$0x0] =	sbarrier.arrive $0xFFFF;
	(pc) =	sbr.rel @p0 .LBB2_1-.Ltmp3, $4  }
0x95: {  	[hbm:s7], [sflag:s15] =	dma.local [spmem:s25], $0x1900  }
0x96: {  	_ =	swait.ge [sflag:s10], $0x1900  }
0x97: {  	[sflag:s10] =	ssyncset.done $0x0  }
0x98: {  	[sflag:s10] =	ssyncadd.s32 $0xFFFFE700  }
0x99: {  	_ =	sfence.sel $0x180000  }
0x9a: {  	[bflag:$0x0] =	sbarrier.arrive $0xFFFF  }
0x9b: {  	_ =	strace $0x9000004A  }
0x9c: {  	s0 =	stileid.u32;
	[bflag:$0x2] =	sbarrier.arrive $0xFFFF  }
0x9d: {  	p0 =	sne.s32 s0, $0x0;
	s0 =	rddreg [dreg:$0x2]  }
0x9e: {  	s0 =	sadd.s32 @!p0 $0x100000, s0  }
0x9f: {  	[sflag:s0] =	ssyncadd.tile.s32 @!p0 $0x1;
	_ =	shalt  }
.Lfunc_end2:
_tile_overlayer_lowered:
.L_overlay_start_2:
0xa0: {  	(tag) =	ssettag $0x2  }
0xa1: {  	s0 =	rddreg [dreg:$0x0];
	s2 =	stileid.u32  }
0xa2: {  	s1 =	rddreg [dreg:$0x1];
	p0 =	sne.s32 s2, $0x0  }
0xa3: {  	s3 =	rddreg [dreg:$0x2];
	[bflag:$0x3] =	sbarrier.arrive $0xFFFF;
	s2 =	simm.s32 @!p0 $0x1C09  }
0xa4: {  	[timem:s3], [sflag:s2] =	dma.local @!p0 [hbm:s0], s1  }
0xa5: {  	s0 =	simm.s32 @!p0 $0x9  }
0xa6: {  	_ =	swait.ge @!p0 [sflag:s0], s1  }
0xa7: {  	s1 =	ssub.s32 @!p0 $0x0, s1;
	[sflag:s0] =	ssyncset.done @!p0 $0x0  }
0xa8: {  	[sflag:s0] =	ssyncadd.s32 @!p0 s1  }
0xa9: {  	[bflag:$0x3] =	sbarrier.arrive $0xFFFF  }
0xaa: {  	_ =	shalt  }

// kernel: kernel.17.cloned.1.call-start
scs
__scs_entry_jumppad:
0x0: {  	(pc) =	sbr.rel $0x88, $3  }
0x1: {  	(tag) =	ssettag $0x0;
	lr =	simm.s32 $0x1  }
0x2: {  	[smem:$0x3F7E] =	sst lr;
	_ =	strace $0xD0000000  }
0x3: {  	_ = 	snop  }
0x4: {  	_ = 	snop  }
0x5: {  	_ = 	snop  }
0x6: {  	_ = 	snop  }
0x7: {  	_ = 	snop  }
__scs_overlays_trampoline_lowered:
0x8: {  	[smem:$0x3F8D] =	sst s0  }
0x9: {  	[smem:$0x3F8E] =	sst s1  }
0xa: {  	[smem:$0x3F8F] =	sst s2  }
0xb: {  	[smem:$0x3F90] =	sst s3  }
0xc: {  	[smem:$0x3F91] =	sst s4  }
0xd: {  	[smem:$0x3F92] =	sst s5  }
0xe: {  	[smem:$0x3F93] =	sst s6  }
0xf: {  	[smem:$0x3F94] =	sst s7  }
0x10: {  	[smem:$0x3F95] =	sst s8  }
0x11: {  	[smem:$0x3F96] =	sst s9;
	s0 =	simm.s32 @!p0 $0x0  }
0x12: {  	s1 =	sld [smem:$0x3F7C];
	s0 =	simm.s32 @p0 $0x1  }
0x13: {  	[smem:$0x3F97] =	sst s0;
	s0 =	simm.s32 @!p1 $0x0  }
0x14: {  	s2 =	sld [smem:$0x3F7B];
	s0 =	simm.s32 @p1 $0x1  }
0x15: {  	[smem:$0x3F98] =	sst s0;
	s0 =	simm.s32 @!p2 $0x0  }
0x16: {  	s3 =	sld [smem:$0x3FDB];
	s0 =	simm.s32 @p2 $0x1  }
0x17: {  	s4 =	simm.s32 $0x1BF5;
	[smem:$0x3F9A] =	sst s0  }
0x18: {  	s0 =	sld [smem:$0x3F7D];
	_ =	swait.ge [sflag:s4], $0x0  }
0x19: {  	s7 =	sld [smem:$0x3F7E]  }
0x1a: {  	s8 =	sadd.s32 $0xFFFFE003, lr  }
0x1b: {  	s9 =	sadd.s32 $0xFFFFFEF7, lr;
	s5 =	simm.s32 $0xFFFFFFFF;
	p2 =	slt.u32 s8, $0xFFFFF086  }
0x1c: {  	p1 =	slt.u32 s9, $0xF7A;
	s5 =	simm.s32 @!p2 $0x0  }
0x1d: {  	s5 =	simm.s32 @p1 $0x1;
	p0 =	seq.s32 s7, s2  }
0x1e: {  	s7 =	smul.u32 @!p0 $0xF7A, s2;
	p2 =	seq.s32 @!p0 s5, $0x0  }
0x1f: {  	s9 =	smul.u32 $0xF7A, s1;
	s8 =	simm.s32 @!p0 $0x1BF5;
	p2 =	por !p2, p0  }
0x20: {  	[sflag:s8] =	ssyncset.s32 @!p0 $0xFFFFF086;
	s6 =	sadd.s32 @!p0 s3, s7;
	s7 =	simm.s32 @!p0 $0x108  }
0x21: {  	s3 =	sadd.s32 s3, s9;
	s6 =	sadd.s32 @!p0 $0x88, s6;
	s7 =	simm.s32 @p2 $0x1082  }
0x22: {  	[simem:s7], [sflag:s8] =	dma.local @!p0 [hbm:s6], $0xF7A  }
0x23: {  	s9 =	sor.u32 $0xD0000000, s2;
	s6 =	simm.s32 $0x108;
	_ =	swait.ge @!p0 [sflag:s8], $0x0  }
0x24: {  	s3 =	sadd.s32 $0x88, s3;
	s6 =	simm.s32 @!p1 $0x1082;
	[sflag:s4] =	ssyncset.s32 $0xFFFFF086  }
0x25: {  	[simem:s6], [sflag:s4] =	dma.local [hbm:s3], $0xF7A  }
0x26: {  	[smem:$0x3F7E] =	sst s1;
	(tag) =	ssettag s2;
	_ =	strace s9  }
0x27: {  	s1 =	sld [smem:$0x3F8E]  }
0x28: {  	s2 =	sld [smem:$0x3F8F]  }
0x29: {  	s4 =	sld [smem:$0x3F91]  }
0x2a: {  	p0 =	seq.s32 s5, $0x0;
	s5 =	sld [smem:$0x3F92]  }
0x2b: {  	s6 =	sld [smem:$0x3F93]  }
0x2c: {  	s7 =	sld [smem:$0x3F94]  }
0x2d: {  	s3 =	simm.s32 $0x108;
	s8 =	sld [smem:$0x3F95]  }
0x2e: {  	s3 =	simm.s32 @!p0 $0x1082;
	s9 =	sld [smem:$0x3F96]  }
0x2f: {  	lr =	sadd.s32 s0, s3;
	s0 =	sld [smem:$0x3F8D]  }
0x30: {  	s3 =	sld [smem:$0x3F90]  }
0x31: {  	[smem:$0x3F99] =	sst s10  }
0x32: {  	s10 =	sld [smem:$0x3F97];
	_ =	sdelay $0x3  }
0x33: {  	p0 =	seq.s32 s10, $0x1;
	s10 =	sld [smem:$0x3F99];
	_ =	sdelay $0x3  }
0x34: {  	[smem:$0x3F99] =	sst s10  }
0x35: {  	s10 =	sld [smem:$0x3F98];
	_ =	sdelay $0x3  }
0x36: {  	p1 =	seq.s32 s10, $0x1;
	s10 =	sld [smem:$0x3F99];
	_ =	sdelay $0x3  }
0x37: {  	[smem:$0x3F99] =	sst s10  }
0x38: {  	s10 =	sld [smem:$0x3F9A]  }
0x39: {  	_ = 	snop;
	(pc) =	sbr.ind lr, $3  }
0x3a: {  	_ = 	snop  }
0x3b: {  	_ = 	snop  }
0x3c: {  	p2 =	seq.s32 s10, $0x1;
	s10 =	sld [smem:$0x3F99]  }
0x3d: {  	_ =	shalt  }
0x3e: {  	_ =	shalt  }
0x3f: {  	_ =	shalt  }
0x40: {  	_ =	shalt  }
0x41: {  	_ =	shalt  }
0x42: {  	_ =	shalt  }
0x43: {  	_ =	shalt  }
0x44: {  	_ =	shalt  }
0x45: {  	_ =	shalt  }
0x46: {  	_ =	shalt  }
0x47: {  	_ =	shalt  }
0x48: {  	_ =	shalt  }
0x49: {  	_ =	shalt  }
0x4a: {  	_ =	shalt  }
0x4b: {  	_ =	shalt  }
0x4c: {  	_ =	shalt  }
0x4d: {  	_ =	shalt  }
0x4e: {  	_ =	shalt  }
0x4f: {  	_ =	shalt  }
0x50: {  	_ =	shalt  }
0x51: {  	_ =	shalt  }
0x52: {  	_ =	shalt  }
0x53: {  	_ =	shalt  }
0x54: {  	_ =	shalt  }
0x55: {  	_ =	shalt  }
0x56: {  	_ =	shalt  }
0x57: {  	_ =	shalt  }
0x58: {  	_ =	shalt  }
0x59: {  	_ =	shalt  }
0x5a: {  	_ =	shalt  }
0x5b: {  	_ =	shalt  }
0x5c: {  	_ =	shalt  }
0x5d: {  	_ =	shalt  }
0x5e: {  	_ =	shalt  }
0x5f: {  	_ =	shalt  }
0x60: {  	_ =	shalt  }
0x61: {  	_ =	shalt  }
0x62: {  	_ =	shalt  }
0x63: {  	_ =	shalt  }
0x64: {  	_ =	shalt  }
0x65: {  	_ =	shalt  }
0x66: {  	_ =	shalt  }
0x67: {  	_ =	shalt  }
0x68: {  	_ =	shalt  }
0x69: {  	_ =	shalt  }
0x6a: {  	_ =	shalt  }
0x6b: {  	_ =	shalt  }
0x6c: {  	_ =	shalt  }
0x6d: {  	_ =	shalt  }
0x6e: {  	_ =	shalt  }
0x6f: {  	_ =	shalt  }
0x70: {  	_ =	shalt  }
0x71: {  	_ =	shalt  }
0x72: {  	_ =	shalt  }
0x73: {  	_ =	shalt  }
0x74: {  	_ =	shalt  }
0x75: {  	_ =	shalt  }
0x76: {  	_ =	shalt  }
0x77: {  	_ =	shalt  }
0x78: {  	_ =	shalt  }
0x79: {  	_ =	shalt  }
0x7a: {  	_ =	shalt  }
0x7b: {  	_ =	shalt  }
0x7c: {  	_ =	shalt  }
0x7d: {  	_ =	shalt  }
0x7e: {  	_ =	shalt  }
0x7f: {  	_ =	shalt  }
0x80: {  	_ =	shalt  }
0x81: {  	_ =	shalt  }
0x82: {  	_ =	shalt  }
0x83: {  	_ =	shalt  }
0x84: {  	_ =	shalt  }
0x85: {  	_ =	shalt  }
0x86: {  	_ =	shalt  }
0x87: {  	_ =	shalt  }
.Lfunc_end0:
.L_simem_size_0:
called_computation.2_lowered:
.L_overlay_start_0:
0x88: {  	s2 =	sld [smem:$0x3FD9]  }
0x89: {  	s3 =	sld [smem:$0x3FFE];
	_ =	sdelay $0x1  }
0x8a: {  	s1 =	srdreg.scid  }
0x8b: {  	s0 =	sand.u32 $0x1, s1  }
0x8c: {  	s17 =	sshll.u32 s0, $0xA;
	s2 =	sadd.s32 s3, s2  }
0x8d: {  	s2 =	sadd.s32 s2, s17  }
0x8e: {  	[smem:$0x3FA5] =	sst s2  }
0x8f: {  	_ = 	snop  }
0x90: {  	s2 =	sld [smem:$0x3FD0];
	(tm) =	ssettm $0x1  }
0x91: {  	s18 =	sld [smem:$0x3FFB];
	_ =	sdelay $0x3  }
0x92: {  	_ =	strace s18  }
0x93: {  	s3 =	sld [smem:$0x3FFC];
	_ =	sdelay $0x3  }
0x94: {  	_ =	strace s3  }
0x95: {  	s3 =	sld [smem:$0x3FFD];
	_ =	sdelay $0x3  }
0x96: {  	_ =	strace s3  }
0x97: {  	_ =	strace $0x8FFFFFFF  }
0x98: {  	s19 =	sld [smem:$0x3FDB];
	_ =	sdelay $0x1  }
0x99: {  	s4 =	simm.s32 $_scs_section_size  }
0x9a: {  	s5 =	simm.s32 $_size__tile_overlayer_lowered;
	s6 =	simm.s32 $_tile_overlayer_lowered  }
0x9b: {  	s22 =	simm.s32 $0x1BFF;
	s21 =	sshll.u32 s6, $0x1;
	s3 =	sadd.s32 s4, s19  }
0x9c: {  	s7 =	simm.s32 $0x0;
	s20 =	sshll.u32 s5, $0x1;
	s5 =	sadd.s32 s21, s3  }
0x9d: {  	[timem:s7], [sflag:s22] =	dma.local [hbm:s5], s20  }
0x9e: {  	_ =	swait.ge [sflag:s22], s20  }
0x9f: {  	s4 =	ssub.s32 $0x0, s20;
	[sflag:s22] =	ssyncset.done $0x0  }
0xa0: {  	[sflag:s22] =	ssyncadd.s32 s4;
	_ =	sdelay $0x1  }
0xa1: {  	s23 =	simm.s32 $0x1B8B  }
0xa2: {  	_ =	swait.ge [sflag:s23], $0x1  }
0xa3: {  	[sflag:s23] =	ssyncset.done $0x0  }
0xa4: {  	s25 =	simm.s32 $0x1B8E;
	s24 =	sld [smem:$0x3FFE];
	[sflag:s23] =	ssyncadd.s32 $0xFFFFFFFF  }
0xa5: {  	s26 =	simm.s32 $execute0_lowered;
	[smem:$0x3FD2] =	sst s25  }
0xa6: {  	s5 =	sshll.u32 s26, $0x1;
	_ =	strace $0x8000004C;
	[dreg:$0x1] =	wrdreg $0xFFFFFFFF  }
0xa7: {  	s28 =	simm.s32 $_size_execute0_lowered;
	s3 =	sadd.s32 s3, s5;
	[dreg:$0x0] =	wrdreg $0x0  }
0xa8: {  	s5 =	sshll.u32 s28, $0x1;
	[dreg:$0x2] =	wrdreg s3  }
0xa9: {  	[dreg:$0x3] =	wrdreg s5  }
0xaa: {  	[dreg:$0x4] =	wrdreg $0xC0  }
0xab: {  	_ =	task [dreg:s7], $0x5FFFF  }
0xac: {  	[dreg:$0x1] =	wrdreg $0xFFFFFFFF  }
0xad: {  	[dreg:$0x0] =	wrdreg $0x60  }
0xae: {  	[dreg:$0x2] =	wrdreg s24  }
0xaf: {  	[dreg:$0x3] =	wrdreg s2  }
0xb0: {  	[dreg:$0x4] =	wrdreg $0x5B400  }
0xb1: {  	[dreg:$0x5] =	wrdreg $0x9  }
0xb2: {  	_ =	task.clear_ibuf [dreg:s7], $0x6FFFF;
	_ =	strace $0x9000004C  }
0xb3: {  	s29 =	simm.s32 $0x9;
	_ =	strace $0x8000004E  }
0xb4: {  	_ =	swait.ge [sflag:s29], $0x1  }
0xb5: {  	[sflag:s29] =	ssyncadd.s32 $0xFFFFFFFF  }
0xb6: {  	_ =	strace $0x9000004E  }
0xb7: {  	_ =	sfence  }
0xb8: {  	s30 =	sld [smem:$0x0];
	_ =	sdelay $0x2  }
0xb9: {  	s31 =	sshll.u32 s1, $0xD;
	s1 =	sshrl.u32 s1, $0x2  }
0xba: {  	s3 =	sand.u32 $0x4000, s31;
	s1 =	sadd.s32 s1, s30  }
0xbb: {  	s0 =	sor.u32 s3, s0;
	s1 =	sshll.u32 s1, $0x11  }
0xbc: {  	s0 =	sor.u32 s1, s0  }
0xbd: {  	s0 =	sadd.s32 $0x8F2B, s0  }
0xbe: {  	[sflag:s0] =	ssyncadd.remote.s32 $0x1  }
0xbf: {  	_ =	sfence.sel $0xFFFF  }
0xc0: {  	[dreg:$0x0] =	wrdreg $0xFFFFFFFF;
	(pc) =	sbr.abs _section_cstart, $3  }
0xc1: {  	[dreg:$0x1] =	wrdreg $0xFFFFFFFF  }
0xc2: {  	_ =	task.clear_ibuf [dreg:s7], $0x2FFFF;
	_ =	strace $0x9FFFFFFF  }
0xc3: {  	(tm) =	ssettm $0x7FFFFFFF  }
tec
execute0_lowered:
.L_overlay_start_1:
0x0: {  	(tag) =	ssettag $0x1  }
0x1: {  	s0 =	srdreg.scid  }
0x2: {  	s1 =	rddreg [dreg:$0x0];
	s11 =	stileid.u32  }
0x3: {  	s5 =	rddreg [dreg:$0x1];
	s19 =	simm.s32 $0x9;
	s21 =	simm.s32 $0x5140  }
0x4: {  	s22 =	simm.s32 $0x64;
	s29 =	simm.s32 $0xFDC0;
	s31 =	simm.s32 $0x11D00  }
0x5: {  	s20 =	simm.s32 $0x3;
	s28 =	simm.s32 $0x5;
	s30 =	simm.s32 $0x6  }
0x6: {  	s0 =	sand.u32 $0x1, s0;
	s8 =	smul.u32 $0x6400, s11;
	s4 =	sadd.s32 $0x10800, s1  }
0x7: {  	s2 =	sshll.u32 s0, $0x4;
	s7 =	smul.u32 $0x64000, s0;
	s0 =	ssub.s32 $0x2, s0  }
0x8: {  	s3 =	sor.u32 s11, s2;
	s2 =	rddreg [dreg:$0x2];
	s11 =	smul.u32 $0x19000, s11  }
0x9: {  	s10 =	sshrl.u32 s0, $0x1;
	s6 =	smul.u32 $0x514, s3;
	s3 =	simm.s32 $0x0  }
0xa: {  	s7 =	sadd.s32 s8, s7;
	s0 =	ssub.s32 s0, s10;
	s25 =	sadd.s32 s8, s2  }
0xb: {  	[smem:$0x7FF] =	sst s3;
	s7 =	sshrl.u32 s7, $0x3;
	s24 =	sshrl.u32 s11, $0x2  }
0xc: {  	s0 =	smax.u32 s0, $0x1;
	s25 =	sshrl.u32 s25, $0x3;
	_ =	strace $0x8000004D  }
0xd: {  	s9 =	sadd.s32 s6, s1;
	s1 =	sadd.s32 s7, s1;
	s5 =	sadd.s32 s5, s6  }
0xe: {  	[dreg:$0x7] =	wrdreg s0;
	s0 =	simm.s32 $0x2;
	s6 =	simm.s32 $0x8  }
0xf: {  	[dreg:$0x4] =	wrdreg s5;
	s23 =	sadd.s32 $0x6400, s9;
	s1 =	sadd.s32 $0x29000, s1  }
0x10: {  	s9 =	sadd.s32 s24, s2;
	s24 =	simm.s32 $0x4;
	[dreg:$0x5] =	wrdreg s23  }
0x11: {  	s5 =	simm.s32 $0x7;
	[dreg:$0x6] =	wrdreg s1;
	s26 =	sadd.s32 $0xA00, s9  }
0x12: {  	s11 =	sadd.s32 $0x1400, s9;
	s12 =	sadd.s32 $0x1E00, s9;
	s13 =	sadd.s32 $0x2800, s9  }
0x13: {  	s14 =	sadd.s32 $0x3200, s9;
	s15 =	sadd.s32 $0x3C00, s9;
	s16 =	sadd.s32 $0x4600, s9  }
0x14: {  	s17 =	sadd.s32 $0x5000, s9;
	s18 =	sadd.s32 $0x5A00, s9;
	s23 =	simm.s32 $0xBF40  }
0x15: {  	v0 =	vimm.f32 $0.0e+00;
	s1 =	simm.s32 $0x1;
	[dreg:$0x8] =	wrdreg s26;
	s26 =	simm.s32 $0xDE80  }
.LBB2_1:
0x16: {  	s8 =	simm.s32 $0x240;
	s7 =	simm.s32 $0x40  }
.LBB2_2:
0x17: {  	p0 =	sne.s32 s8, $0x27C0;
	[tilespmem:s7+$0x5140] =	vst v0;
	s10 =	smov.u32 s8;
	s8 =	sadd.s32 $0x140, s8  }
.Ltmp0:
0x18: {  	[tilespmem:s7+$0x5130] =	vst v0;
	(pc) =	sbr.rel @p0 .LBB2_2-.Ltmp0, $4  }
0x19: {  	[tilespmem:s7+$0x5120] =	vst v0  }
0x1a: {  	[tilespmem:s7+$0x5100] =	vst v0  }
0x1b: {  	[tilespmem:s7+$0x5110] =	vst v0  }
0x1c: {  	s7 =	sshra.s32 s10, $0x2  }
0x1d: {  	[tilespmem:s7+$0x5140] =	vst v0  }
0x1e: {  	[tilespmem:s7+$0x5130] =	vst v0  }
0x1f: {  	[tilespmem:s7+$0x5120] =	vst v0  }
0x20: {  	[tilespmem:s7+$0x5100] =	vst v0  }
0x21: {  	[tilespmem:s7+$0x5110] =	vst v0;
	s7 =	simm.s32 $0x0;
	s8 =	rddreg [dreg:$0x4]  }
0x22: {  	[tilespmem:s7], [sflag:$0x9] =	stream.linear.gather [hbm4b:s8+s7], $0x28A0, $0x38;
	[tilespmem:$0x13C40] =	vst v63  }
0x23: {  	_ =	swait.ge [sflag:s19], $0x28A0  }
0x24: {  	[sflag:s19] =	ssyncset.done $0x0  }
0x25: {  	s10 =	simm.s32 $0x28A0;
	s8 =	rddreg [dreg:$0x5];
	[sflag:s19] =	ssyncadd.s32 $0xFFFFD760  }
0x26: {  	[tilespmem:s10], [sflag:$0x9] =	stream.linear.gather [hbm4b:s8+s7], $0x28A0, $0x38;
	[tilespmem:$0x13C40] =	vst v63  }
0x27: {  	_ =	swait.ge [sflag:s19], $0x28A0  }
0x28: {  	[sflag:s19] =	ssyncset.done $0x0  }
0x29: {  	[sflag:s19] =	ssyncadd.s32 $0xFFFFD760  }
0x2a: {  	[spmem:s9] =	stream.linear.scatter [tilespmem:s21], [sflag:$0x9], $0xA00, $0x38;
	[tilespmem:$0x13C40] =	vst v63  }
0x2b: {  	_ =	swait.ge [sflag:s19], $0xA00  }
0x2c: {  	[sflag:s19] =	ssyncset.done $0x0  }
0x2d: {  	s10 =	rddreg [dreg:$0x8];
	[sflag:s19] =	ssyncadd.s32 $0xFFFFF600  }
0x2e: {  	[spmem:s10] =	stream.linear.scatter [tilespmem:s21], [sflag:$0x9], $0xA00, $0x38;
	[tilespmem:$0x13C40] =	vst v63  }
0x2f: {  	_ =	swait.ge [sflag:s19], $0xA00  }
0x30: {  	[sflag:s19] =	ssyncset.done $0x0  }
0x31: {  	[sflag:s19] =	ssyncadd.s32 $0xFFFFF600  }
0x32: {  	[spmem:s11] =	stream.linear.scatter [tilespmem:s21], [sflag:$0x9], $0xA00, $0x38;
	[tilespmem:$0x13C40] =	vst v63  }
0x33: {  	_ =	swait.ge [sflag:s19], $0xA00  }
0x34: {  	[sflag:s19] =	ssyncset.done $0x0  }
0x35: {  	[sflag:s19] =	ssyncadd.s32 $0xFFFFF600  }
0x36: {  	[spmem:s12] =	stream.linear.scatter [tilespmem:s21], [sflag:$0x9], $0xA00, $0x38;
	[tilespmem:$0x13C40] =	vst v63  }
0x37: {  	_ =	swait.ge [sflag:s19], $0xA00  }
0x38: {  	[sflag:s19] =	ssyncset.done $0x0  }
0x39: {  	[sflag:s19] =	ssyncadd.s32 $0xFFFFF600  }
0x3a: {  	[spmem:s13] =	stream.linear.scatter [tilespmem:s21], [sflag:$0x9], $0xA00, $0x38;
	[tilespmem:$0x13C40] =	vst v63  }
0x3b: {  	_ =	swait.ge [sflag:s19], $0xA00  }
0x3c: {  	[sflag:s19] =	ssyncset.done $0x0  }
0x3d: {  	[sflag:s19] =	ssyncadd.s32 $0xFFFFF600  }
0x3e: {  	[spmem:s14] =	stream.linear.scatter [tilespmem:s21], [sflag:$0x9], $0xA00, $0x38;
	[tilespmem:$0x13C40] =	vst v63  }
0x3f: {  	_ =	swait.ge [sflag:s19], $0xA00  }
0x40: {  	[sflag:s19] =	ssyncset.done $0x0  }
0x41: {  	[sflag:s19] =	ssyncadd.s32 $0xFFFFF600  }
0x42: {  	[spmem:s15] =	stream.linear.scatter [tilespmem:s21], [sflag:$0x9], $0xA00, $0x38;
	[tilespmem:$0x13C40] =	vst v63  }
0x43: {  	_ =	swait.ge [sflag:s19], $0xA00  }
0x44: {  	[sflag:s19] =	ssyncset.done $0x0  }
0x45: {  	[sflag:s19] =	ssyncadd.s32 $0xFFFFF600  }
0x46: {  	[spmem:s16] =	stream.linear.scatter [tilespmem:s21], [sflag:$0x9], $0xA00, $0x38;
	[tilespmem:$0x13C40] =	vst v63  }
0x47: {  	_ =	swait.ge [sflag:s19], $0xA00  }
0x48: {  	[sflag:s19] =	ssyncset.done $0x0  }
0x49: {  	[sflag:s19] =	ssyncadd.s32 $0xFFFFF600  }
0x4a: {  	[spmem:s17] =	stream.linear.scatter [tilespmem:s21], [sflag:$0x9], $0xA00, $0x38;
	[tilespmem:$0x13C40] =	vst v63  }
0x4b: {  	_ =	swait.ge [sflag:s19], $0xA00  }
0x4c: {  	[sflag:s19] =	ssyncset.done $0x0  }
0x4d: {  	[sflag:s19] =	ssyncadd.s32 $0xFFFFF600  }
0x4e: {  	[spmem:s18] =	stream.linear.scatter [tilespmem:s21], [sflag:$0x9], $0xA00, $0x38;
	[tilespmem:$0x13C40] =	vst v63  }
0x4f: {  	_ =	swait.ge [sflag:s19], $0xA00  }
0x50: {  	[sflag:s19] =	ssyncset.done $0x0  }
0x51: {  	[sflag:s19] =	ssyncadd.s32 $0xFFFFF600  }
0x52: {  	[bflag:$0x0] =	sbarrier.arrive $0xFFFF  }
0x53: {  	[tilespmem:s23], [sflag:$0x1] =	stream.indirect.gather [hbm4b:s4+s22], $0x50, s7, s22, $0xb8;
	[tilespmem:$0x13C40] =	vst v63  }
0x54: {  	s8 =	simm.s32 $0x68  }
0x55: {  	[tilespmem:s26], [sflag:$0x2] =	stream.indirect.gather [hbm4b:s4+s22], $0x50, s8, s22, $0xb8;
	[tilespmem:$0x13C40] =	vst v63  }
0x56: {  	s10 =	simm.s32 $0xD0  }
0x57: {  	[tilespmem:s29], [sflag:$0x3] =	stream.indirect.gather [hbm4b:s4+s22], $0x50, s10, s22, $0xb8;
	[tilespmem:$0x13C40] =	vst v63  }
0x58: {  	s8 =	simm.s32 $0x138  }
0x59: {  	[tilespmem:s31], [sflag:$0x4] =	stream.indirect.gather [hbm4b:s4+s22], $0x50, s8, s22, $0xb8;
	[tilespmem:$0x13C40] =	vst v63  }
0x5a: {  	_ =	swait.ge [sflag:s1], $0x1F40  }
0x5b: {  	[sflag:s1] =	ssyncset.done $0x0  }
0x5c: {  	s10 =	simm.s32 $0x28A0;
	[sflag:s1] =	ssyncadd.s32 $0xFFFFE0C0  }
0x5d: {  	[spmem:s2] =	stream.indirect.scatter.add.f32 [tilespmem:s23], [sflag:$0x5], $0x50, s10, s22, $0xb8;
	[tilespmem:$0x13C40] =	vst v63  }
0x5e: {  	_ =	swait.ge [sflag:s0], $0x1F40  }
0x5f: {  	[sflag:s0] =	ssyncset.done $0x0  }
0x60: {  	s8 =	simm.s32 $0x2908;
	[sflag:s0] =	ssyncadd.s32 $0xFFFFE0C0  }
0x61: {  	[spmem:s2] =	stream.indirect.scatter.add.f32 [tilespmem:s26], [sflag:$0x6], $0x50, s8, s22, $0xb8;
	[tilespmem:$0x13C40] =	vst v63  }
0x62: {  	_ =	swait.ge [sflag:s20], $0x1F40  }
0x63: {  	[sflag:s20] =	ssyncset.done $0x0  }
0x64: {  	s10 =	simm.s32 $0x2970;
	[sflag:s20] =	ssyncadd.s32 $0xFFFFE0C0  }
0x65: {  	[spmem:s2] =	stream.indirect.scatter.add.f32 [tilespmem:s29], [sflag:$0x7], $0x50, s10, s22, $0xb8;
	[tilespmem:$0x13C40] =	vst v63  }
0x66: {  	_ =	swait.ge [sflag:s24], $0x1F40  }
0x67: {  	[sflag:s24] =	ssyncset.done $0x0  }
0x68: {  	s8 =	simm.s32 $0x29D8;
	[sflag:s24] =	ssyncadd.s32 $0xFFFFE0C0  }
0x69: {  	[spmem:s2] =	stream.indirect.scatter.add.f32 [tilespmem:s31], [sflag:$0x8], $0x50, s8, s22, $0xb8;
	[tilespmem:$0x13C40] =	vst v63  }
0x6a: {  	_ =	swait.ge [sflag:s28], $0x1F40  }
0x6b: {  	[sflag:s28] =	ssyncset.done $0x0  }
0x6c: {  	s10 =	simm.s32 $0x1A0;
	[sflag:s28] =	ssyncadd.s32 $0xFFFFE0C0  }
0x6d: {  	[tilespmem:s23], [sflag:$0x1] =	stream.indirect.gather [hbm4b:s4+s22], $0x50, s10, s22, $0xb8;
	[tilespmem:$0x13C40] =	vst v63  }
0x6e: {  	_ =	swait.ge [sflag:s30], $0x1F40  }
0x6f: {  	[sflag:s30] =	ssyncset.done $0x0  }
0x70: {  	s8 =	simm.s32 $0x208;
	[sflag:s30] =	ssyncadd.s32 $0xFFFFE0C0  }
0x71: {  	[tilespmem:s26], [sflag:$0x2] =	stream.indirect.gather [hbm4b:s4+s22], $0x50, s8, s22, $0xb8;
	[tilespmem:$0x13C40] =	vst v63  }
0x72: {  	_ =	swait.ge [sflag:s5], $0x1F40  }
0x73: {  	[sflag:s5] =	ssyncset.done $0x0  }
0x74: {  	s10 =	simm.s32 $0x270;
	[sflag:s5] =	ssyncadd.s32 $0xFFFFE0C0  }
0x75: {  	[tilespmem:s29], [sflag:$0x3] =	stream.indirect.gather [hbm4b:s4+s22], $0x50, s10, s22, $0xb8;
	[tilespmem:$0x13C40] =	vst v63  }
0x76: {  	_ =	swait.ge [sflag:s6], $0x1F40  }
0x77: {  	[sflag:s6] =	ssyncset.done $0x0  }
0x78: {  	s7 =	simm.s32 $0x680;
	s8 =	simm.s32 $0x2D8;
	[sflag:s6] =	ssyncadd.s32 $0xFFFFE0C0  }
.LBB2_4:
0x79: {  	[tilespmem:s31], [sflag:$0x4] =	stream.indirect.gather [hbm4b:s4+s22], $0x50, s8, s22, $0xb8;
	[tilespmem:$0x13C40] =	vst v63  }
0x7a: {  	s8 =	smov.u32 s7  }
0x7b: {  	p0 =	sne.s32 s7, $0x9580;
	s7 =	sadd.s32 $0x680, s7;
	_ =	swait.ge [sflag:s1], $0x1F40  }
0x7c: {  	s8 =	sshra.s32 s8, $0x2;
	[sflag:s1] =	ssyncset.done $0x0  }
0x7d: {  	s10 =	sadd.s32 $0x28A0, s8;
	[sflag:s1] =	ssyncadd.s32 $0xFFFFE0C0  }
0x7e: {  	[spmem:s2] =	stream.indirect.scatter.add.f32 [tilespmem:s23], [sflag:$0x5], $0x50, s10, s22, $0xb8;
	[tilespmem:$0x13C40] =	vst v63  }
0x7f: {  	_ =	swait.ge [sflag:s0], $0x1F40  }
0x80: {  	[sflag:s0] =	ssyncset.done $0x0  }
0x81: {  	s10 =	sadd.s32 $0x2908, s8;
	[sflag:s0] =	ssyncadd.s32 $0xFFFFE0C0  }
0x82: {  	[spmem:s2] =	stream.indirect.scatter.add.f32 [tilespmem:s26], [sflag:$0x6], $0x50, s10, s22, $0xb8;
	[tilespmem:$0x13C40] =	vst v63  }
0x83: {  	_ =	swait.ge [sflag:s20], $0x1F40  }
0x84: {  	[sflag:s20] =	ssyncset.done $0x0  }
0x85: {  	s10 =	sadd.s32 $0x2970, s8;
	[sflag:s20] =	ssyncadd.s32 $0xFFFFE0C0  }
0x86: {  	[spmem:s2] =	stream.indirect.scatter.add.f32 [tilespmem:s29], [sflag:$0x7], $0x50, s10, s22, $0xb8;
	[tilespmem:$0x13C40] =	vst v63  }
0x87: {  	_ =	swait.ge [sflag:s24], $0x1F40  }
0x88: {  	[sflag:s24] =	ssyncset.done $0x0  }
0x89: {  	s10 =	sadd.s32 $0x29D8, s8;
	[sflag:s24] =	ssyncadd.s32 $0xFFFFE0C0  }
0x8a: {  	[spmem:s2] =	stream.indirect.scatter.add.f32 [tilespmem:s31], [sflag:$0x8], $0x50, s10, s22, $0xb8;
	[tilespmem:$0x13C40] =	vst v63  }
0x8b: {  	_ =	swait.ge [sflag:s28], $0x1F40  }
0x8c: {  	[sflag:s28] =	ssyncset.done $0x0  }
0x8d: {  	s10 =	sadd.s32 $0x1A0, s8;
	[sflag:s28] =	ssyncadd.s32 $0xFFFFE0C0  }
0x8e: {  	[tilespmem:s23], [sflag:$0x1] =	stream.indirect.gather [hbm4b:s4+s22], $0x50, s10, s22, $0xb8;
	[tilespmem:$0x13C40] =	vst v63  }
0x8f: {  	_ =	swait.ge [sflag:s30], $0x1F40  }
0x90: {  	[sflag:s30] =	ssyncset.done $0x0  }
0x91: {  	s10 =	sadd.s32 $0x208, s8;
	[sflag:s30] =	ssyncadd.s32 $0xFFFFE0C0  }
0x92: {  	[tilespmem:s26], [sflag:$0x2] =	stream.indirect.gather [hbm4b:s4+s22], $0x50, s10, s22, $0xb8;
	[tilespmem:$0x13C40] =	vst v63  }
0x93: {  	_ =	swait.ge [sflag:s5], $0x1F40  }
0x94: {  	[sflag:s5] =	ssyncset.done $0x0  }
.Ltmp1:
0x95: {  	s10 =	sadd.s32 $0x270, s8;
	[sflag:s5] =	ssyncadd.s32 $0xFFFFE0C0;
	(pc) =	sbr.rel @p0 .LBB2_4-.Ltmp1, $4  }
0x96: {  	[tilespmem:s29], [sflag:$0x3] =	stream.indirect.gather [hbm4b:s4+s22], $0x50, s10, s22, $0xb8;
	[tilespmem:$0x13C40] =	vst v63  }
0x97: {  	_ =	swait.ge [sflag:s6], $0x1F40  }
0x98: {  	[sflag:s6] =	ssyncset.done $0x0  }
0x99: {  	s8 =	sadd.s32 $0x2D8, s8;
	[sflag:s6] =	ssyncadd.s32 $0xFFFFE0C0  }
0x9a: {  	[tilespmem:s31], [sflag:$0x4] =	stream.indirect.gather [hbm4b:s4+s22], $0x50, s8, s22, $0xb8;
	[tilespmem:$0x13C40] =	vst v63  }
0x9b: {  	_ =	swait.ge [sflag:s1], $0x1F40  }
0x9c: {  	[sflag:s1] =	ssyncset.done $0x0  }
0x9d: {  	s7 =	simm.s32 $0x4FA0;
	[sflag:s1] =	ssyncadd.s32 $0xFFFFE0C0  }
0x9e: {  	[spmem:s2] =	stream.indirect.scatter.add.f32 [tilespmem:s23], [sflag:$0x5], $0x50, s7, s22, $0xb8;
	[tilespmem:$0x13C40] =	vst v63  }
0x9f: {  	_ =	swait.ge [sflag:s0], $0x1F40  }
0xa0: {  	[sflag:s0] =	ssyncset.done $0x0  }
0xa1: {  	s10 =	simm.s32 $0x5008;
	[sflag:s0] =	ssyncadd.s32 $0xFFFFE0C0  }
0xa2: {  	[spmem:s2] =	stream.indirect.scatter.add.f32 [tilespmem:s26], [sflag:$0x6], $0x50, s10, s22, $0xb8;
	[tilespmem:$0x13C40] =	vst v63  }
0xa3: {  	_ =	swait.ge [sflag:s20], $0x1F40  }
0xa4: {  	[sflag:s20] =	ssyncset.done $0x0  }
0xa5: {  	s8 =	simm.s32 $0x5070;
	[sflag:s20] =	ssyncadd.s32 $0xFFFFE0C0  }
0xa6: {  	[spmem:s2] =	stream.indirect.scatter.add.f32 [tilespmem:s29], [sflag:$0x7], $0x50, s8, s22, $0xb8;
	[tilespmem:$0x13C40] =	vst v63  }
0xa7: {  	_ =	swait.ge [sflag:s24], $0x1F40  }
0xa8: {  	[sflag:s24] =	ssyncset.done $0x0  }
0xa9: {  	s10 =	simm.s32 $0x50D8;
	[sflag:s24] =	ssyncadd.s32 $0xFFFFE0C0  }
0xaa: {  	[spmem:s2] =	stream.indirect.scatter.add.f32 [tilespmem:s31], [sflag:$0x8], $0x50, s10, s22, $0xb8;
	[tilespmem:$0x13C40] =	vst v63  }
0xab: {  	_ =	swait.ge [sflag:s28], $0x1F40  }
0xac: {  	[sflag:s28] =	ssyncset.done $0x0  }
0xad: {  	[sflag:s28] =	ssyncadd.s32 $0xFFFFE0C0  }
0xae: {  	_ =	swait.ge [sflag:s30], $0x1F40  }
0xaf: {  	[sflag:s30] =	ssyncset.done $0x0  }
0xb0: {  	[sflag:s30] =	ssyncadd.s32 $0xFFFFE0C0  }
0xb1: {  	_ =	swait.ge [sflag:s5], $0x1F40  }
0xb2: {  	[sflag:s5] =	ssyncset.done $0x0  }
0xb3: {  	[sflag:s5] =	ssyncadd.s32 $0xFFFFE0C0  }
0xb4: {  	_ =	swait.ge [sflag:s6], $0x1F40  }
0xb5: {  	[sflag:s6] =	ssyncset.done $0x0  }
0xb6: {  	s8 =	stileid.u32;
	[sflag:s6] =	ssyncadd.s32 $0xFFFFE0C0  }
0xb7: {  	s7 =	sshll.u32 s8, $0x6;
	[bflag:$0x0] =	sbarrier.arrive $0xFFFF  }
0xb8: {  	s7 =	sor.u32 $0x1C09, s7;
	s10 =	rddreg [dreg:$0x6]  }
0xb9: {  	[hbm:s10], [sflag:s7] =	dma.local [spmem:s25], $0xC80  }
0xba: {  	_ =	swait.ge [sflag:s19], $0xC80  }
0xbb: {  	s3 =	sadd.s32 $0x1, s3;
	s10 =	rddreg [dreg:$0x7]  }
0xbc: {  	p0 =	sne.s32 s3, s10  }
.Ltmp2:
0xbd: {  	_ = 	snop;
	(pc) =	sbr.rel @p0 .LBB2_1-.Ltmp2, $3  }
0xbe: {  	_ =	sdelay $0x1  }
0xbf: {  	[sflag:s19] =	ssyncset.done $0x0  }
0xc0: {  	[sflag:s19] =	ssyncadd.s32 $0xFFFFF380  }
0xc1: {  	_ =	sfence.sel $0x180000  }
0xc2: {  	[bflag:$0x0] =	sbarrier.arrive $0xFFFF  }
0xc3: {  	_ =	strace $0x9000004D  }
0xc4: {  	s0 =	stileid.u32;
	[bflag:$0x2] =	sbarrier.arrive $0xFFFF  }
0xc5: {  	p0 =	sne.s32 s0, $0x0;
	s0 =	rddreg [dreg:$0x3]  }
0xc6: {  	s0 =	sadd.s32 @!p0 $0x100000, s0  }
0xc7: {  	[sflag:s0] =	ssyncadd.tile.s32 @!p0 $0x1;
	_ =	shalt  }
.Lfunc_end2:
_tile_overlayer_lowered:
.L_overlay_start_2:
0xc8: {  	(tag) =	ssettag $0x2  }
0xc9: {  	s0 =	rddreg [dreg:$0x0];
	s2 =	stileid.u32  }
0xca: {  	s1 =	rddreg [dreg:$0x1];
	p0 =	sne.s32 s2, $0x0  }
0xcb: {  	s3 =	rddreg [dreg:$0x2];
	[bflag:$0x3] =	sbarrier.arrive $0xFFFF;
	s2 =	simm.s32 @!p0 $0x1C09  }
0xcc: {  	[timem:s3], [sflag:s2] =	dma.local @!p0 [hbm:s0], s1  }
0xcd: {  	s0 =	simm.s32 @!p0 $0x9  }
0xce: {  	_ =	swait.ge @!p0 [sflag:s0], s1  }
0xcf: {  	s1 =	ssub.s32 @!p0 $0x0, s1;
	[sflag:s0] =	ssyncset.done @!p0 $0x0  }
0xd0: {  	[sflag:s0] =	ssyncadd.s32 @!p0 s1  }
0xd1: {  	[bflag:$0x3] =	sbarrier.arrive $0xFFFF  }
0xd2: {  	_ =	shalt  }

// kernel: kernel.20.cloned.1.call-start
scs
__scs_entry_jumppad:
0x0: {  	(pc) =	sbr.rel $0x88, $3  }
0x1: {  	(tag) =	ssettag $0x0;
	lr =	simm.s32 $0x1  }
0x2: {  	[smem:$0x3F7E] =	sst lr;
	_ =	strace $0xD0000000  }
0x3: {  	_ = 	snop  }
0x4: {  	_ = 	snop  }
0x5: {  	_ = 	snop  }
0x6: {  	_ = 	snop  }
0x7: {  	_ = 	snop  }
__scs_overlays_trampoline_lowered:
0x8: {  	[smem:$0x3F8D] =	sst s0  }
0x9: {  	[smem:$0x3F8E] =	sst s1  }
0xa: {  	[smem:$0x3F8F] =	sst s2  }
0xb: {  	[smem:$0x3F90] =	sst s3  }
0xc: {  	[smem:$0x3F91] =	sst s4  }
0xd: {  	[smem:$0x3F92] =	sst s5  }
0xe: {  	[smem:$0x3F93] =	sst s6  }
0xf: {  	[smem:$0x3F94] =	sst s7  }
0x10: {  	[smem:$0x3F95] =	sst s8  }
0x11: {  	[smem:$0x3F96] =	sst s9;
	s0 =	simm.s32 @!p0 $0x0  }
0x12: {  	s1 =	sld [smem:$0x3F7C];
	s0 =	simm.s32 @p0 $0x1  }
0x13: {  	[smem:$0x3F97] =	sst s0;
	s0 =	simm.s32 @!p1 $0x0  }
0x14: {  	s2 =	sld [smem:$0x3F7B];
	s0 =	simm.s32 @p1 $0x1  }
0x15: {  	[smem:$0x3F98] =	sst s0;
	s0 =	simm.s32 @!p2 $0x0  }
0x16: {  	s3 =	sld [smem:$0x3FDB];
	s0 =	simm.s32 @p2 $0x1  }
0x17: {  	s4 =	simm.s32 $0x1BF5;
	[smem:$0x3F9A] =	sst s0  }
0x18: {  	s0 =	sld [smem:$0x3F7D];
	_ =	swait.ge [sflag:s4], $0x0  }
0x19: {  	s7 =	sld [smem:$0x3F7E]  }
0x1a: {  	s8 =	sadd.s32 $0xFFFFE003, lr  }
0x1b: {  	s9 =	sadd.s32 $0xFFFFFEF7, lr;
	s5 =	simm.s32 $0xFFFFFFFF;
	p2 =	slt.u32 s8, $0xFFFFF086  }
0x1c: {  	p1 =	slt.u32 s9, $0xF7A;
	s5 =	simm.s32 @!p2 $0x0  }
0x1d: {  	s5 =	simm.s32 @p1 $0x1;
	p0 =	seq.s32 s7, s2  }
0x1e: {  	s7 =	smul.u32 @!p0 $0xF7A, s2;
	p2 =	seq.s32 @!p0 s5, $0x0  }
0x1f: {  	s9 =	smul.u32 $0xF7A, s1;
	s8 =	simm.s32 @!p0 $0x1BF5;
	p2 =	por !p2, p0  }
0x20: {  	[sflag:s8] =	ssyncset.s32 @!p0 $0xFFFFF086;
	s6 =	sadd.s32 @!p0 s3, s7;
	s7 =	simm.s32 @!p0 $0x108  }
0x21: {  	s3 =	sadd.s32 s3, s9;
	s6 =	sadd.s32 @!p0 $0x88, s6;
	s7 =	simm.s32 @p2 $0x1082  }
0x22: {  	[simem:s7], [sflag:s8] =	dma.local @!p0 [hbm:s6], $0xF7A  }
0x23: {  	s9 =	sor.u32 $0xD0000000, s2;
	s6 =	simm.s32 $0x108;
	_ =	swait.ge @!p0 [sflag:s8], $0x0  }
0x24: {  	s3 =	sadd.s32 $0x88, s3;
	s6 =	simm.s32 @!p1 $0x1082;
	[sflag:s4] =	ssyncset.s32 $0xFFFFF086  }
0x25: {  	[simem:s6], [sflag:s4] =	dma.local [hbm:s3], $0xF7A  }
0x26: {  	[smem:$0x3F7E] =	sst s1;
	(tag) =	ssettag s2;
	_ =	strace s9  }
0x27: {  	s1 =	sld [smem:$0x3F8E]  }
0x28: {  	s2 =	sld [smem:$0x3F8F]  }
0x29: {  	s4 =	sld [smem:$0x3F91]  }
0x2a: {  	p0 =	seq.s32 s5, $0x0;
	s5 =	sld [smem:$0x3F92]  }
0x2b: {  	s6 =	sld [smem:$0x3F93]  }
0x2c: {  	s7 =	sld [smem:$0x3F94]  }
0x2d: {  	s3 =	simm.s32 $0x108;
	s8 =	sld [smem:$0x3F95]  }
0x2e: {  	s3 =	simm.s32 @!p0 $0x1082;
	s9 =	sld [smem:$0x3F96]  }
0x2f: {  	lr =	sadd.s32 s0, s3;
	s0 =	sld [smem:$0x3F8D]  }
0x30: {  	s3 =	sld [smem:$0x3F90]  }
0x31: {  	[smem:$0x3F99] =	sst s10  }
0x32: {  	s10 =	sld [smem:$0x3F97];
	_ =	sdelay $0x3  }
0x33: {  	p0 =	seq.s32 s10, $0x1;
	s10 =	sld [smem:$0x3F99];
	_ =	sdelay $0x3  }
0x34: {  	[smem:$0x3F99] =	sst s10  }
0x35: {  	s10 =	sld [smem:$0x3F98];
	_ =	sdelay $0x3  }
0x36: {  	p1 =	seq.s32 s10, $0x1;
	s10 =	sld [smem:$0x3F99];
	_ =	sdelay $0x3  }
0x37: {  	[smem:$0x3F99] =	sst s10  }
0x38: {  	s10 =	sld [smem:$0x3F9A]  }
0x39: {  	_ = 	snop;
	(pc) =	sbr.ind lr, $3  }
0x3a: {  	_ = 	snop  }
0x3b: {  	_ = 	snop  }
0x3c: {  	p2 =	seq.s32 s10, $0x1;
	s10 =	sld [smem:$0x3F99]  }
0x3d: {  	_ =	shalt  }
0x3e: {  	_ =	shalt  }
0x3f: {  	_ =	shalt  }
0x40: {  	_ =	shalt  }
0x41: {  	_ =	shalt  }
0x42: {  	_ =	shalt  }
0x43: {  	_ =	shalt  }
0x44: {  	_ =	shalt  }
0x45: {  	_ =	shalt  }
0x46: {  	_ =	shalt  }
0x47: {  	_ =	shalt  }
0x48: {  	_ =	shalt  }
0x49: {  	_ =	shalt  }
0x4a: {  	_ =	shalt  }
0x4b: {  	_ =	shalt  }
0x4c: {  	_ =	shalt  }
0x4d: {  	_ =	shalt  }
0x4e: {  	_ =	shalt  }
0x4f: {  	_ =	shalt  }
0x50: {  	_ =	shalt  }
0x51: {  	_ =	shalt  }
0x52: {  	_ =	shalt  }
0x53: {  	_ =	shalt  }
0x54: {  	_ =	shalt  }
0x55: {  	_ =	shalt  }
0x56: {  	_ =	shalt  }
0x57: {  	_ =	shalt  }
0x58: {  	_ =	shalt  }
0x59: {  	_ =	shalt  }
0x5a: {  	_ =	shalt  }
0x5b: {  	_ =	shalt  }
0x5c: {  	_ =	shalt  }
0x5d: {  	_ =	shalt  }
0x5e: {  	_ =	shalt  }
0x5f: {  	_ =	shalt  }
0x60: {  	_ =	shalt  }
0x61: {  	_ =	shalt  }
0x62: {  	_ =	shalt  }
0x63: {  	_ =	shalt  }
0x64: {  	_ =	shalt  }
0x65: {  	_ =	shalt  }
0x66: {  	_ =	shalt  }
0x67: {  	_ =	shalt  }
0x68: {  	_ =	shalt  }
0x69: {  	_ =	shalt  }
0x6a: {  	_ =	shalt  }
0x6b: {  	_ =	shalt  }
0x6c: {  	_ =	shalt  }
0x6d: {  	_ =	shalt  }
0x6e: {  	_ =	shalt  }
0x6f: {  	_ =	shalt  }
0x70: {  	_ =	shalt  }
0x71: {  	_ =	shalt  }
0x72: {  	_ =	shalt  }
0x73: {  	_ =	shalt  }
0x74: {  	_ =	shalt  }
0x75: {  	_ =	shalt  }
0x76: {  	_ =	shalt  }
0x77: {  	_ =	shalt  }
0x78: {  	_ =	shalt  }
0x79: {  	_ =	shalt  }
0x7a: {  	_ =	shalt  }
0x7b: {  	_ =	shalt  }
0x7c: {  	_ =	shalt  }
0x7d: {  	_ =	shalt  }
0x7e: {  	_ =	shalt  }
0x7f: {  	_ =	shalt  }
0x80: {  	_ =	shalt  }
0x81: {  	_ =	shalt  }
0x82: {  	_ =	shalt  }
0x83: {  	_ =	shalt  }
0x84: {  	_ =	shalt  }
0x85: {  	_ =	shalt  }
0x86: {  	_ =	shalt  }
0x87: {  	_ =	shalt  }
.Lfunc_end0:
.L_simem_size_0:
called_computation.3_lowered:
.L_overlay_start_0:
0x88: {  	s2 =	sld [smem:$0x3FD9]  }
0x89: {  	s3 =	sld [smem:$0x3FFE];
	_ =	sdelay $0x1  }
0x8a: {  	s1 =	srdreg.scid  }
0x8b: {  	s0 =	sand.u32 $0x1, s1  }
0x8c: {  	s16 =	sshll.u32 s0, $0xA;
	s2 =	sadd.s32 s3, s2  }
0x8d: {  	s2 =	sadd.s32 s2, s16  }
0x8e: {  	[smem:$0x3FA5] =	sst s2  }
0x8f: {  	_ = 	snop  }
0x90: {  	(tm) =	ssettm $0x1  }
0x91: {  	s17 =	sld [smem:$0x3FFB];
	_ =	sdelay $0x3  }
0x92: {  	_ =	strace s17  }
0x93: {  	s2 =	sld [smem:$0x3FFC];
	_ =	sdelay $0x3  }
0x94: {  	_ =	strace s2  }
0x95: {  	s2 =	sld [smem:$0x3FFD];
	_ =	sdelay $0x3  }
0x96: {  	_ =	strace s2  }
0x97: {  	_ =	strace $0x8FFFFFFF  }
0x98: {  	s18 =	sld [smem:$0x3FDB];
	_ =	sdelay $0x1  }
0x99: {  	s19 =	simm.s32 $_scs_section_size  }
0x9a: {  	s4 =	simm.s32 $_size__tile_overlayer_lowered;
	s5 =	simm.s32 $_tile_overlayer_lowered  }
0x9b: {  	s22 =	simm.s32 $0x1BFF;
	s21 =	sshll.u32 s5, $0x1;
	s2 =	sadd.s32 s19, s18  }
0x9c: {  	s6 =	simm.s32 $0x0;
	s20 =	sshll.u32 s4, $0x1;
	s4 =	sadd.s32 s21, s2  }
0x9d: {  	[timem:s6], [sflag:s22] =	dma.local [hbm:s4], s20  }
0x9e: {  	_ =	swait.ge [sflag:s22], s20  }
0x9f: {  	s3 =	ssub.s32 $0x0, s20;
	[sflag:s22] =	ssyncset.done $0x0  }
0xa0: {  	[sflag:s22] =	ssyncadd.s32 s3;
	_ =	sdelay $0x1  }
0xa1: {  	s23 =	simm.s32 $0x1B8B  }
0xa2: {  	_ =	swait.ge [sflag:s23], $0x1  }
0xa3: {  	[sflag:s23] =	ssyncset.done $0x0  }
0xa4: {  	s25 =	simm.s32 $0x1B8E;
	s24 =	sld [smem:$0x3FFE];
	[sflag:s23] =	ssyncadd.s32 $0xFFFFFFFF  }
0xa5: {  	s26 =	simm.s32 $execute0_lowered;
	[smem:$0x3FD2] =	sst s25  }
0xa6: {  	s4 =	sshll.u32 s26, $0x1;
	_ =	strace $0x8000004F;
	[dreg:$0x1] =	wrdreg $0xFFFFFFFF  }
0xa7: {  	s28 =	simm.s32 $_size_execute0_lowered;
	s2 =	sadd.s32 s2, s4;
	[dreg:$0x0] =	wrdreg $0x0  }
0xa8: {  	s4 =	sshll.u32 s28, $0x1;
	[dreg:$0x2] =	wrdreg s2  }
0xa9: {  	[dreg:$0x3] =	wrdreg s4  }
0xaa: {  	[dreg:$0x4] =	wrdreg $0xC0  }
0xab: {  	_ =	task [dreg:s6], $0x5FFFF  }
0xac: {  	[dreg:$0x1] =	wrdreg $0xFFFFFFFF  }
0xad: {  	[dreg:$0x0] =	wrdreg $0x60  }
0xae: {  	[dreg:$0x2] =	wrdreg s24  }
0xaf: {  	[dreg:$0x3] =	wrdreg $0x5B400  }
0xb0: {  	[dreg:$0x4] =	wrdreg $0x9  }
0xb1: {  	_ =	task.clear_ibuf [dreg:s6], $0x5FFFF;
	_ =	strace $0x9000004F  }
0xb2: {  	s29 =	simm.s32 $0x9;
	_ =	strace $0x80000051  }
0xb3: {  	_ =	swait.ge [sflag:s29], $0x1  }
0xb4: {  	[sflag:s29] =	ssyncadd.s32 $0xFFFFFFFF  }
0xb5: {  	_ =	strace $0x90000051  }
0xb6: {  	_ =	sfence  }
0xb7: {  	s30 =	sld [smem:$0x0];
	_ =	sdelay $0x2  }
0xb8: {  	s31 =	sshll.u32 s1, $0xD;
	s1 =	sshrl.u32 s1, $0x2  }
0xb9: {  	s3 =	sand.u32 $0x4000, s31;
	s1 =	sadd.s32 s1, s30  }
0xba: {  	s0 =	sor.u32 s3, s0;
	s1 =	sshll.u32 s1, $0x11  }
0xbb: {  	s0 =	sor.u32 s1, s0  }
0xbc: {  	s0 =	sadd.s32 $0x8F2B, s0  }
0xbd: {  	[sflag:s0] =	ssyncadd.remote.s32 $0x1  }
0xbe: {  	_ =	sfence.sel $0xFFFF  }
0xbf: {  	[dreg:$0x0] =	wrdreg $0xFFFFFFFF;
	(pc) =	sbr.abs _section_cstart, $3  }
0xc0: {  	[dreg:$0x1] =	wrdreg $0xFFFFFFFF  }
0xc1: {  	_ =	task.clear_ibuf [dreg:s6], $0x2FFFF;
	_ =	strace $0x9FFFFFFF  }
0xc2: {  	(tm) =	ssettm $0x7FFFFFFF  }
0xc3: {  	_ =	shalt  }
tec
execute0_lowered:
.L_overlay_start_1:
0x0: {  	(tag) =	ssettag $0x1  }
0x1: {  	s0 =	srdreg.scid;
	s5 =	rddreg [dreg:$0x0]  }
0x2: {  	s9 =	stileid.u32;
	s2 =	rddreg [dreg:$0x1]  }
0x3: {  	s3 =	simm.s32 $0x0;
	s12 =	simm.s32 $0x5140;
	s13 =	simm.s32 $0x64  }
0x4: {  	s14 =	simm.s32 $0x12340;
	s16 =	simm.s32 $0x14280;
	s18 =	simm.s32 $0x161C0  }
0x5: {  	s20 =	simm.s32 $0x18100;
	s21 =	simm.s32 $0x1;
	s22 =	simm.s32 $0x2  }
0x6: {  	s23 =	simm.s32 $0x3;
	s24 =	simm.s32 $0x4;
	s28 =	simm.s32 $0x6  }
0x7: {  	s29 =	simm.s32 $0x7;
	s30 =	simm.s32 $0x8;
	s31 =	simm.s32 $0x4FA0  }
0x8: {  	s0 =	sand.u32 $0x1, s0;
	[smem:$0x7FF] =	sst s3;
	s8 =	smul.u32 $0xC800, s9  }
0x9: {  	s4 =	sadd.s32 $0x6400, s5;
	s1 =	sshll.u32 s0, $0x4;
	s6 =	smul.u32 $0xC8000, s0  }
0xa: {  	_ =	strace $0x80000050;
	s0 =	ssub.s32 $0x2, s0;
	s1 =	sor.u32 s9, s1  }
0xb: {  	s7 =	sshrl.u32 s0, $0x1;
	s9 =	smul.u32 $0x32000, s9;
	s11 =	sadd.s32 s8, s2  }
0xc: {  	s1 =	smul.u32 $0x514, s1;
	s6 =	sadd.s32 s8, s6;
	s0 =	ssub.s32 s0, s7  }
0xd: {  	s25 =	sshrl.u32 s11, $0x3;
	s11 =	simm.s32 $0x5070;
	s6 =	sshrl.u32 s6, $0x3  }
0xe: {  	s26 =	sshrl.u32 s9, $0x2;
	s8 =	smax.u32 s0, $0x1;
	s0 =	simm.s32 $0x50D8  }
0xf: {  	s1 =	sadd.s32 s1, s5;
	s10 =	sadd.s32 s6, s5;
	s9 =	sadd.s32 s26, s2  }
0x10: {  	s26 =	simm.s32 $0x5;
	s5 =	sadd.s32 $0x69800, s1;
	s6 =	sadd.s32 $0x73C00, s1  }
0x11: {  	v0 =	vimm.f32 $0.0e+00;
	s7 =	sadd.s32 $0x12C00, s10;
	s10 =	simm.s32 $0x9;
	s1 =	simm.s32 $0x5008  }
.LBB2_1:
0x12: {  	s17 =	simm.s32 $0x240;
	s15 =	simm.s32 $0x40  }
.LBB2_2:
0x13: {  	p0 =	sne.s32 s17, $0x27C0;
	[tilespmem:s15+$0x5140] =	vst v0;
	s19 =	smov.u32 s17;
	s17 =	sadd.s32 $0x140, s17  }
.Ltmp0:
0x14: {  	[tilespmem:s15+$0x5130] =	vst v0;
	(pc) =	sbr.rel @p0 .LBB2_2-.Ltmp0, $4  }
0x15: {  	[tilespmem:s15+$0x5120] =	vst v0  }
0x16: {  	[tilespmem:s15+$0x5100] =	vst v0  }
0x17: {  	[tilespmem:s15+$0x5110] =	vst v0  }
0x18: {  	s15 =	sshra.s32 s19, $0x2  }
0x19: {  	[tilespmem:s15+$0x5140] =	vst v0  }
0x1a: {  	[tilespmem:s15+$0x5130] =	vst v0  }
0x1b: {  	[tilespmem:s15+$0x5120] =	vst v0  }
0x1c: {  	[tilespmem:s15+$0x5100] =	vst v0  }
0x1d: {  	[tilespmem:s15+$0x5110] =	vst v0;
	s19 =	simm.s32 $0x0  }
0x1e: {  	[tilespmem:s19], [sflag:$0x9] =	stream.linear.gather [hbm4b:s5+s19], $0x28A0, $0x38;
	[tilespmem:$0x1A040] =	vst v63  }
0x1f: {  	_ =	swait.ge [sflag:s10], $0x28A0  }
0x20: {  	[sflag:s10] =	ssyncset.done $0x0  }
0x21: {  	s17 =	simm.s32 $0x28A0;
	[sflag:s10] =	ssyncadd.s32 $0xFFFFD760  }
0x22: {  	[tilespmem:s17], [sflag:$0x9] =	stream.linear.gather [hbm4b:s6+s19], $0x28A0, $0x38;
	[tilespmem:$0x1A040] =	vst v63  }
0x23: {  	_ =	swait.ge [sflag:s10], $0x28A0  }
0x24: {  	[sflag:s10] =	ssyncset.done $0x0  }
0x25: {  	s19 =	sadd.s32 $0x0, s9;
	[sflag:s10] =	ssyncadd.s32 $0xFFFFD760  }
0x26: {  	[spmem:s19] =	stream.linear.scatter [tilespmem:s12], [sflag:$0x9], $0xA00, $0x38;
	[tilespmem:$0x1A040] =	vst v63  }
0x27: {  	s15 =	simm.s32 $0x2800;
	_ =	swait.ge [sflag:s10], $0xA00  }
.LBB2_4:
0x28: {  	s17 =	sshra.s32 s15, $0x2;
	[sflag:s10] =	ssyncset.done $0x0;
	p0 =	sne.s32 s15, $0x2F800  }
.Ltmp1:
0x29: {  	s17 =	sadd.s32 s17, s9;
	[sflag:s10] =	ssyncadd.s32 $0xFFFFF600;
	(pc) =	sbr.rel @p0 .LBB2_4-.Ltmp1, $3  }
0x2a: {  	[spmem:s17] =	stream.linear.scatter [tilespmem:s12], [sflag:$0x9], $0xA00, $0x38;
	[tilespmem:$0x1A040] =	vst v63  }
0x2b: {  	s15 =	sadd.s32 $0x2800, s15;
	_ =	sdelay $0x1  }
0x2c: {  	_ =	swait.ge [sflag:s10], $0xA00  }
0x2d: {  	[sflag:s10] =	ssyncset.done $0x0  }
0x2e: {  	[sflag:s10] =	ssyncadd.s32 $0xFFFFF600  }
0x2f: {  	s15 =	simm.s32 $0x0;
	[bflag:$0x0] =	sbarrier.arrive $0xFFFF  }
0x30: {  	[tilespmem:s14], [sflag:$0x1] =	stream.indirect.gather [hbm4b:s4+s13], $0x50, s15, s13, $0xb8;
	[tilespmem:$0x1A040] =	vst v63  }
0x31: {  	s17 =	simm.s32 $0x68  }
0x32: {  	[tilespmem:s16], [sflag:$0x2] =	stream.indirect.gather [hbm4b:s4+s13], $0x50, s17, s13, $0xb8;
	[tilespmem:$0x1A040] =	vst v63  }
0x33: {  	s19 =	simm.s32 $0xD0  }
0x34: {  	[tilespmem:s18], [sflag:$0x3] =	stream.indirect.gather [hbm4b:s4+s13], $0x50, s19, s13, $0xb8;
	[tilespmem:$0x1A040] =	vst v63  }
0x35: {  	s17 =	simm.s32 $0x138  }
0x36: {  	[tilespmem:s20], [sflag:$0x4] =	stream.indirect.gather [hbm4b:s4+s13], $0x50, s17, s13, $0xb8;
	[tilespmem:$0x1A040] =	vst v63  }
0x37: {  	_ =	swait.ge [sflag:s21], $0x1F40  }
0x38: {  	[sflag:s21] =	ssyncset.done $0x0  }
0x39: {  	s19 =	simm.s32 $0x28A0;
	[sflag:s21] =	ssyncadd.s32 $0xFFFFE0C0  }
0x3a: {  	[spmem:s2] =	stream.indirect.scatter.add.f32 [tilespmem:s14], [sflag:$0x5], $0x50, s19, s13, $0xb8;
	[tilespmem:$0x1A040] =	vst v63  }
0x3b: {  	_ =	swait.ge [sflag:s22], $0x1F40  }
0x3c: {  	[sflag:s22] =	ssyncset.done $0x0  }
0x3d: {  	s17 =	simm.s32 $0x2908;
	[sflag:s22] =	ssyncadd.s32 $0xFFFFE0C0  }
0x3e: {  	[spmem:s2] =	stream.indirect.scatter.add.f32 [tilespmem:s16], [sflag:$0x6], $0x50, s17, s13, $0xb8;
	[tilespmem:$0x1A040] =	vst v63  }
0x3f: {  	_ =	swait.ge [sflag:s23], $0x1F40  }
0x40: {  	[sflag:s23] =	ssyncset.done $0x0  }
0x41: {  	s19 =	simm.s32 $0x2970;
	[sflag:s23] =	ssyncadd.s32 $0xFFFFE0C0  }
0x42: {  	[spmem:s2] =	stream.indirect.scatter.add.f32 [tilespmem:s18], [sflag:$0x7], $0x50, s19, s13, $0xb8;
	[tilespmem:$0x1A040] =	vst v63  }
0x43: {  	_ =	swait.ge [sflag:s24], $0x1F40  }
0x44: {  	[sflag:s24] =	ssyncset.done $0x0  }
0x45: {  	s17 =	simm.s32 $0x29D8;
	[sflag:s24] =	ssyncadd.s32 $0xFFFFE0C0  }
0x46: {  	[spmem:s2] =	stream.indirect.scatter.add.f32 [tilespmem:s20], [sflag:$0x8], $0x50, s17, s13, $0xb8;
	[tilespmem:$0x1A040] =	vst v63  }
0x47: {  	_ =	swait.ge [sflag:s26], $0x1F40  }
0x48: {  	[sflag:s26] =	ssyncset.done $0x0  }
0x49: {  	s19 =	simm.s32 $0x1A0;
	[sflag:s26] =	ssyncadd.s32 $0xFFFFE0C0  }
0x4a: {  	[tilespmem:s14], [sflag:$0x1] =	stream.indirect.gather [hbm4b:s4+s13], $0x50, s19, s13, $0xb8;
	[tilespmem:$0x1A040] =	vst v63  }
0x4b: {  	_ =	swait.ge [sflag:s28], $0x1F40  }
0x4c: {  	[sflag:s28] =	ssyncset.done $0x0  }
0x4d: {  	s17 =	simm.s32 $0x208;
	[sflag:s28] =	ssyncadd.s32 $0xFFFFE0C0  }
0x4e: {  	[tilespmem:s16], [sflag:$0x2] =	stream.indirect.gather [hbm4b:s4+s13], $0x50, s17, s13, $0xb8;
	[tilespmem:$0x1A040] =	vst v63  }
0x4f: {  	_ =	swait.ge [sflag:s29], $0x1F40  }
0x50: {  	[sflag:s29] =	ssyncset.done $0x0  }
0x51: {  	s19 =	simm.s32 $0x270;
	[sflag:s29] =	ssyncadd.s32 $0xFFFFE0C0  }
0x52: {  	[tilespmem:s18], [sflag:$0x3] =	stream.indirect.gather [hbm4b:s4+s13], $0x50, s19, s13, $0xb8;
	[tilespmem:$0x1A040] =	vst v63  }
0x53: {  	_ =	swait.ge [sflag:s30], $0x1F40  }
0x54: {  	[sflag:s30] =	ssyncset.done $0x0  }
0x55: {  	s15 =	simm.s32 $0x680;
	s17 =	simm.s32 $0x2D8;
	[sflag:s30] =	ssyncadd.s32 $0xFFFFE0C0  }
.LBB2_6:
0x56: {  	[tilespmem:s20], [sflag:$0x4] =	stream.indirect.gather [hbm4b:s4+s13], $0x50, s17, s13, $0xb8;
	[tilespmem:$0x1A040] =	vst v63  }
0x57: {  	s17 =	smov.u32 s15  }
0x58: {  	p0 =	sne.s32 s15, $0x9580;
	s15 =	sadd.s32 $0x680, s15;
	_ =	swait.ge [sflag:s21], $0x1F40  }
0x59: {  	s17 =	sshra.s32 s17, $0x2;
	[sflag:s21] =	ssyncset.done $0x0  }
0x5a: {  	s19 =	sadd.s32 $0x28A0, s17;
	[sflag:s21] =	ssyncadd.s32 $0xFFFFE0C0  }
0x5b: {  	[spmem:s2] =	stream.indirect.scatter.add.f32 [tilespmem:s14], [sflag:$0x5], $0x50, s19, s13, $0xb8;
	[tilespmem:$0x1A040] =	vst v63  }
0x5c: {  	_ =	swait.ge [sflag:s22], $0x1F40  }
0x5d: {  	[sflag:s22] =	ssyncset.done $0x0  }
0x5e: {  	s19 =	sadd.s32 $0x2908, s17;
	[sflag:s22] =	ssyncadd.s32 $0xFFFFE0C0  }
0x5f: {  	[spmem:s2] =	stream.indirect.scatter.add.f32 [tilespmem:s16], [sflag:$0x6], $0x50, s19, s13, $0xb8;
	[tilespmem:$0x1A040] =	vst v63  }
0x60: {  	_ =	swait.ge [sflag:s23], $0x1F40  }
0x61: {  	[sflag:s23] =	ssyncset.done $0x0  }
0x62: {  	s19 =	sadd.s32 $0x2970, s17;
	[sflag:s23] =	ssyncadd.s32 $0xFFFFE0C0  }
0x63: {  	[spmem:s2] =	stream.indirect.scatter.add.f32 [tilespmem:s18], [sflag:$0x7], $0x50, s19, s13, $0xb8;
	[tilespmem:$0x1A040] =	vst v63  }
0x64: {  	_ =	swait.ge [sflag:s24], $0x1F40  }
0x65: {  	[sflag:s24] =	ssyncset.done $0x0  }
0x66: {  	s19 =	sadd.s32 $0x29D8, s17;
	[sflag:s24] =	ssyncadd.s32 $0xFFFFE0C0  }
0x67: {  	[spmem:s2] =	stream.indirect.scatter.add.f32 [tilespmem:s20], [sflag:$0x8], $0x50, s19, s13, $0xb8;
	[tilespmem:$0x1A040] =	vst v63  }
0x68: {  	_ =	swait.ge [sflag:s26], $0x1F40  }
0x69: {  	[sflag:s26] =	ssyncset.done $0x0  }
0x6a: {  	s19 =	sadd.s32 $0x1A0, s17;
	[sflag:s26] =	ssyncadd.s32 $0xFFFFE0C0  }
0x6b: {  	[tilespmem:s14], [sflag:$0x1] =	stream.indirect.gather [hbm4b:s4+s13], $0x50, s19, s13, $0xb8;
	[tilespmem:$0x1A040] =	vst v63  }
0x6c: {  	_ =	swait.ge [sflag:s28], $0x1F40  }
0x6d: {  	[sflag:s28] =	ssyncset.done $0x0  }
0x6e: {  	s19 =	sadd.s32 $0x208, s17;
	[sflag:s28] =	ssyncadd.s32 $0xFFFFE0C0  }
0x6f: {  	[tilespmem:s16], [sflag:$0x2] =	stream.indirect.gather [hbm4b:s4+s13], $0x50, s19, s13, $0xb8;
	[tilespmem:$0x1A040] =	vst v63  }
0x70: {  	_ =	swait.ge [sflag:s29], $0x1F40  }
0x71: {  	[sflag:s29] =	ssyncset.done $0x0  }
.Ltmp2:
0x72: {  	s19 =	sadd.s32 $0x270, s17;
	[sflag:s29] =	ssyncadd.s32 $0xFFFFE0C0;
	(pc) =	sbr.rel @p0 .LBB2_6-.Ltmp2, $4  }
0x73: {  	[tilespmem:s18], [sflag:$0x3] =	stream.indirect.gather [hbm4b:s4+s13], $0x50, s19, s13, $0xb8;
	[tilespmem:$0x1A040] =	vst v63  }
0x74: {  	_ =	swait.ge [sflag:s30], $0x1F40  }
0x75: {  	[sflag:s30] =	ssyncset.done $0x0  }
0x76: {  	s17 =	sadd.s32 $0x2D8, s17;
	[sflag:s30] =	ssyncadd.s32 $0xFFFFE0C0  }
0x77: {  	[tilespmem:s20], [sflag:$0x4] =	stream.indirect.gather [hbm4b:s4+s13], $0x50, s17, s13, $0xb8;
	[tilespmem:$0x1A040] =	vst v63  }
0x78: {  	_ =	swait.ge [sflag:s21], $0x1F40  }
0x79: {  	[sflag:s21] =	ssyncset.done $0x0  }
0x7a: {  	[sflag:s21] =	ssyncadd.s32 $0xFFFFE0C0  }
0x7b: {  	[spmem:s2] =	stream.indirect.scatter.add.f32 [tilespmem:s14], [sflag:$0x5], $0x50, s31, s13, $0xb8;
	[tilespmem:$0x1A040] =	vst v63  }
0x7c: {  	_ =	swait.ge [sflag:s22], $0x1F40  }
0x7d: {  	[sflag:s22] =	ssyncset.done $0x0  }
0x7e: {  	[sflag:s22] =	ssyncadd.s32 $0xFFFFE0C0  }
0x7f: {  	[spmem:s2] =	stream.indirect.scatter.add.f32 [tilespmem:s16], [sflag:$0x6], $0x50, s1, s13, $0xb8;
	[tilespmem:$0x1A040] =	vst v63  }
0x80: {  	_ =	swait.ge [sflag:s23], $0x1F40  }
0x81: {  	[sflag:s23] =	ssyncset.done $0x0  }
0x82: {  	[sflag:s23] =	ssyncadd.s32 $0xFFFFE0C0  }
0x83: {  	[spmem:s2] =	stream.indirect.scatter.add.f32 [tilespmem:s18], [sflag:$0x7], $0x50, s11, s13, $0xb8;
	[tilespmem:$0x1A040] =	vst v63  }
0x84: {  	_ =	swait.ge [sflag:s24], $0x1F40  }
0x85: {  	[sflag:s24] =	ssyncset.done $0x0  }
0x86: {  	[sflag:s24] =	ssyncadd.s32 $0xFFFFE0C0  }
0x87: {  	[spmem:s2] =	stream.indirect.scatter.add.f32 [tilespmem:s20], [sflag:$0x8], $0x50, s0, s13, $0xb8;
	[tilespmem:$0x1A040] =	vst v63  }
0x88: {  	_ =	swait.ge [sflag:s26], $0x1F40  }
0x89: {  	[sflag:s26] =	ssyncset.done $0x0  }
0x8a: {  	[sflag:s26] =	ssyncadd.s32 $0xFFFFE0C0  }
0x8b: {  	_ =	swait.ge [sflag:s28], $0x1F40  }
0x8c: {  	[sflag:s28] =	ssyncset.done $0x0  }
0x8d: {  	[sflag:s28] =	ssyncadd.s32 $0xFFFFE0C0  }
0x8e: {  	_ =	swait.ge [sflag:s29], $0x1F40  }
0x8f: {  	[sflag:s29] =	ssyncset.done $0x0  }
0x90: {  	[sflag:s29] =	ssyncadd.s32 $0xFFFFE0C0  }
0x91: {  	_ =	swait.ge [sflag:s30], $0x1F40  }
0x92: {  	s15 =	stileid.u32;
	s3 =	sadd.s32 $0x1, s3;
	[sflag:s30] =	ssyncset.done $0x0  }
0x93: {  	s15 =	sshll.u32 s15, $0x6;
	p0 =	sne.s32 s3, s8;
	[sflag:s30] =	ssyncadd.s32 $0xFFFFE0C0  }
.Ltmp3:
0x94: {  	s15 =	sor.u32 $0x1C09, s15;
	[bflag:$0x0] =	sbarrier.arrive $0xFFFF;
	(pc) =	sbr.rel @p0 .LBB2_1-.Ltmp3, $4  }
0x95: {  	[hbm:s7], [sflag:s15] =	dma.local [spmem:s25], $0x1900  }
0x96: {  	_ =	swait.ge [sflag:s10], $0x1900  }
0x97: {  	[sflag:s10] =	ssyncset.done $0x0  }
0x98: {  	[sflag:s10] =	ssyncadd.s32 $0xFFFFE700  }
0x99: {  	_ =	sfence.sel $0x180000  }
0x9a: {  	[bflag:$0x0] =	sbarrier.arrive $0xFFFF  }
0x9b: {  	_ =	strace $0x90000050  }
0x9c: {  	s0 =	stileid.u32;
	[bflag:$0x2] =	sbarrier.arrive $0xFFFF  }
0x9d: {  	p0 =	sne.s32 s0, $0x0;
	s0 =	rddreg [dreg:$0x2]  }
0x9e: {  	s0 =	sadd.s32 @!p0 $0x100000, s0  }
0x9f: {  	[sflag:s0] =	ssyncadd.tile.s32 @!p0 $0x1;
	_ =	shalt  }
.Lfunc_end2:
_tile_overlayer_lowered:
.L_overlay_start_2:
0xa0: {  	(tag) =	ssettag $0x2  }
0xa1: {  	s0 =	rddreg [dreg:$0x0];
	s2 =	stileid.u32  }
0xa2: {  	s1 =	rddreg [dreg:$0x1];
	p0 =	sne.s32 s2, $0x0  }
0xa3: {  	s3 =	rddreg [dreg:$0x2];
	[bflag:$0x3] =	sbarrier.arrive $0xFFFF;
	s2 =	simm.s32 @!p0 $0x1C09  }
0xa4: {  	[timem:s3], [sflag:s2] =	dma.local @!p0 [hbm:s0], s1  }
0xa5: {  	s0 =	simm.s32 @!p0 $0x9  }
0xa6: {  	_ =	swait.ge @!p0 [sflag:s0], s1  }
0xa7: {  	s1 =	ssub.s32 @!p0 $0x0, s1;
	[sflag:s0] =	ssyncset.done @!p0 $0x0  }
0xa8: {  	[sflag:s0] =	ssyncadd.s32 @!p0 s1  }
0xa9: {  	[bflag:$0x3] =	sbarrier.arrive $0xFFFF  }
0xaa: {  	_ =	shalt  }

</sc_bundles>
